<compile_context>
chip_gen: v7x
topology: tpu7x:2x2x1
jax: 0.10.2.dev20260603
libtpu: 0.0.44.dev20260713+nightly
codegen_flags: <defaults>
</compile_context>

<pallas_src>
import functools

import jax
import jax.numpy as jnp
from jax import lax
from jax.experimental import pallas as pl
from jax.experimental.pallas import tpu as pltpu
from jax.experimental.pallas import tpu_sc as plsc

LANES = 16
NC = 2
NS = 16
NW = NC * NS
N_, C_, H_, W_ = 4, 96, 224, 224
ROWS = N_ * C_
ROWS_PER_W = ROWS // NW
BH = 112
BLOCKS_PER_SLAB = H_ // BH
NBLOCK = ROWS_PER_W * BLOCKS_PER_SLAB
WREGS = W_ // LANES
TAB = 64

_mesh = plsc.VectorSubcoreMesh(core_axis_name="c", subcore_axis_name="s")


@functools.partial(
    pl.kernel,
    mesh=_mesh,
    compiler_params=pltpu.CompilerParams(
        needs_layout_passes=False, use_tc_tiling_on_sc=True
    ),
    out_type=jax.ShapeDtypeStruct((ROWS, H_, W_), jnp.float32),
    scratch_types=[
        pltpu.VMEM((C_ * TAB,), jnp.float32),
        pltpu.VMEM((C_ * TAB,), jnp.float32),
        pltpu.VMEM((LANES,), jnp.float32),
        pltpu.VMEM((BH, W_), jnp.float32),
        pltpu.VMEM((BH, W_), jnp.float32),
        pltpu.VMEM((BH, W_), jnp.float32),
        pltpu.VMEM((BH, W_), jnp.float32),
        pltpu.SemaphoreType.DMA,
        pltpu.SemaphoreType.DMA,
        pltpu.SemaphoreType.DMA,
        pltpu.SemaphoreType.DMA,
    ],
)
def _sc_pwl(x_hbm, a_hbm, b_hbm, prm_hbm, out_hbm,
            a_v, b_v, prm_v, in0, in1, out0, out1,
            si0, si1, so0, so1):
    cid = lax.axis_index("c")
    sid = lax.axis_index("s")
    wid = sid * NC + cid
    slab0 = wid * ROWS_PER_W

    in_bufs = (in0, in1)
    out_bufs = (out0, out1)
    in_sems = (si0, si1)
    out_sems = (so0, so1)

    def start_in(j, b):
        slab = slab0 + j // BLOCKS_PER_SLAB
        h0 = (j % BLOCKS_PER_SLAB) * BH
        return pltpu.async_copy(
            x_hbm.at[slab, pl.ds(h0, BH), :], in_bufs[b], in_sems[b])

    def wait_in(b):
        pltpu.make_async_copy(
            x_hbm.at[0, pl.ds(0, BH), :], in_bufs[b], in_sems[b]).wait()

    def start_out(j, b):
        slab = slab0 + j // BLOCKS_PER_SLAB
        h0 = (j % BLOCKS_PER_SLAB) * BH
        return pltpu.async_copy(
            out_bufs[b], out_hbm.at[slab, pl.ds(h0, BH), :], out_sems[b])

    def wait_out(b):
        pltpu.make_async_copy(
            out_bufs[b], out_hbm.at[0, pl.ds(0, BH), :], out_sems[b]).wait()

    start_in(0, 0)
    start_in(1, 1)
    pltpu.sync_copy(a_hbm, a_v)
    pltpu.sync_copy(b_hbm, b_v)
    pltpu.sync_copy(prm_hbm, prm_v)
    pv = prm_v[pl.ds(0, LANES)]
    inv_step = pv[0]
    toff = pv[1]

    def pair_body(jj, carry):
        for b in range(2):
            j = jj * 2 + b
            in_buf = in_bufs[b]
            out_buf = out_bufs[b]

            slab = slab0 + j // BLOCKS_PER_SLAB
            clo = lax.rem(slab, C_) * TAB
            chi = clo + (TAB - 1)
            boff = toff + (clo + 1).astype(jnp.float32)

            wait_in(b)

            @pl.when(jj > 0)
            def _():
                wait_out(b)

            @plsc.parallel_loop(0, BH, 1, unroll=1)
            def _(h):
                for w in range(WREGS):
                    x = in_buf[h, pl.ds(w * LANES, LANES)]
                    t = x * inv_step + boff
                    ti = t.astype(jnp.int32)
                    ki = jnp.clip(ti, clo, chi)
                    a = plsc.load_gather(a_v, [ki])
                    bb = plsc.load_gather(b_v, [ki])
                    out_buf[h, pl.ds(w * LANES, LANES)] = a * x + bb

            start_out(j, b)

            @pl.when(j + 2 < NBLOCK)
            def _():
                start_in(j + 2, b)

        return carry

    lax.fori_loop(0, NBLOCK // 2, pair_body, 0)
    wait_out(0)
    wait_out(1)


def kernel(input, ps, qs):
    qs = qs.astype(jnp.float32)
    ps = ps.astype(jnp.float32)
    step = ps[1] - ps[0]
    inv_step = 1.0 / step
    s_mid = (qs[1:] - qs[:-1]) * inv_step
    b_mid = qs[:-1] - s_mid * ps[:-1, None]
    ones = jnp.ones((1, C_), jnp.float32)
    a_tab = jnp.concatenate([ones, s_mid, ones], axis=0)
    b_tab = jnp.concatenate(
        [(qs[0] - ps[0])[None, :], b_mid, (qs[-1] - ps[-1])[None, :]], axis=0
    )
    a_flat = a_tab.T.reshape(-1)
    b_flat = b_tab.T.reshape(-1)
    prm = jnp.zeros((LANES,), jnp.float32)
    prm = prm.at[0].set(inv_step).at[1].set(-ps[0] * inv_step)

    out3 = _sc_pwl(input.reshape(ROWS, H_, W_), a_flat, b_flat, prm)
    return out3.reshape(input.shape)

# --- scband reference (transcript-rebuilt; emitter-appended) ---
"""Pipeline reference for scband-non-linear-58557584114181 (READ-ONLY COPY).

The authoritative reference and input builder live on the scoring server;
editing this copy changes nothing except your own understanding.
"""

import jax, jax.numpy as jnp
import numpy as np

P = 63
C = 96

def setup_inputs(seed: int = 0) -> dict:
    key = jax.random.key(seed)
    k1, k2 = jax.random.split(key)
    inp = jax.random.normal(k1, (4, C, 224, 224), dtype=jnp.float32)
    ps = jnp.linspace(-5.0, 5.0, P, dtype=jnp.float32)
    qs = 0.05 * jax.random.normal(k2, (P, C), dtype=jnp.float32)
    return {"input": inp, "ps": ps, "qs": qs}

def _shrink_piecewise(r, ps, qs):
    # r: [N, C, H, W]; ps: [P]; qs: [P, C]
    nP = ps.shape[0]
    nC = qs.shape[1]
    step = ps[1] - ps[0]
    # bucket index, detached (computed under no_grad in the torch original)
    k = jax.lax.stop_gradient(jnp.floor((r - ps[0]) / step))
    idxmin = (k < 0.0).astype(r.dtype)
    idxmax = (k >= (nP - 1.0)).astype(r.dtype)
    idxmid = 1.0 - idxmin - idxmax
    k = (idxmid * k).astype(jnp.int32)  # out-of-range buckets clamped to 0
    c_idx = jnp.arange(nC)[None, :, None, None]
    # left tail: linear extension from first knot
    out = idxmin * (r - ps[0] + qs[0][None, :, None, None])
    # right tail: linear extension from last knot
    out = out + idxmax * (r - ps[-1] + qs[-1][None, :, None, None])
    # middle: piecewise-linear interpolation via gathers on qs and ps
    qk = idxmid * qs[k, c_idx]
    qkp1 = idxmid * qs[k + 1, c_idx]
    pk = idxmid * ps[k]
    out = out + (qkp1 - qk) / step * (idxmid * r - pk) + qk
    return out

def reference(input, ps, qs):
    return _shrink_piecewise(input, ps, qs)

if __name__ == "__main__":
    import jax
    _d = setup_inputs()
    print(jax.jit(kernel)(*tuple(_d.values())))

</pallas_src>

<mosaic_0001>
#map = affine_map<(d0, d1) -> (0, 0, 0)>
#map1 = affine_map<(d0, d1) -> (0)>
module attributes {stable_mosaic.version = 14 : i64} {
  func.func @_sc_pwl(%arg0: i32, %arg1: i32, %arg2: memref<384x224x224xf32, #tpu.memory_space<hbm>>, %arg3: memref<6144xf32, #tpu.memory_space<hbm>>, %arg4: memref<6144xf32, #tpu.memory_space<hbm>>, %arg5: memref<16xf32, #tpu.memory_space<hbm>>, %arg6: memref<384x224x224xf32, #tpu.memory_space<hbm>>, %arg7: memref<6144xf32, #tpu.memory_space<vmem>>, %arg8: memref<6144xf32, #tpu.memory_space<vmem>>, %arg9: memref<16xf32, #tpu.memory_space<vmem>>, %arg10: memref<112x224xf32, #tpu.memory_space<vmem>>, %arg11: memref<112x224xf32, #tpu.memory_space<vmem>>, %arg12: memref<112x224xf32, #tpu.memory_space<vmem>>, %arg13: memref<112x224xf32, #tpu.memory_space<vmem>>, %arg14: memref<!tpu.dma_semaphore, #tpu.memory_space<semaphore_mem>>, %arg15: memref<!tpu.dma_semaphore, #tpu.memory_space<semaphore_mem>>, %arg16: memref<!tpu.dma_semaphore, #tpu.memory_space<semaphore_mem>>, %arg17: memref<!tpu.dma_semaphore, #tpu.memory_space<semaphore_mem>>) attributes {dimension_semantics = [#tpu.dimension_semantics<core_parallel>, #tpu.dimension_semantics<subcore_parallel>], iteration_bounds = array<i64: 2, 16>, scalar_prefetch = 0 : i64, scratch_operands = 11 : i64, tpu.core_type = #tpu.core_type<sc_vector_subcore>, window_params = [{transform_indices = #map}, {transform_indices = #map1}, {transform_indices = #map1}, {transform_indices = #map1}, {transform_indices = #map}]} {
    %mul3A = arith.constant 2 : i32
    %mul3A_0 = arith.muli %arg1, %mul3A : i32
    %add3A = arith.addi %mul3A_0, %arg0 : i32
    %mul3A_1 = arith.constant 12 : i32
    %mul3A_2 = arith.muli %add3A, %mul3A_1 : i32
    %add3A_3 = arith.constant 0 : i32
    %add3A_4 = arith.addi %mul3A_2, %add3A_3 : i32
    %dma_start3A = arith.constant 0 : i32
    %dma_start3A_5 = arith.constant 0 : i32
    %dma_start3A_6 = tpu.memref_slice %arg2[%add3A_4, %dma_start3A, %dma_start3A_5] : memref<384x224x224xf32, #tpu.memory_space<hbm>> -> memref<1x112x224xf32, #tpu.memory_space<hbm>>
    %dma_start3A_7 = tpu.memref_squeeze %dma_start3A_6 : memref<1x112x224xf32, #tpu.memory_space<hbm>> -> memref<112x224xf32, #tpu.memory_space<hbm>>
    %dma_start3A_8 = arith.constant 0 : i32
    %dma_start3A_9 = arith.constant 0 : i32
    %dma_start3A_10 = tpu.memref_slice %arg2[%add3A_4, %dma_start3A_8, %dma_start3A_9] : memref<384x224x224xf32, #tpu.memory_space<hbm>> -> memref<1x112x224xf32, #tpu.memory_space<hbm>>
    %dma_start3A_11 = tpu.memref_squeeze %dma_start3A_10 : memref<1x112x224xf32, #tpu.memory_space<hbm>> -> memref<112x224xf32, #tpu.memory_space<hbm>>
    tpu.enqueue_dma source(%dma_start3A_11 : memref<112x224xf32, #tpu.memory_space<hbm>>) target(%arg10 : memref<112x224xf32, #tpu.memory_space<vmem>>) target_semaphore(%arg14 : memref<!tpu.dma_semaphore, #tpu.memory_space<semaphore_mem>>)
    %add3A_12 = arith.constant 0 : i32
    %add3A_13 = arith.addi %mul3A_2, %add3A_12 : i32
    %dma_start3A_14 = arith.constant 112 : i32
    %dma_start3A_15 = arith.constant 0 : i32
    %dma_start3A_16 = tpu.memref_slice %arg2[%add3A_13, %dma_start3A_14, %dma_start3A_15] : memref<384x224x224xf32, #tpu.memory_space<hbm>> -> memref<1x112x224xf32, #tpu.memory_space<hbm>>
    %dma_start3A_17 = tpu.memref_squeeze %dma_start3A_16 : memref<1x112x224xf32, #tpu.memory_space<hbm>> -> memref<112x224xf32, #tpu.memory_space<hbm>>
    %dma_start3A_18 = arith.constant 112 : i32
    %dma_start3A_19 = arith.constant 0 : i32
    %dma_start3A_20 = tpu.memref_slice %arg2[%add3A_13, %dma_start3A_18, %dma_start3A_19] : memref<384x224x224xf32, #tpu.memory_space<hbm>> -> memref<1x112x224xf32, #tpu.memory_space<hbm>>
    %dma_start3A_21 = tpu.memref_squeeze %dma_start3A_20 : memref<1x112x224xf32, #tpu.memory_space<hbm>> -> memref<112x224xf32, #tpu.memory_space<hbm>>
    tpu.enqueue_dma source(%dma_start3A_21 : memref<112x224xf32, #tpu.memory_space<hbm>>) target(%arg11 : memref<112x224xf32, #tpu.memory_space<vmem>>) target_semaphore(%arg15 : memref<!tpu.dma_semaphore, #tpu.memory_space<semaphore_mem>>)
    "tpu.region"() ({
      %run_scoped3A = tpu.sem_alloc : memref<!tpu.dma_semaphore, #tpu.memory_space<semaphore_mem>>
      tpu.enqueue_dma source(%arg3 : memref<6144xf32, #tpu.memory_space<hbm>>) target(%arg7 : memref<6144xf32, #tpu.memory_space<vmem>>) target_semaphore(%run_scoped3A : memref<!tpu.dma_semaphore, #tpu.memory_space<semaphore_mem>>)
      tpu.wait_dma2 semaphore(%run_scoped3A : memref<!tpu.dma_semaphore, #tpu.memory_space<semaphore_mem>>) src(%arg3 : memref<6144xf32, #tpu.memory_space<hbm>>) dst(%arg7 : memref<6144xf32, #tpu.memory_space<vmem>>)
      tpu.yield
    }) : () -> ()
    "tpu.region"() ({
      %run_scoped3A = tpu.sem_alloc : memref<!tpu.dma_semaphore, #tpu.memory_space<semaphore_mem>>
      tpu.enqueue_dma source(%arg4 : memref<6144xf32, #tpu.memory_space<hbm>>) target(%arg8 : memref<6144xf32, #tpu.memory_space<vmem>>) target_semaphore(%run_scoped3A : memref<!tpu.dma_semaphore, #tpu.memory_space<semaphore_mem>>)
      tpu.wait_dma2 semaphore(%run_scoped3A : memref<!tpu.dma_semaphore, #tpu.memory_space<semaphore_mem>>) src(%arg4 : memref<6144xf32, #tpu.memory_space<hbm>>) dst(%arg8 : memref<6144xf32, #tpu.memory_space<vmem>>)
      tpu.yield
    }) : () -> ()
    "tpu.region"() ({
      %run_scoped3A = tpu.sem_alloc : memref<!tpu.dma_semaphore, #tpu.memory_space<semaphore_mem>>
      tpu.enqueue_dma source(%arg5 : memref<16xf32, #tpu.memory_space<hbm>>) target(%arg9 : memref<16xf32, #tpu.memory_space<vmem>>) target_semaphore(%run_scoped3A : memref<!tpu.dma_semaphore, #tpu.memory_space<semaphore_mem>>)
      tpu.wait_dma2 semaphore(%run_scoped3A : memref<!tpu.dma_semaphore, #tpu.memory_space<semaphore_mem>>) src(%arg5 : memref<16xf32, #tpu.memory_space<hbm>>) dst(%arg9 : memref<16xf32, #tpu.memory_space<vmem>>)
      tpu.yield
    }) : () -> ()
    %get3A = arith.constant 0 : index
    %get3A_22 = tpu.vector_load %arg9[%get3A] {strides = array<i32>} : memref<16xf32, #tpu.memory_space<vmem>>, vector<16xf32>,
    %slice3A = vector.extract_strided_slice %get3A_22 {offsets = [0], sizes = [1], strides = [1]} : vector<16xf32> to vector<1xf32>
    %squeeze3A = vector.extract %slice3A[0] : f32 from vector<1xf32>
    %slice3A_23 = vector.extract_strided_slice %get3A_22 {offsets = [1], sizes = [1], strides = [1]} : vector<16xf32> to vector<1xf32>
    %squeeze3A_24 = vector.extract %slice3A_23[0] : f32 from vector<1xf32>
    %scan3A = arith.constant 0 : i32
    %scan3A_25 = arith.constant 0 : i32
    %scan3A_26 = arith.constant 12 : i32
    %scan3A_27 = arith.addi %scan3A_25, %scan3A_26 : i32
    %scan3A_28 = arith.constant 1 : i32
    scf.for %scan3A_47 = %scan3A_25 to %scan3A_27 step %scan3A_28  : i32 {
      %mul3A_48 = arith.constant 2 : i32
      %mul3A_49 = arith.muli %scan3A_47, %mul3A_48 : i32
      %add3A_50 = arith.constant 0 : i32
      %add3A_51 = arith.addi %mul3A_49, %add3A_50 : i32
      %jit3A = arith.constant 2 : i32
      %div3A = arith.divsi %add3A_51, %jit3A : i32
      %sign3A = arith.constant 0 : i32
      %sign3A_52 = arith.cmpi sgt, %add3A_51, %sign3A : i32
      %sign3A_53 = arith.extui %sign3A_52 : i1 to i32
      %sign3A_54 = arith.constant 0 : i32
      %sign3A_55 = arith.cmpi slt, %add3A_51, %sign3A_54 : i32
      %sign3A_56 = arith.extui %sign3A_55 : i1 to i32
      %sign3A_57 = arith.subi %sign3A_53, %sign3A_56 : i32
      %sign3A_58 = arith.constant 0 : i32
      %sign3A_59 = arith.cmpi sgt, %jit3A, %sign3A_58 : i32
      %sign3A_60 = arith.extui %sign3A_59 : i1 to i32
      %sign3A_61 = arith.constant 0 : i32
      %sign3A_62 = arith.cmpi slt, %jit3A, %sign3A_61 : i32
      %sign3A_63 = arith.extui %sign3A_62 : i1 to i32
      %sign3A_64 = arith.subi %sign3A_60, %sign3A_63 : i32
      %ne3A = arith.cmpi ne, %sign3A_57, %sign3A_64 : i32
      %rem3A = arith.remsi %add3A_51, %jit3A : i32
      %ne3A_65 = arith.constant 0 : i32
      %ne3A_66 = arith.cmpi ne, %rem3A, %ne3A_65 : i32
      %and3A = arith.andi %ne3A, %ne3A_66 : i1
      %sub3A = arith.constant 1 : i32
      %sub3A_67 = arith.subi %div3A, %sub3A : i32
      %select_n3A = arith.select %and3A, %sub3A_67, %div3A : i32
      %add3A_68 = arith.addi %mul3A_2, %select_n3A : i32
      %rem3A_69 = arith.constant 96 : i32
      %rem3A_70 = arith.remsi %add3A_68, %rem3A_69 : i32
      %mul3A_71 = arith.constant 64 : i32
      %mul3A_72 = arith.muli %rem3A_70, %mul3A_71 : i32
      %add3A_73 = arith.constant 63 : i32
      %add3A_74 = arith.addi %mul3A_72, %add3A_73 : i32
      %add3A_75 = arith.constant 1 : i32
      %add3A_76 = arith.addi %mul3A_72, %add3A_75 : i32
      %convert_element_type3A = arith.sitofp %add3A_76 : i32 to f32
      %add3A_77 = arith.addf %squeeze3A_24, %convert_element_type3A : f32
      %dma_wait3A_78 = arith.constant 0 : i32
      %dma_wait3A_79 = arith.constant 0 : i32
      %dma_wait3A_80 = arith.constant 0 : i32
      %dma_wait3A_81 = tpu.memref_slice %arg2[%dma_wait3A_78, %dma_wait3A_79, %dma_wait3A_80] : memref<384x224x224xf32, #tpu.memory_space<hbm>> -> memref<1x112x224xf32, #tpu.memory_space<hbm>>
      %dma_wait3A_82 = tpu.memref_squeeze %dma_wait3A_81 : memref<1x112x224xf32, #tpu.memory_space<hbm>> -> memref<112x224xf32, #tpu.memory_space<hbm>>
      %dma_wait3A_83 = arith.constant 0 : i32
      %dma_wait3A_84 = arith.constant 0 : i32
      %dma_wait3A_85 = tpu.memref_slice %arg2[%dma_wait3A_78, %dma_wait3A_83, %dma_wait3A_84] : memref<384x224x224xf32, #tpu.memory_space<hbm>> -> memref<1x112x224xf32, #tpu.memory_space<hbm>>
      %dma_wait3A_86 = tpu.memref_squeeze %dma_wait3A_85 : memref<1x112x224xf32, #tpu.memory_space<hbm>> -> memref<112x224xf32, #tpu.memory_space<hbm>>
      tpu.wait_dma2 semaphore(%arg14 : memref<!tpu.dma_semaphore, #tpu.memory_space<semaphore_mem>>) src(%dma_wait3A_86 : memref<112x224xf32, #tpu.memory_space<hbm>>) dst(%arg10 : memref<112x224xf32, #tpu.memory_space<vmem>>)
      %gt3A = arith.constant 0 : i32
      %gt3A_87 = arith.cmpi sgt, %scan3A_47, %gt3A : i32
      %convert_element_type3A_88 = arith.extui %gt3A_87 : i1 to i32
      %cond3A = arith.constant 0 : i32
      %cond3A_89 = arith.cmpi ne, %convert_element_type3A_88, %cond3A : i32
      scf.if %cond3A_89 {
        %dma_wait3A_258 = arith.constant 0 : i32
        %dma_wait3A_259 = arith.constant 0 : i32
        %dma_wait3A_260 = arith.constant 0 : i32
        %dma_wait3A_261 = tpu.memref_slice %arg6[%dma_wait3A_258, %dma_wait3A_259, %dma_wait3A_260] : memref<384x224x224xf32, #tpu.memory_space<hbm>> -> memref<1x112x224xf32, #tpu.memory_space<hbm>>
        %dma_wait3A_262 = tpu.memref_squeeze %dma_wait3A_261 : memref<1x112x224xf32, #tpu.memory_space<hbm>> -> memref<112x224xf32, #tpu.memory_space<hbm>>
        %dma_wait3A_263 = arith.constant 0 : i32
        %dma_wait3A_264 = arith.constant 0 : i32
        %dma_wait3A_265 = tpu.memref_slice %arg6[%dma_wait3A_258, %dma_wait3A_263, %dma_wait3A_264] : memref<384x224x224xf32, #tpu.memory_space<hbm>> -> memref<1x112x224xf32, #tpu.memory_space<hbm>>
        %dma_wait3A_266 = tpu.memref_squeeze %dma_wait3A_265 : memref<1x112x224xf32, #tpu.memory_space<hbm>> -> memref<112x224xf32, #tpu.memory_space<hbm>>
        tpu.wait_dma2 semaphore(%arg16 : memref<!tpu.dma_semaphore, #tpu.memory_space<semaphore_mem>>) src(%arg12 : memref<112x224xf32, #tpu.memory_space<vmem>>) dst(%dma_wait3A_266 : memref<112x224xf32, #tpu.memory_space<hbm>>)
      } else {
      }
      %parallel_loop3A = arith.constant 0 : i32
      %parallel_loop3A_90 = arith.constant 112 : i32
      %parallel_loop3A_91 = arith.constant 1 : i32
      scf.for %parallel_loop3A_258 = %parallel_loop3A to %parallel_loop3A_90 step %parallel_loop3A_91  : i32 {
        %parallel_loop3A_259 = arith.index_cast %parallel_loop3A_258 : i32 to index
        %parallel_loop3A_260 = arith.constant 0 : index
        %parallel_loop3A_261 = tpu.vector_load %arg10[%parallel_loop3A_259, %parallel_loop3A_260] {strides = array<i32>} : memref<112x224xf32, #tpu.memory_space<vmem>>, vector<16xf32>,
        %parallel_loop3A_262 = vector.broadcast %squeeze3A : f32 to vector<16xf32>
        %parallel_loop3A_263 = arith.mulf %parallel_loop3A_261, %parallel_loop3A_262 : vector<16xf32>
        %parallel_loop3A_264 = vector.broadcast %add3A_77 : f32 to vector<16xf32>
        %parallel_loop3A_265 = arith.addf %parallel_loop3A_263, %parallel_loop3A_264 : vector<16xf32>
        %parallel_loop3A_266 = arith.fptosi %parallel_loop3A_265 : vector<16xf32> to vector<16xi32>
        %parallel_loop3A_267 = vector.broadcast %mul3A_72 : i32 to vector<16xi32>
        %parallel_loop3A_268 = arith.maxsi %parallel_loop3A_267, %parallel_loop3A_266 : vector<16xi32>
        %parallel_loop3A_269 = vector.broadcast %add3A_74 : i32 to vector<16xi32>
        %parallel_loop3A_270 = arith.minsi %parallel_loop3A_269, %parallel_loop3A_268 : vector<16xi32>
        %parallel_loop3A_271 = tpu.vector_load_idx %arg7[%parallel_loop3A_270] : memref<6144xf32, #tpu.memory_space<vmem>>[vector<16xi32>], vector<16xf32>,
        %parallel_loop3A_272 = tpu.vector_load_idx %arg8[%parallel_loop3A_270] : memref<6144xf32, #tpu.memory_space<vmem>>[vector<16xi32>], vector<16xf32>,
        %parallel_loop3A_273 = arith.mulf %parallel_loop3A_271, %parallel_loop3A_261 : vector<16xf32>
        %parallel_loop3A_274 = arith.addf %parallel_loop3A_273, %parallel_loop3A_272 : vector<16xf32>
        %parallel_loop3A_275 = arith.index_cast %parallel_loop3A_258 : i32 to index
        %parallel_loop3A_276 = arith.constant 0 : index
        %parallel_loop3A_277 = tpu.vector_load %arg12[%parallel_loop3A_275, %parallel_loop3A_276] {strides = array<i32>} : memref<112x224xf32, #tpu.memory_space<vmem>>, vector<16xf32>,
        tpu.vector_store %arg12[%parallel_loop3A_275, %parallel_loop3A_276], %parallel_loop3A_274 {strides = array<i32>} : memref<112x224xf32, #tpu.memory_space<vmem>>, vector<16xf32>,
        %parallel_loop3A_278 = arith.index_cast %parallel_loop3A_258 : i32 to index
        %parallel_loop3A_279 = arith.constant 16 : index
        %parallel_loop3A_280 = tpu.vector_load %arg10[%parallel_loop3A_278, %parallel_loop3A_279] {strides = array<i32>} : memref<112x224xf32, #tpu.memory_space<vmem>>, vector<16xf32>,
        %parallel_loop3A_281 = vector.broadcast %squeeze3A : f32 to vector<16xf32>
        %parallel_loop3A_282 = arith.mulf %parallel_loop3A_280, %parallel_loop3A_281 : vector<16xf32>
        %parallel_loop3A_283 = vector.broadcast %add3A_77 : f32 to vector<16xf32>
        %parallel_loop3A_284 = arith.addf %parallel_loop3A_282, %parallel_loop3A_283 : vector<16xf32>
        %parallel_loop3A_285 = arith.fptosi %parallel_loop3A_284 : vector<16xf32> to vector<16xi32>
        %parallel_loop3A_286 = vector.broadcast %mul3A_72 : i32 to vector<16xi32>
        %parallel_loop3A_287 = arith.maxsi %parallel_loop3A_286, %parallel_loop3A_285 : vector<16xi32>
        %parallel_loop3A_288 = vector.broadcast %add3A_74 : i32 to vector<16xi32>
        %parallel_loop3A_289 = arith.minsi %parallel_loop3A_288, %parallel_loop3A_287 : vector<16xi32>
        %parallel_loop3A_290 = tpu.vector_load_idx %arg7[%parallel_loop3A_289] : memref<6144xf32, #tpu.memory_space<vmem>>[vector<16xi32>], vector<16xf32>,
        %parallel_loop3A_291 = tpu.vector_load_idx %arg8[%parallel_loop3A_289] : memref<6144xf32, #tpu.memory_space<vmem>>[vector<16xi32>], vector<16xf32>,
        %parallel_loop3A_292 = arith.mulf %parallel_loop3A_290, %parallel_loop3A_280 : vector<16xf32>
        %parallel_loop3A_293 = arith.addf %parallel_loop3A_292, %parallel_loop3A_291 : vector<16xf32>
        %parallel_loop3A_294 = arith.index_cast %parallel_loop3A_258 : i32 to index
        %parallel_loop3A_295 = arith.constant 16 : index
        %parallel_loop3A_296 = tpu.vector_load %arg12[%parallel_loop3A_294, %parallel_loop3A_295] {strides = array<i32>} : memref<112x224xf32, #tpu.memory_space<vmem>>, vector<16xf32>,
        tpu.vector_store %arg12[%parallel_loop3A_294, %parallel_loop3A_295], %parallel_loop3A_293 {strides = array<i32>} : memref<112x224xf32, #tpu.memory_space<vmem>>, vector<16xf32>,
        %parallel_loop3A_297 = arith.index_cast %parallel_loop3A_258 : i32 to index
        %parallel_loop3A_298 = arith.constant 32 : index
        %parallel_loop3A_299 = tpu.vector_load %arg10[%parallel_loop3A_297, %parallel_loop3A_298] {strides = array<i32>} : memref<112x224xf32, #tpu.memory_space<vmem>>, vector<16xf32>,
        %parallel_loop3A_300 = vector.broadcast %squeeze3A : f32 to vector<16xf32>
        %parallel_loop3A_301 = arith.mulf %parallel_loop3A_299, %parallel_loop3A_300 : vector<16xf32>
        %parallel_loop3A_302 = vector.broadcast %add3A_77 : f32 to vector<16xf32>
        %parallel_loop3A_303 = arith.addf %parallel_loop3A_301, %parallel_loop3A_302 : vector<16xf32>
        %parallel_loop3A_304 = arith.fptosi %parallel_loop3A_303 : vector<16xf32> to vector<16xi32>
        %parallel_loop3A_305 = vector.broadcast %mul3A_72 : i32 to vector<16xi32>
        %parallel_loop3A_306 = arith.maxsi %parallel_loop3A_305, %parallel_loop3A_304 : vector<16xi32>
        %parallel_loop3A_307 = vector.broadcast %add3A_74 : i32 to vector<16xi32>
        %parallel_loop3A_308 = arith.minsi %parallel_loop3A_307, %parallel_loop3A_306 : vector<16xi32>
        %parallel_loop3A_309 = tpu.vector_load_idx %arg7[%parallel_loop3A_308] : memref<6144xf32, #tpu.memory_space<vmem>>[vector<16xi32>], vector<16xf32>,
        %parallel_loop3A_310 = tpu.vector_load_idx %arg8[%parallel_loop3A_308] : memref<6144xf32, #tpu.memory_space<vmem>>[vector<16xi32>], vector<16xf32>,
        %parallel_loop3A_311 = arith.mulf %parallel_loop3A_309, %parallel_loop3A_299 : vector<16xf32>
        %parallel_loop3A_312 = arith.addf %parallel_loop3A_311, %parallel_loop3A_310 : vector<16xf32>
        %parallel_loop3A_313 = arith.index_cast %parallel_loop3A_258 : i32 to index
        %parallel_loop3A_314 = arith.constant 32 : index
        %parallel_loop3A_315 = tpu.vector_load %arg12[%parallel_loop3A_313, %parallel_loop3A_314] {strides = array<i32>} : memref<112x224xf32, #tpu.memory_space<vmem>>, vector<16xf32>,
        tpu.vector_store %arg12[%parallel_loop3A_313, %parallel_loop3A_314], %parallel_loop3A_312 {strides = array<i32>} : memref<112x224xf32, #tpu.memory_space<vmem>>, vector<16xf32>,
        %parallel_loop3A_316 = arith.index_cast %parallel_loop3A_258 : i32 to index
        %parallel_loop3A_317 = arith.constant 48 : index
        %parallel_loop3A_318 = tpu.vector_load %arg10[%parallel_loop3A_316, %parallel_loop3A_317] {strides = array<i32>} : memref<112x224xf32, #tpu.memory_space<vmem>>, vector<16xf32>,
        %parallel_loop3A_319 = vector.broadcast %squeeze3A : f32 to vector<16xf32>
        %parallel_loop3A_320 = arith.mulf %parallel_loop3A_318, %parallel_loop3A_319 : vector<16xf32>
        %parallel_loop3A_321 = vector.broadcast %add3A_77 : f32 to vector<16xf32>
        %parallel_loop3A_322 = arith.addf %parallel_loop3A_320, %parallel_loop3A_321 : vector<16xf32>
        %parallel_loop3A_323 = arith.fptosi %parallel_loop3A_322 : vector<16xf32> to vector<16xi32>
        %parallel_loop3A_324 = vector.broadcast %mul3A_72 : i32 to vector<16xi32>
        %parallel_loop3A_325 = arith.maxsi %parallel_loop3A_324, %parallel_loop3A_323 : vector<16xi32>
        %parallel_loop3A_326 = vector.broadcast %add3A_74 : i32 to vector<16xi32>
        %parallel_loop3A_327 = arith.minsi %parallel_loop3A_326, %parallel_loop3A_325 : vector<16xi32>
        %parallel_loop3A_328 = tpu.vector_load_idx %arg7[%parallel_loop3A_327] : memref<6144xf32, #tpu.memory_space<vmem>>[vector<16xi32>], vector<16xf32>,
        %parallel_loop3A_329 = tpu.vector_load_idx %arg8[%parallel_loop3A_327] : memref<6144xf32, #tpu.memory_space<vmem>>[vector<16xi32>], vector<16xf32>,
        %parallel_loop3A_330 = arith.mulf %parallel_loop3A_328, %parallel_loop3A_318 : vector<16xf32>
        %parallel_loop3A_331 = arith.addf %parallel_loop3A_330, %parallel_loop3A_329 : vector<16xf32>
        %parallel_loop3A_332 = arith.index_cast %parallel_loop3A_258 : i32 to index
        %parallel_loop3A_333 = arith.constant 48 : index
        %parallel_loop3A_334 = tpu.vector_load %arg12[%parallel_loop3A_332, %parallel_loop3A_333] {strides = array<i32>} : memref<112x224xf32, #tpu.memory_space<vmem>>, vector<16xf32>,
        tpu.vector_store %arg12[%parallel_loop3A_332, %parallel_loop3A_333], %parallel_loop3A_331 {strides = array<i32>} : memref<112x224xf32, #tpu.memory_space<vmem>>, vector<16xf32>,
        %parallel_loop3A_335 = arith.index_cast %parallel_loop3A_258 : i32 to index
        %parallel_loop3A_336 = arith.constant 64 : index
        %parallel_loop3A_337 = tpu.vector_load %arg10[%parallel_loop3A_335, %parallel_loop3A_336] {strides = array<i32>} : memref<112x224xf32, #tpu.memory_space<vmem>>, vector<16xf32>,
        %parallel_loop3A_338 = vector.broadcast %squeeze3A : f32 to vector<16xf32>
        %parallel_loop3A_339 = arith.mulf %parallel_loop3A_337, %parallel_loop3A_338 : vector<16xf32>
        %parallel_loop3A_340 = vector.broadcast %add3A_77 : f32 to vector<16xf32>
        %parallel_loop3A_341 = arith.addf %parallel_loop3A_339, %parallel_loop3A_340 : vector<16xf32>
        %parallel_loop3A_342 = arith.fptosi %parallel_loop3A_341 : vector<16xf32> to vector<16xi32>
        %parallel_loop3A_343 = vector.broadcast %mul3A_72 : i32 to vector<16xi32>
        %parallel_loop3A_344 = arith.maxsi %parallel_loop3A_343, %parallel_loop3A_342 : vector<16xi32>
        %parallel_loop3A_345 = vector.broadcast %add3A_74 : i32 to vector<16xi32>
        %parallel_loop3A_346 = arith.minsi %parallel_loop3A_345, %parallel_loop3A_344 : vector<16xi32>
        %parallel_loop3A_347 = tpu.vector_load_idx %arg7[%parallel_loop3A_346] : memref<6144xf32, #tpu.memory_space<vmem>>[vector<16xi32>], vector<16xf32>,
        %parallel_loop3A_348 = tpu.vector_load_idx %arg8[%parallel_loop3A_346] : memref<6144xf32, #tpu.memory_space<vmem>>[vector<16xi32>], vector<16xf32>,
        %parallel_loop3A_349 = arith.mulf %parallel_loop3A_347, %parallel_loop3A_337 : vector<16xf32>
        %parallel_loop3A_350 = arith.addf %parallel_loop3A_349, %parallel_loop3A_348 : vector<16xf32>
        %parallel_loop3A_351 = arith.index_cast %parallel_loop3A_258 : i32 to index
        %parallel_loop3A_352 = arith.constant 64 : index
        %parallel_loop3A_353 = tpu.vector_load %arg12[%parallel_loop3A_351, %parallel_loop3A_352] {strides = array<i32>} : memref<112x224xf32, #tpu.memory_space<vmem>>, vector<16xf32>,
        tpu.vector_store %arg12[%parallel_loop3A_351, %parallel_loop3A_352], %parallel_loop3A_350 {strides = array<i32>} : memref<112x224xf32, #tpu.memory_space<vmem>>, vector<16xf32>,
        %parallel_loop3A_354 = arith.index_cast %parallel_loop3A_258 : i32 to index
        %parallel_loop3A_355 = arith.constant 80 : index
        %parallel_loop3A_356 = tpu.vector_load %arg10[%parallel_loop3A_354, %parallel_loop3A_355] {strides = array<i32>} : memref<112x224xf32, #tpu.memory_space<vmem>>, vector<16xf32>,
        %parallel_loop3A_357 = vector.broadcast %squeeze3A : f32 to vector<16xf32>
        %parallel_loop3A_358 = arith.mulf %parallel_loop3A_356, %parallel_loop3A_357 : vector<16xf32>
        %parallel_loop3A_359 = vector.broadcast %add3A_77 : f32 to vector<16xf32>
        %parallel_loop3A_360 = arith.addf %parallel_loop3A_358, %parallel_loop3A_359 : vector<16xf32>
        %parallel_loop3A_361 = arith.fptosi %parallel_loop3A_360 : vector<16xf32> to vector<16xi32>
        %parallel_loop3A_362 = vector.broadcast %mul3A_72 : i32 to vector<16xi32>
        %parallel_loop3A_363 = arith.maxsi %parallel_loop3A_362, %parallel_loop3A_361 : vector<16xi32>
        %parallel_loop3A_364 = vector.broadcast %add3A_74 : i32 to vector<16xi32>
        %parallel_loop3A_365 = arith.minsi %parallel_loop3A_364, %parallel_loop3A_363 : vector<16xi32>
        %parallel_loop3A_366 = tpu.vector_load_idx %arg7[%parallel_loop3A_365] : memref<6144xf32, #tpu.memory_space<vmem>>[vector<16xi32>], vector<16xf32>,
        %parallel_loop3A_367 = tpu.vector_load_idx %arg8[%parallel_loop3A_365] : memref<6144xf32, #tpu.memory_space<vmem>>[vector<16xi32>], vector<16xf32>,
        %parallel_loop3A_368 = arith.mulf %parallel_loop3A_366, %parallel_loop3A_356 : vector<16xf32>
        %parallel_loop3A_369 = arith.addf %parallel_loop3A_368, %parallel_loop3A_367 : vector<16xf32>
        %parallel_loop3A_370 = arith.index_cast %parallel_loop3A_258 : i32 to index
        %parallel_loop3A_371 = arith.constant 80 : index
        %parallel_loop3A_372 = tpu.vector_load %arg12[%parallel_loop3A_370, %parallel_loop3A_371] {strides = array<i32>} : memref<112x224xf32, #tpu.memory_space<vmem>>, vector<16xf32>,
        tpu.vector_store %arg12[%parallel_loop3A_370, %parallel_loop3A_371], %parallel_loop3A_369 {strides = array<i32>} : memref<112x224xf32, #tpu.memory_space<vmem>>, vector<16xf32>,
        %parallel_loop3A_373 = arith.index_cast %parallel_loop3A_258 : i32 to index
        %parallel_loop3A_374 = arith.constant 96 : index
        %parallel_loop3A_375 = tpu.vector_load %arg10[%parallel_loop3A_373, %parallel_loop3A_374] {strides = array<i32>} : memref<112x224xf32, #tpu.memory_space<vmem>>, vector<16xf32>,
        %parallel_loop3A_376 = vector.broadcast %squeeze3A : f32 to vector<16xf32>
        %parallel_loop3A_377 = arith.mulf %parallel_loop3A_375, %parallel_loop3A_376 : vector<16xf32>
        %parallel_loop3A_378 = vector.broadcast %add3A_77 : f32 to vector<16xf32>
        %parallel_loop3A_379 = arith.addf %parallel_loop3A_377, %parallel_loop3A_378 : vector<16xf32>
        %parallel_loop3A_380 = arith.fptosi %parallel_loop3A_379 : vector<16xf32> to vector<16xi32>
        %parallel_loop3A_381 = vector.broadcast %mul3A_72 : i32 to vector<16xi32>
        %parallel_loop3A_382 = arith.maxsi %parallel_loop3A_381, %parallel_loop3A_380 : vector<16xi32>
        %parallel_loop3A_383 = vector.broadcast %add3A_74 : i32 to vector<16xi32>
        %parallel_loop3A_384 = arith.minsi %parallel_loop3A_383, %parallel_loop3A_382 : vector<16xi32>
        %parallel_loop3A_385 = tpu.vector_load_idx %arg7[%parallel_loop3A_384] : memref<6144xf32, #tpu.memory_space<vmem>>[vector<16xi32>], vector<16xf32>,
        %parallel_loop3A_386 = tpu.vector_load_idx %arg8[%parallel_loop3A_384] : memref<6144xf32, #tpu.memory_space<vmem>>[vector<16xi32>], vector<16xf32>,
        %parallel_loop3A_387 = arith.mulf %parallel_loop3A_385, %parallel_loop3A_375 : vector<16xf32>
        %parallel_loop3A_388 = arith.addf %parallel_loop3A_387, %parallel_loop3A_386 : vector<16xf32>
        %parallel_loop3A_389 = arith.index_cast %parallel_loop3A_258 : i32 to index
        %parallel_loop3A_390 = arith.constant 96 : index
        %parallel_loop3A_391 = tpu.vector_load %arg12[%parallel_loop3A_389, %parallel_loop3A_390] {strides = array<i32>} : memref<112x224xf32, #tpu.memory_space<vmem>>, vector<16xf32>,
        tpu.vector_store %arg12[%parallel_loop3A_389, %parallel_loop3A_390], %parallel_loop3A_388 {strides = array<i32>} : memref<112x224xf32, #tpu.memory_space<vmem>>, vector<16xf32>,
        %parallel_loop3A_392 = arith.index_cast %parallel_loop3A_258 : i32 to index
        %parallel_loop3A_393 = arith.constant 112 : index
        %parallel_loop3A_394 = tpu.vector_load %arg10[%parallel_loop3A_392, %parallel_loop3A_393] {strides = array<i32>} : memref<112x224xf32, #tpu.memory_space<vmem>>, vector<16xf32>,
        %parallel_loop3A_395 = vector.broadcast %squeeze3A : f32 to vector<16xf32>
        %parallel_loop3A_396 = arith.mulf %parallel_loop3A_394, %parallel_loop3A_395 : vector<16xf32>
        %parallel_loop3A_397 = vector.broadcast %add3A_77 : f32 to vector<16xf32>
        %parallel_loop3A_398 = arith.addf %parallel_loop3A_396, %parallel_loop3A_397 : vector<16xf32>
        %parallel_loop3A_399 = arith.fptosi %parallel_loop3A_398 : vector<16xf32> to vector<16xi32>
        %parallel_loop3A_400 = vector.broadcast %mul3A_72 : i32 to vector<16xi32>
        %parallel_loop3A_401 = arith.maxsi %parallel_loop3A_400, %parallel_loop3A_399 : vector<16xi32>
        %parallel_loop3A_402 = vector.broadcast %add3A_74 : i32 to vector<16xi32>
        %parallel_loop3A_403 = arith.minsi %parallel_loop3A_402, %parallel_loop3A_401 : vector<16xi32>
        %parallel_loop3A_404 = tpu.vector_load_idx %arg7[%parallel_loop3A_403] : memref<6144xf32, #tpu.memory_space<vmem>>[vector<16xi32>], vector<16xf32>,
        %parallel_loop3A_405 = tpu.vector_load_idx %arg8[%parallel_loop3A_403] : memref<6144xf32, #tpu.memory_space<vmem>>[vector<16xi32>], vector<16xf32>,
        %parallel_loop3A_406 = arith.mulf %parallel_loop3A_404, %parallel_loop3A_394 : vector<16xf32>
        %parallel_loop3A_407 = arith.addf %parallel_loop3A_406, %parallel_loop3A_405 : vector<16xf32>
        %parallel_loop3A_408 = arith.index_cast %parallel_loop3A_258 : i32 to index
        %parallel_loop3A_409 = arith.constant 112 : index
        %parallel_loop3A_410 = tpu.vector_load %arg12[%parallel_loop3A_408, %parallel_loop3A_409] {strides = array<i32>} : memref<112x224xf32, #tpu.memory_space<vmem>>, vector<16xf32>,
        tpu.vector_store %arg12[%parallel_loop3A_408, %parallel_loop3A_409], %parallel_loop3A_407 {strides = array<i32>} : memref<112x224xf32, #tpu.memory_space<vmem>>, vector<16xf32>,
        %parallel_loop3A_411 = arith.index_cast %parallel_loop3A_258 : i32 to index
        %parallel_loop3A_412 = arith.constant 128 : index
        %parallel_loop3A_413 = tpu.vector_load %arg10[%parallel_loop3A_411, %parallel_loop3A_412] {strides = array<i32>} : memref<112x224xf32, #tpu.memory_space<vmem>>, vector<16xf32>,
        %parallel_loop3A_414 = vector.broadcast %squeeze3A : f32 to vector<16xf32>
        %parallel_loop3A_415 = arith.mulf %parallel_loop3A_413, %parallel_loop3A_414 : vector<16xf32>
        %parallel_loop3A_416 = vector.broadcast %add3A_77 : f32 to vector<16xf32>
        %parallel_loop3A_417 = arith.addf %parallel_loop3A_415, %parallel_loop3A_416 : vector<16xf32>
        %parallel_loop3A_418 = arith.fptosi %parallel_loop3A_417 : vector<16xf32> to vector<16xi32>
        %parallel_loop3A_419 = vector.broadcast %mul3A_72 : i32 to vector<16xi32>
        %parallel_loop3A_420 = arith.maxsi %parallel_loop3A_419, %parallel_loop3A_418 : vector<16xi32>
        %parallel_loop3A_421 = vector.broadcast %add3A_74 : i32 to vector<16xi32>
        %parallel_loop3A_422 = arith.minsi %parallel_loop3A_421, %parallel_loop3A_420 : vector<16xi32>
        %parallel_loop3A_423 = tpu.vector_load_idx %arg7[%parallel_loop3A_422] : memref<6144xf32, #tpu.memory_space<vmem>>[vector<16xi32>], vector<16xf32>,
        %parallel_loop3A_424 = tpu.vector_load_idx %arg8[%parallel_loop3A_422] : memref<6144xf32, #tpu.memory_space<vmem>>[vector<16xi32>], vector<16xf32>,
        %parallel_loop3A_425 = arith.mulf %parallel_loop3A_423, %parallel_loop3A_413 : vector<16xf32>
        %parallel_loop3A_426 = arith.addf %parallel_loop3A_425, %parallel_loop3A_424 : vector<16xf32>
        %parallel_loop3A_427 = arith.index_cast %parallel_loop3A_258 : i32 to index
        %parallel_loop3A_428 = arith.constant 128 : index
        %parallel_loop3A_429 = tpu.vector_load %arg12[%parallel_loop3A_427, %parallel_loop3A_428] {strides = array<i32>} : memref<112x224xf32, #tpu.memory_space<vmem>>, vector<16xf32>,
        tpu.vector_store %arg12[%parallel_loop3A_427, %parallel_loop3A_428], %parallel_loop3A_426 {strides = array<i32>} : memref<112x224xf32, #tpu.memory_space<vmem>>, vector<16xf32>,
        %parallel_loop3A_430 = arith.index_cast %parallel_loop3A_258 : i32 to index
        %parallel_loop3A_431 = arith.constant 144 : index
        %parallel_loop3A_432 = tpu.vector_load %arg10[%parallel_loop3A_430, %parallel_loop3A_431] {strides = array<i32>} : memref<112x224xf32, #tpu.memory_space<vmem>>, vector<16xf32>,
        %parallel_loop3A_433 = vector.broadcast %squeeze3A : f32 to vector<16xf32>
        %parallel_loop3A_434 = arith.mulf %parallel_loop3A_432, %parallel_loop3A_433 : vector<16xf32>
        %parallel_loop3A_435 = vector.broadcast %add3A_77 : f32 to vector<16xf32>
        %parallel_loop3A_436 = arith.addf %parallel_loop3A_434, %parallel_loop3A_435 : vector<16xf32>
        %parallel_loop3A_437 = arith.fptosi %parallel_loop3A_436 : vector<16xf32> to vector<16xi32>
        %parallel_loop3A_438 = vector.broadcast %mul3A_72 : i32 to vector<16xi32>
        %parallel_loop3A_439 = arith.maxsi %parallel_loop3A_438, %parallel_loop3A_437 : vector<16xi32>
        %parallel_loop3A_440 = vector.broadcast %add3A_74 : i32 to vector<16xi32>
        %parallel_loop3A_441 = arith.minsi %parallel_loop3A_440, %parallel_loop3A_439 : vector<16xi32>
        %parallel_loop3A_442 = tpu.vector_load_idx %arg7[%parallel_loop3A_441] : memref<6144xf32, #tpu.memory_space<vmem>>[vector<16xi32>], vector<16xf32>,
        %parallel_loop3A_443 = tpu.vector_load_idx %arg8[%parallel_loop3A_441] : memref<6144xf32, #tpu.memory_space<vmem>>[vector<16xi32>], vector<16xf32>,
        %parallel_loop3A_444 = arith.mulf %parallel_loop3A_442, %parallel_loop3A_432 : vector<16xf32>
        %parallel_loop3A_445 = arith.addf %parallel_loop3A_444, %parallel_loop3A_443 : vector<16xf32>
        %parallel_loop3A_446 = arith.index_cast %parallel_loop3A_258 : i32 to index
        %parallel_loop3A_447 = arith.constant 144 : index
        %parallel_loop3A_448 = tpu.vector_load %arg12[%parallel_loop3A_446, %parallel_loop3A_447] {strides = array<i32>} : memref<112x224xf32, #tpu.memory_space<vmem>>, vector<16xf32>,
        tpu.vector_store %arg12[%parallel_loop3A_446, %parallel_loop3A_447], %parallel_loop3A_445 {strides = array<i32>} : memref<112x224xf32, #tpu.memory_space<vmem>>, vector<16xf32>,
        %parallel_loop3A_449 = arith.index_cast %parallel_loop3A_258 : i32 to index
        %parallel_loop3A_450 = arith.constant 160 : index
        %parallel_loop3A_451 = tpu.vector_load %arg10[%parallel_loop3A_449, %parallel_loop3A_450] {strides = array<i32>} : memref<112x224xf32, #tpu.memory_space<vmem>>, vector<16xf32>,
        %parallel_loop3A_452 = vector.broadcast %squeeze3A : f32 to vector<16xf32>
        %parallel_loop3A_453 = arith.mulf %parallel_loop3A_451, %parallel_loop3A_452 : vector<16xf32>
        %parallel_loop3A_454 = vector.broadcast %add3A_77 : f32 to vector<16xf32>
        %parallel_loop3A_455 = arith.addf %parallel_loop3A_453, %parallel_loop3A_454 : vector<16xf32>
        %parallel_loop3A_456 = arith.fptosi %parallel_loop3A_455 : vector<16xf32> to vector<16xi32>
        %parallel_loop3A_457 = vector.broadcast %mul3A_72 : i32 to vector<16xi32>
        %parallel_loop3A_458 = arith.maxsi %parallel_loop3A_457, %parallel_loop3A_456 : vector<16xi32>
        %parallel_loop3A_459 = vector.broadcast %add3A_74 : i32 to vector<16xi32>
        %parallel_loop3A_460 = arith.minsi %parallel_loop3A_459, %parallel_loop3A_458 : vector<16xi32>
        %parallel_loop3A_461 = tpu.vector_load_idx %arg7[%parallel_loop3A_460] : memref<6144xf32, #tpu.memory_space<vmem>>[vector<16xi32>], vector<16xf32>,
        %parallel_loop3A_462 = tpu.vector_load_idx %arg8[%parallel_loop3A_460] : memref<6144xf32, #tpu.memory_space<vmem>>[vector<16xi32>], vector<16xf32>,
        %parallel_loop3A_463 = arith.mulf %parallel_loop3A_461, %parallel_loop3A_451 : vector<16xf32>
        %parallel_loop3A_464 = arith.addf %parallel_loop3A_463, %parallel_loop3A_462 : vector<16xf32>
        %parallel_loop3A_465 = arith.index_cast %parallel_loop3A_258 : i32 to index
        %parallel_loop3A_466 = arith.constant 160 : index
        %parallel_loop3A_467 = tpu.vector_load %arg12[%parallel_loop3A_465, %parallel_loop3A_466] {strides = array<i32>} : memref<112x224xf32, #tpu.memory_space<vmem>>, vector<16xf32>,
        tpu.vector_store %arg12[%parallel_loop3A_465, %parallel_loop3A_466], %parallel_loop3A_464 {strides = array<i32>} : memref<112x224xf32, #tpu.memory_space<vmem>>, vector<16xf32>,
        %parallel_loop3A_468 = arith.index_cast %parallel_loop3A_258 : i32 to index
        %parallel_loop3A_469 = arith.constant 176 : index
        %parallel_loop3A_470 = tpu.vector_load %arg10[%parallel_loop3A_468, %parallel_loop3A_469] {strides = array<i32>} : memref<112x224xf32, #tpu.memory_space<vmem>>, vector<16xf32>,
        %parallel_loop3A_471 = vector.broadcast %squeeze3A : f32 to vector<16xf32>
        %parallel_loop3A_472 = arith.mulf %parallel_loop3A_470, %parallel_loop3A_471 : vector<16xf32>
        %parallel_loop3A_473 = vector.broadcast %add3A_77 : f32 to vector<16xf32>
        %parallel_loop3A_474 = arith.addf %parallel_loop3A_472, %parallel_loop3A_473 : vector<16xf32>
        %parallel_loop3A_475 = arith.fptosi %parallel_loop3A_474 : vector<16xf32> to vector<16xi32>
        %parallel_loop3A_476 = vector.broadcast %mul3A_72 : i32 to vector<16xi32>
        %parallel_loop3A_477 = arith.maxsi %parallel_loop3A_476, %parallel_loop3A_475 : vector<16xi32>
        %parallel_loop3A_478 = vector.broadcast %add3A_74 : i32 to vector<16xi32>
        %parallel_loop3A_479 = arith.minsi %parallel_loop3A_478, %parallel_loop3A_477 : vector<16xi32>
        %parallel_loop3A_480 = tpu.vector_load_idx %arg7[%parallel_loop3A_479] : memref<6144xf32, #tpu.memory_space<vmem>>[vector<16xi32>], vector<16xf32>,
        %parallel_loop3A_481 = tpu.vector_load_idx %arg8[%parallel_loop3A_479] : memref<6144xf32, #tpu.memory_space<vmem>>[vector<16xi32>], vector<16xf32>,
        %parallel_loop3A_482 = arith.mulf %parallel_loop3A_480, %parallel_loop3A_470 : vector<16xf32>
        %parallel_loop3A_483 = arith.addf %parallel_loop3A_482, %parallel_loop3A_481 : vector<16xf32>
        %parallel_loop3A_484 = arith.index_cast %parallel_loop3A_258 : i32 to index
        %parallel_loop3A_485 = arith.constant 176 : index
        %parallel_loop3A_486 = tpu.vector_load %arg12[%parallel_loop3A_484, %parallel_loop3A_485] {strides = array<i32>} : memref<112x224xf32, #tpu.memory_space<vmem>>, vector<16xf32>,
        tpu.vector_store %arg12[%parallel_loop3A_484, %parallel_loop3A_485], %parallel_loop3A_483 {strides = array<i32>} : memref<112x224xf32, #tpu.memory_space<vmem>>, vector<16xf32>,
        %parallel_loop3A_487 = arith.index_cast %parallel_loop3A_258 : i32 to index
        %parallel_loop3A_488 = arith.constant 192 : index
        %parallel_loop3A_489 = tpu.vector_load %arg10[%parallel_loop3A_487, %parallel_loop3A_488] {strides = array<i32>} : memref<112x224xf32, #tpu.memory_space<vmem>>, vector<16xf32>,
        %parallel_loop3A_490 = vector.broadcast %squeeze3A : f32 to vector<16xf32>
        %parallel_loop3A_491 = arith.mulf %parallel_loop3A_489, %parallel_loop3A_490 : vector<16xf32>
        %parallel_loop3A_492 = vector.broadcast %add3A_77 : f32 to vector<16xf32>
        %parallel_loop3A_493 = arith.addf %parallel_loop3A_491, %parallel_loop3A_492 : vector<16xf32>
        %parallel_loop3A_494 = arith.fptosi %parallel_loop3A_493 : vector<16xf32> to vector<16xi32>
        %parallel_loop3A_495 = vector.broadcast %mul3A_72 : i32 to vector<16xi32>
        %parallel_loop3A_496 = arith.maxsi %parallel_loop3A_495, %parallel_loop3A_494 : vector<16xi32>
        %parallel_loop3A_497 = vector.broadcast %add3A_74 : i32 to vector<16xi32>
        %parallel_loop3A_498 = arith.minsi %parallel_loop3A_497, %parallel_loop3A_496 : vector<16xi32>
        %parallel_loop3A_499 = tpu.vector_load_idx %arg7[%parallel_loop3A_498] : memref<6144xf32, #tpu.memory_space<vmem>>[vector<16xi32>], vector<16xf32>,
        %parallel_loop3A_500 = tpu.vector_load_idx %arg8[%parallel_loop3A_498] : memref<6144xf32, #tpu.memory_space<vmem>>[vector<16xi32>], vector<16xf32>,
        %parallel_loop3A_501 = arith.mulf %parallel_loop3A_499, %parallel_loop3A_489 : vector<16xf32>
        %parallel_loop3A_502 = arith.addf %parallel_loop3A_501, %parallel_loop3A_500 : vector<16xf32>
        %parallel_loop3A_503 = arith.index_cast %parallel_loop3A_258 : i32 to index
        %parallel_loop3A_504 = arith.constant 192 : index
        %parallel_loop3A_505 = tpu.vector_load %arg12[%parallel_loop3A_503, %parallel_loop3A_504] {strides = array<i32>} : memref<112x224xf32, #tpu.memory_space<vmem>>, vector<16xf32>,
        tpu.vector_store %arg12[%parallel_loop3A_503, %parallel_loop3A_504], %parallel_loop3A_502 {strides = array<i32>} : memref<112x224xf32, #tpu.memory_space<vmem>>, vector<16xf32>,
        %parallel_loop3A_506 = arith.index_cast %parallel_loop3A_258 : i32 to index
        %parallel_loop3A_507 = arith.constant 208 : index
        %parallel_loop3A_508 = tpu.vector_load %arg10[%parallel_loop3A_506, %parallel_loop3A_507] {strides = array<i32>} : memref<112x224xf32, #tpu.memory_space<vmem>>, vector<16xf32>,
        %parallel_loop3A_509 = vector.broadcast %squeeze3A : f32 to vector<16xf32>
        %parallel_loop3A_510 = arith.mulf %parallel_loop3A_508, %parallel_loop3A_509 : vector<16xf32>
        %parallel_loop3A_511 = vector.broadcast %add3A_77 : f32 to vector<16xf32>
        %parallel_loop3A_512 = arith.addf %parallel_loop3A_510, %parallel_loop3A_511 : vector<16xf32>
        %parallel_loop3A_513 = arith.fptosi %parallel_loop3A_512 : vector<16xf32> to vector<16xi32>
        %parallel_loop3A_514 = vector.broadcast %mul3A_72 : i32 to vector<16xi32>
        %parallel_loop3A_515 = arith.maxsi %parallel_loop3A_514, %parallel_loop3A_513 : vector<16xi32>
        %parallel_loop3A_516 = vector.broadcast %add3A_74 : i32 to vector<16xi32>
        %parallel_loop3A_517 = arith.minsi %parallel_loop3A_516, %parallel_loop3A_515 : vector<16xi32>
        %parallel_loop3A_518 = tpu.vector_load_idx %arg7[%parallel_loop3A_517] : memref<6144xf32, #tpu.memory_space<vmem>>[vector<16xi32>], vector<16xf32>,
        %parallel_loop3A_519 = tpu.vector_load_idx %arg8[%parallel_loop3A_517] : memref<6144xf32, #tpu.memory_space<vmem>>[vector<16xi32>], vector<16xf32>,
        %parallel_loop3A_520 = arith.mulf %parallel_loop3A_518, %parallel_loop3A_508 : vector<16xf32>
        %parallel_loop3A_521 = arith.addf %parallel_loop3A_520, %parallel_loop3A_519 : vector<16xf32>
        %parallel_loop3A_522 = arith.index_cast %parallel_loop3A_258 : i32 to index
        %parallel_loop3A_523 = arith.constant 208 : index
        %parallel_loop3A_524 = tpu.vector_load %arg12[%parallel_loop3A_522, %parallel_loop3A_523] {strides = array<i32>} : memref<112x224xf32, #tpu.memory_space<vmem>>, vector<16xf32>,
        tpu.vector_store %arg12[%parallel_loop3A_522, %parallel_loop3A_523], %parallel_loop3A_521 {strides = array<i32>} : memref<112x224xf32, #tpu.memory_space<vmem>>, vector<16xf32>,
      } {sc.loop_unroll_factor = 1 : i64, sc.parallel_access}
      %jit3A_92 = arith.constant 2 : i32
      %div3A_93 = arith.divsi %add3A_51, %jit3A_92 : i32
      %sign3A_94 = arith.constant 0 : i32
      %sign3A_95 = arith.cmpi sgt, %add3A_51, %sign3A_94 : i32
      %sign3A_96 = arith.extui %sign3A_95 : i1 to i32
      %sign3A_97 = arith.constant 0 : i32
      %sign3A_98 = arith.cmpi slt, %add3A_51, %sign3A_97 : i32
      %sign3A_99 = arith.extui %sign3A_98 : i1 to i32
      %sign3A_100 = arith.subi %sign3A_96, %sign3A_99 : i32
      %sign3A_101 = arith.constant 0 : i32
      %sign3A_102 = arith.cmpi sgt, %jit3A_92, %sign3A_101 : i32
      %sign3A_103 = arith.extui %sign3A_102 : i1 to i32
      %sign3A_104 = arith.constant 0 : i32
      %sign3A_105 = arith.cmpi slt, %jit3A_92, %sign3A_104 : i32
      %sign3A_106 = arith.extui %sign3A_105 : i1 to i32
      %sign3A_107 = arith.subi %sign3A_103, %sign3A_106 : i32
      %ne3A_108 = arith.cmpi ne, %sign3A_100, %sign3A_107 : i32
      %rem3A_109 = arith.remsi %add3A_51, %jit3A_92 : i32
      %ne3A_110 = arith.constant 0 : i32
      %ne3A_111 = arith.cmpi ne, %rem3A_109, %ne3A_110 : i32
      %and3A_112 = arith.andi %ne3A_108, %ne3A_111 : i1
      %sub3A_113 = arith.constant 1 : i32
      %sub3A_114 = arith.subi %div3A_93, %sub3A_113 : i32
      %select_n3A_115 = arith.select %and3A_112, %sub3A_114, %div3A_93 : i32
      %add3A_116 = arith.addi %mul3A_2, %select_n3A_115 : i32
      %jit3A_117 = arith.constant 2 : i32
      %eq3A = arith.constant 0 : i32
      %eq3A_118 = arith.cmpi eq, %jit3A_117, %eq3A : i32
      %jit3A_119 = arith.constant 1 : i32
      %select_n3A_120 = arith.select %eq3A_118, %jit3A_119, %jit3A_117 : i32
      %rem3A_121 = arith.remsi %add3A_51, %select_n3A_120 : i32
      %ne3A_122 = arith.constant 0 : i32
      %ne3A_123 = arith.cmpi ne, %rem3A_121, %ne3A_122 : i32
      %lt3A = arith.constant 0 : i32
      %lt3A_124 = arith.cmpi slt, %rem3A_121, %lt3A : i32
      %lt3A_125 = arith.constant 0 : i32
      %lt3A_126 = arith.cmpi slt, %select_n3A_120, %lt3A_125 : i32
      %ne3A_127 = arith.xori %lt3A_124, %lt3A_126 : i1
      %and3A_128 = arith.andi %ne3A_127, %ne3A_123 : i1
      %add3A_129 = arith.addi %rem3A_121, %select_n3A_120 : i32
      %select_n3A_130 = arith.select %and3A_128, %add3A_129, %rem3A_121 : i32
      %mul3A_131 = arith.constant 112 : i32
      %mul3A_132 = arith.muli %select_n3A_130, %mul3A_131 : i32
      %dma_start3A_133 = arith.constant 0 : i32
      %dma_start3A_134 = tpu.memref_slice %arg6[%add3A_116, %mul3A_132, %dma_start3A_133] : memref<384x224x224xf32, #tpu.memory_space<hbm>> -> memref<1x112x224xf32, #tpu.memory_space<hbm>>
      %dma_start3A_135 = tpu.memref_squeeze %dma_start3A_134 : memref<1x112x224xf32, #tpu.memory_space<hbm>> -> memref<112x224xf32, #tpu.memory_space<hbm>>
      %dma_start3A_136 = arith.constant 0 : i32
      %dma_start3A_137 = tpu.memref_slice %arg6[%add3A_116, %mul3A_132, %dma_start3A_136] : memref<384x224x224xf32, #tpu.memory_space<hbm>> -> memref<1x112x224xf32, #tpu.memory_space<hbm>>
      %dma_start3A_138 = tpu.memref_squeeze %dma_start3A_137 : memref<1x112x224xf32, #tpu.memory_space<hbm>> -> memref<112x224xf32, #tpu.memory_space<hbm>>
      tpu.enqueue_dma source(%arg12 : memref<112x224xf32, #tpu.memory_space<vmem>>) target(%dma_start3A_138 : memref<112x224xf32, #tpu.memory_space<hbm>>) target_semaphore(%arg16 : memref<!tpu.dma_semaphore, #tpu.memory_space<semaphore_mem>>)
      %add3A_139 = arith.constant 2 : i32
      %add3A_140 = arith.addi %add3A_51, %add3A_139 : i32
      %lt3A_141 = arith.constant 24 : i32
      %lt3A_142 = arith.cmpi slt, %add3A_140, %lt3A_141 : i32
      %convert_element_type3A_143 = arith.extui %lt3A_142 : i1 to i32
      %cond3A_144 = arith.constant 0 : i32
      %cond3A_145 = arith.cmpi ne, %convert_element_type3A_143, %cond3A_144 : i32
      scf.if %cond3A_145 {
        %add3A_258 = arith.constant 2 : i32
        %add3A_259 = arith.addi %add3A_51, %add3A_258 : i32
        %jit3A_260 = arith.constant 2 : i32
        %div3A_261 = arith.divsi %add3A_259, %jit3A_260 : i32
        %sign3A_262 = arith.constant 0 : i32
        %sign3A_263 = arith.cmpi sgt, %add3A_259, %sign3A_262 : i32
        %sign3A_264 = arith.extui %sign3A_263 : i1 to i32
        %sign3A_265 = arith.constant 0 : i32
        %sign3A_266 = arith.cmpi slt, %add3A_259, %sign3A_265 : i32
        %sign3A_267 = arith.extui %sign3A_266 : i1 to i32
        %sign3A_268 = arith.subi %sign3A_264, %sign3A_267 : i32
        %sign3A_269 = arith.constant 0 : i32
        %sign3A_270 = arith.cmpi sgt, %jit3A_260, %sign3A_269 : i32
        %sign3A_271 = arith.extui %sign3A_270 : i1 to i32
        %sign3A_272 = arith.constant 0 : i32
        %sign3A_273 = arith.cmpi slt, %jit3A_260, %sign3A_272 : i32
        %sign3A_274 = arith.extui %sign3A_273 : i1 to i32
        %sign3A_275 = arith.subi %sign3A_271, %sign3A_274 : i32
        %ne3A_276 = arith.cmpi ne, %sign3A_268, %sign3A_275 : i32
        %rem3A_277 = arith.remsi %add3A_259, %jit3A_260 : i32
        %ne3A_278 = arith.constant 0 : i32
        %ne3A_279 = arith.cmpi ne, %rem3A_277, %ne3A_278 : i32
        %and3A_280 = arith.andi %ne3A_276, %ne3A_279 : i1
        %sub3A_281 = arith.constant 1 : i32
        %sub3A_282 = arith.subi %div3A_261, %sub3A_281 : i32
        %select_n3A_283 = arith.select %and3A_280, %sub3A_282, %div3A_261 : i32
        %add3A_284 = arith.addi %mul3A_2, %select_n3A_283 : i32
        %jit3A_285 = arith.constant 2 : i32
        %eq3A_286 = arith.constant 0 : i32
        %eq3A_287 = arith.cmpi eq, %jit3A_285, %eq3A_286 : i32
        %jit3A_288 = arith.constant 1 : i32
        %select_n3A_289 = arith.select %eq3A_287, %jit3A_288, %jit3A_285 : i32
        %rem3A_290 = arith.remsi %add3A_259, %select_n3A_289 : i32
        %ne3A_291 = arith.constant 0 : i32
        %ne3A_292 = arith.cmpi ne, %rem3A_290, %ne3A_291 : i32
        %lt3A_293 = arith.constant 0 : i32
        %lt3A_294 = arith.cmpi slt, %rem3A_290, %lt3A_293 : i32
        %lt3A_295 = arith.constant 0 : i32
        %lt3A_296 = arith.cmpi slt, %select_n3A_289, %lt3A_295 : i32
        %ne3A_297 = arith.xori %lt3A_294, %lt3A_296 : i1
        %and3A_298 = arith.andi %ne3A_297, %ne3A_292 : i1
        %add3A_299 = arith.addi %rem3A_290, %select_n3A_289 : i32
        %select_n3A_300 = arith.select %and3A_298, %add3A_299, %rem3A_290 : i32
        %mul3A_301 = arith.constant 112 : i32
        %mul3A_302 = arith.muli %select_n3A_300, %mul3A_301 : i32
        %dma_start3A_303 = arith.constant 0 : i32
        %dma_start3A_304 = tpu.memref_slice %arg2[%add3A_284, %mul3A_302, %dma_start3A_303] : memref<384x224x224xf32, #tpu.memory_space<hbm>> -> memref<1x112x224xf32, #tpu.memory_space<hbm>>
        %dma_start3A_305 = tpu.memref_squeeze %dma_start3A_304 : memref<1x112x224xf32, #tpu.memory_space<hbm>> -> memref<112x224xf32, #tpu.memory_space<hbm>>
        %dma_start3A_306 = arith.constant 0 : i32
        %dma_start3A_307 = tpu.memref_slice %arg2[%add3A_284, %mul3A_302, %dma_start3A_306] : memref<384x224x224xf32, #tpu.memory_space<hbm>> -> memref<1x112x224xf32, #tpu.memory_space<hbm>>
        %dma_start3A_308 = tpu.memref_squeeze %dma_start3A_307 : memref<1x112x224xf32, #tpu.memory_space<hbm>> -> memref<112x224xf32, #tpu.memory_space<hbm>>
        tpu.enqueue_dma source(%dma_start3A_308 : memref<112x224xf32, #tpu.memory_space<hbm>>) target(%arg10 : memref<112x224xf32, #tpu.memory_space<vmem>>) target_semaphore(%arg14 : memref<!tpu.dma_semaphore, #tpu.memory_space<semaphore_mem>>)
      } else {
      }
      %mul3A_146 = arith.constant 2 : i32
      %mul3A_147 = arith.muli %scan3A_47, %mul3A_146 : i32
      %add3A_148 = arith.constant 1 : i32
      %add3A_149 = arith.addi %mul3A_147, %add3A_148 : i32
      %jit3A_150 = arith.constant 2 : i32
      %div3A_151 = arith.divsi %add3A_149, %jit3A_150 : i32
      %sign3A_152 = arith.constant 0 : i32
      %sign3A_153 = arith.cmpi sgt, %add3A_149, %sign3A_152 : i32
      %sign3A_154 = arith.extui %sign3A_153 : i1 to i32
      %sign3A_155 = arith.constant 0 : i32
      %sign3A_156 = arith.cmpi slt, %add3A_149, %sign3A_155 : i32
      %sign3A_157 = arith.extui %sign3A_156 : i1 to i32
      %sign3A_158 = arith.subi %sign3A_154, %sign3A_157 : i32
      %sign3A_159 = arith.constant 0 : i32
      %sign3A_160 = arith.cmpi sgt, %jit3A_150, %sign3A_159 : i32
      %sign3A_161 = arith.extui %sign3A_160 : i1 to i32
      %sign3A_162 = arith.constant 0 : i32
      %sign3A_163 = arith.cmpi slt, %jit3A_150, %sign3A_162 : i32
      %sign3A_164 = arith.extui %sign3A_163 : i1 to i32
      %sign3A_165 = arith.subi %sign3A_161, %sign3A_164 : i32
      %ne3A_166 = arith.cmpi ne, %sign3A_158, %sign3A_165 : i32
      %rem3A_167 = arith.remsi %add3A_149, %jit3A_150 : i32
      %ne3A_168 = arith.constant 0 : i32
      %ne3A_169 = arith.cmpi ne, %rem3A_167, %ne3A_168 : i32
      %and3A_170 = arith.andi %ne3A_166, %ne3A_169 : i1
      %sub3A_171 = arith.constant 1 : i32
      %sub3A_172 = arith.subi %div3A_151, %sub3A_171 : i32
      %select_n3A_173 = arith.select %and3A_170, %sub3A_172, %div3A_151 : i32
      %add3A_174 = arith.addi %mul3A_2, %select_n3A_173 : i32
      %rem3A_175 = arith.constant 96 : i32
      %rem3A_176 = arith.remsi %add3A_174, %rem3A_175 : i32
      %mul3A_177 = arith.constant 64 : i32
      %mul3A_178 = arith.muli %rem3A_176, %mul3A_177 : i32
      %add3A_179 = arith.constant 63 : i32
      %add3A_180 = arith.addi %mul3A_178, %add3A_179 : i32
      %add3A_181 = arith.constant 1 : i32
      %add3A_182 = arith.addi %mul3A_178, %add3A_181 : i32
      %convert_element_type3A_183 = arith.sitofp %add3A_182 : i32 to f32
      %add3A_184 = arith.addf %squeeze3A_24, %convert_element_type3A_183 : f32
      %dma_wait3A_185 = arith.constant 0 : i32
      %dma_wait3A_186 = arith.constant 0 : i32
      %dma_wait3A_187 = arith.constant 0 : i32
      %dma_wait3A_188 = tpu.memref_slice %arg2[%dma_wait3A_185, %dma_wait3A_186, %dma_wait3A_187] : memref<384x224x224xf32, #tpu.memory_space<hbm>> -> memref<1x112x224xf32, #tpu.memory_space<hbm>>
      %dma_wait3A_189 = tpu.memref_squeeze %dma_wait3A_188 : memref<1x112x224xf32, #tpu.memory_space<hbm>> -> memref<112x224xf32, #tpu.memory_space<hbm>>
      %dma_wait3A_190 = arith.constant 0 : i32
      %dma_wait3A_191 = arith.constant 0 : i32
      %dma_wait3A_192 = tpu.memref_slice %arg2[%dma_wait3A_185, %dma_wait3A_190, %dma_wait3A_191] : memref<384x224x224xf32, #tpu.memory_space<hbm>> -> memref<1x112x224xf32, #tpu.memory_space<hbm>>
      %dma_wait3A_193 = tpu.memref_squeeze %dma_wait3A_192 : memref<1x112x224xf32, #tpu.memory_space<hbm>> -> memref<112x224xf32, #tpu.memory_space<hbm>>
      tpu.wait_dma2 semaphore(%arg15 : memref<!tpu.dma_semaphore, #tpu.memory_space<semaphore_mem>>) src(%dma_wait3A_193 : memref<112x224xf32, #tpu.memory_space<hbm>>) dst(%arg11 : memref<112x224xf32, #tpu.memory_space<vmem>>)
      %gt3A_194 = arith.constant 0 : i32
      %gt3A_195 = arith.cmpi sgt, %scan3A_47, %gt3A_194 : i32
      %convert_element_type3A_196 = arith.extui %gt3A_195 : i1 to i32
      %cond3A_197 = arith.constant 0 : i32
      %cond3A_198 = arith.cmpi ne, %convert_element_type3A_196, %cond3A_197 : i32
      scf.if %cond3A_198 {
        %dma_wait3A_258 = arith.constant 0 : i32
        %dma_wait3A_259 = arith.constant 0 : i32
        %dma_wait3A_260 = arith.constant 0 : i32
        %dma_wait3A_261 = tpu.memref_slice %arg6[%dma_wait3A_258, %dma_wait3A_259, %dma_wait3A_260] : memref<384x224x224xf32, #tpu.memory_space<hbm>> -> memref<1x112x224xf32, #tpu.memory_space<hbm>>
        %dma_wait3A_262 = tpu.memref_squeeze %dma_wait3A_261 : memref<1x112x224xf32, #tpu.memory_space<hbm>> -> memref<112x224xf32, #tpu.memory_space<hbm>>
        %dma_wait3A_263 = arith.constant 0 : i32
        %dma_wait3A_264 = arith.constant 0 : i32
        %dma_wait3A_265 = tpu.memref_slice %arg6[%dma_wait3A_258, %dma_wait3A_263, %dma_wait3A_264] : memref<384x224x224xf32, #tpu.memory_space<hbm>> -> memref<1x112x224xf32, #tpu.memory_space<hbm>>
        %dma_wait3A_266 = tpu.memref_squeeze %dma_wait3A_265 : memref<1x112x224xf32, #tpu.memory_space<hbm>> -> memref<112x224xf32, #tpu.memory_space<hbm>>
        tpu.wait_dma2 semaphore(%arg17 : memref<!tpu.dma_semaphore, #tpu.memory_space<semaphore_mem>>) src(%arg13 : memref<112x224xf32, #tpu.memory_space<vmem>>) dst(%dma_wait3A_266 : memref<112x224xf32, #tpu.memory_space<hbm>>)
      } else {
      }
      %parallel_loop3A_199 = arith.constant 0 : i32
      %parallel_loop3A_200 = arith.constant 112 : i32
      %parallel_loop3A_201 = arith.constant 1 : i32
      scf.for %parallel_loop3A_258 = %parallel_loop3A_199 to %parallel_loop3A_200 step %parallel_loop3A_201  : i32 {
        %parallel_loop3A_259 = arith.index_cast %parallel_loop3A_258 : i32 to index
        %parallel_loop3A_260 = arith.constant 0 : index
        %parallel_loop3A_261 = tpu.vector_load %arg11[%parallel_loop3A_259, %parallel_loop3A_260] {strides = array<i32>} : memref<112x224xf32, #tpu.memory_space<vmem>>, vector<16xf32>,
        %parallel_loop3A_262 = vector.broadcast %squeeze3A : f32 to vector<16xf32>
        %parallel_loop3A_263 = arith.mulf %parallel_loop3A_261, %parallel_loop3A_262 : vector<16xf32>
        %parallel_loop3A_264 = vector.broadcast %add3A_184 : f32 to vector<16xf32>
        %parallel_loop3A_265 = arith.addf %parallel_loop3A_263, %parallel_loop3A_264 : vector<16xf32>
        %parallel_loop3A_266 = arith.fptosi %parallel_loop3A_265 : vector<16xf32> to vector<16xi32>
        %parallel_loop3A_267 = vector.broadcast %mul3A_178 : i32 to vector<16xi32>
        %parallel_loop3A_268 = arith.maxsi %parallel_loop3A_267, %parallel_loop3A_266 : vector<16xi32>
        %parallel_loop3A_269 = vector.broadcast %add3A_180 : i32 to vector<16xi32>
        %parallel_loop3A_270 = arith.minsi %parallel_loop3A_269, %parallel_loop3A_268 : vector<16xi32>
        %parallel_loop3A_271 = tpu.vector_load_idx %arg7[%parallel_loop3A_270] : memref<6144xf32, #tpu.memory_space<vmem>>[vector<16xi32>], vector<16xf32>,
        %parallel_loop3A_272 = tpu.vector_load_idx %arg8[%parallel_loop3A_270] : memref<6144xf32, #tpu.memory_space<vmem>>[vector<16xi32>], vector<16xf32>,
        %parallel_loop3A_273 = arith.mulf %parallel_loop3A_271, %parallel_loop3A_261 : vector<16xf32>
        %parallel_loop3A_274 = arith.addf %parallel_loop3A_273, %parallel_loop3A_272 : vector<16xf32>
        %parallel_loop3A_275 = arith.index_cast %parallel_loop3A_258 : i32 to index
        %parallel_loop3A_276 = arith.constant 0 : index
        %parallel_loop3A_277 = tpu.vector_load %arg13[%parallel_loop3A_275, %parallel_loop3A_276] {strides = array<i32>} : memref<112x224xf32, #tpu.memory_space<vmem>>, vector<16xf32>,
        tpu.vector_store %arg13[%parallel_loop3A_275, %parallel_loop3A_276], %parallel_loop3A_274 {strides = array<i32>} : memref<112x224xf32, #tpu.memory_space<vmem>>, vector<16xf32>,
        %parallel_loop3A_278 = arith.index_cast %parallel_loop3A_258 : i32 to index
        %parallel_loop3A_279 = arith.constant 16 : index
        %parallel_loop3A_280 = tpu.vector_load %arg11[%parallel_loop3A_278, %parallel_loop3A_279] {strides = array<i32>} : memref<112x224xf32, #tpu.memory_space<vmem>>, vector<16xf32>,
        %parallel_loop3A_281 = vector.broadcast %squeeze3A : f32 to vector<16xf32>
        %parallel_loop3A_282 = arith.mulf %parallel_loop3A_280, %parallel_loop3A_281 : vector<16xf32>
        %parallel_loop3A_283 = vector.broadcast %add3A_184 : f32 to vector<16xf32>
        %parallel_loop3A_284 = arith.addf %parallel_loop3A_282, %parallel_loop3A_283 : vector<16xf32>
        %parallel_loop3A_285 = arith.fptosi %parallel_loop3A_284 : vector<16xf32> to vector<16xi32>
        %parallel_loop3A_286 = vector.broadcast %mul3A_178 : i32 to vector<16xi32>
        %parallel_loop3A_287 = arith.maxsi %parallel_loop3A_286, %parallel_loop3A_285 : vector<16xi32>
        %parallel_loop3A_288 = vector.broadcast %add3A_180 : i32 to vector<16xi32>
        %parallel_loop3A_289 = arith.minsi %parallel_loop3A_288, %parallel_loop3A_287 : vector<16xi32>
        %parallel_loop3A_290 = tpu.vector_load_idx %arg7[%parallel_loop3A_289] : memref<6144xf32, #tpu.memory_space<vmem>>[vector<16xi32>], vector<16xf32>,
        %parallel_loop3A_291 = tpu.vector_load_idx %arg8[%parallel_loop3A_289] : memref<6144xf32, #tpu.memory_space<vmem>>[vector<16xi32>], vector<16xf32>,
        %parallel_loop3A_292 = arith.mulf %parallel_loop3A_290, %parallel_loop3A_280 : vector<16xf32>
        %parallel_loop3A_293 = arith.addf %parallel_loop3A_292, %parallel_loop3A_291 : vector<16xf32>
        %parallel_loop3A_294 = arith.index_cast %parallel_loop3A_258 : i32 to index
        %parallel_loop3A_295 = arith.constant 16 : index
        %parallel_loop3A_296 = tpu.vector_load %arg13[%parallel_loop3A_294, %parallel_loop3A_295] {strides = array<i32>} : memref<112x224xf32, #tpu.memory_space<vmem>>, vector<16xf32>,
        tpu.vector_store %arg13[%parallel_loop3A_294, %parallel_loop3A_295], %parallel_loop3A_293 {strides = array<i32>} : memref<112x224xf32, #tpu.memory_space<vmem>>, vector<16xf32>,
        %parallel_loop3A_297 = arith.index_cast %parallel_loop3A_258 : i32 to index
        %parallel_loop3A_298 = arith.constant 32 : index
        %parallel_loop3A_299 = tpu.vector_load %arg11[%parallel_loop3A_297, %parallel_loop3A_298] {strides = array<i32>} : memref<112x224xf32, #tpu.memory_space<vmem>>, vector<16xf32>,
        %parallel_loop3A_300 = vector.broadcast %squeeze3A : f32 to vector<16xf32>
        %parallel_loop3A_301 = arith.mulf %parallel_loop3A_299, %parallel_loop3A_300 : vector<16xf32>
        %parallel_loop3A_302 = vector.broadcast %add3A_184 : f32 to vector<16xf32>
        %parallel_loop3A_303 = arith.addf %parallel_loop3A_301, %parallel_loop3A_302 : vector<16xf32>
        %parallel_loop3A_304 = arith.fptosi %parallel_loop3A_303 : vector<16xf32> to vector<16xi32>
        %parallel_loop3A_305 = vector.broadcast %mul3A_178 : i32 to vector<16xi32>
        %parallel_loop3A_306 = arith.maxsi %parallel_loop3A_305, %parallel_loop3A_304 : vector<16xi32>
        %parallel_loop3A_307 = vector.broadcast %add3A_180 : i32 to vector<16xi32>
        %parallel_loop3A_308 = arith.minsi %parallel_loop3A_307, %parallel_loop3A_306 : vector<16xi32>
        %parallel_loop3A_309 = tpu.vector_load_idx %arg7[%parallel_loop3A_308] : memref<6144xf32, #tpu.memory_space<vmem>>[vector<16xi32>], vector<16xf32>,
        %parallel_loop3A_310 = tpu.vector_load_idx %arg8[%parallel_loop3A_308] : memref<6144xf32, #tpu.memory_space<vmem>>[vector<16xi32>], vector<16xf32>,
        %parallel_loop3A_311 = arith.mulf %parallel_loop3A_309, %parallel_loop3A_299 : vector<16xf32>
        %parallel_loop3A_312 = arith.addf %parallel_loop3A_311, %parallel_loop3A_310 : vector<16xf32>
        %parallel_loop3A_313 = arith.index_cast %parallel_loop3A_258 : i32 to index
        %parallel_loop3A_314 = arith.constant 32 : index
        %parallel_loop3A_315 = tpu.vector_load %arg13[%parallel_loop3A_313, %parallel_loop3A_314] {strides = array<i32>} : memref<112x224xf32, #tpu.memory_space<vmem>>, vector<16xf32>,
        tpu.vector_store %arg13[%parallel_loop3A_313, %parallel_loop3A_314], %parallel_loop3A_312 {strides = array<i32>} : memref<112x224xf32, #tpu.memory_space<vmem>>, vector<16xf32>,
        %parallel_loop3A_316 = arith.index_cast %parallel_loop3A_258 : i32 to index
        %parallel_loop3A_317 = arith.constant 48 : index
        %parallel_loop3A_318 = tpu.vector_load %arg11[%parallel_loop3A_316, %parallel_loop3A_317] {strides = array<i32>} : memref<112x224xf32, #tpu.memory_space<vmem>>, vector<16xf32>,
        %parallel_loop3A_319 = vector.broadcast %squeeze3A : f32 to vector<16xf32>
        %parallel_loop3A_320 = arith.mulf %parallel_loop3A_318, %parallel_loop3A_319 : vector<16xf32>
        %parallel_loop3A_321 = vector.broadcast %add3A_184 : f32 to vector<16xf32>
        %parallel_loop3A_322 = arith.addf %parallel_loop3A_320, %parallel_loop3A_321 : vector<16xf32>
        %parallel_loop3A_323 = arith.fptosi %parallel_loop3A_322 : vector<16xf32> to vector<16xi32>
        %parallel_loop3A_324 = vector.broadcast %mul3A_178 : i32 to vector<16xi32>
        %parallel_loop3A_325 = arith.maxsi %parallel_loop3A_324, %parallel_loop3A_323 : vector<16xi32>
        %parallel_loop3A_326 = vector.broadcast %add3A_180 : i32 to vector<16xi32>
        %parallel_loop3A_327 = arith.minsi %parallel_loop3A_326, %parallel_loop3A_325 : vector<16xi32>
        %parallel_loop3A_328 = tpu.vector_load_idx %arg7[%parallel_loop3A_327] : memref<6144xf32, #tpu.memory_space<vmem>>[vector<16xi32>], vector<16xf32>,
        %parallel_loop3A_329 = tpu.vector_load_idx %arg8[%parallel_loop3A_327] : memref<6144xf32, #tpu.memory_space<vmem>>[vector<16xi32>], vector<16xf32>,
        %parallel_loop3A_330 = arith.mulf %parallel_loop3A_328, %parallel_loop3A_318 : vector<16xf32>
        %parallel_loop3A_331 = arith.addf %parallel_loop3A_330, %parallel_loop3A_329 : vector<16xf32>
        %parallel_loop3A_332 = arith.index_cast %parallel_loop3A_258 : i32 to index
        %parallel_loop3A_333 = arith.constant 48 : index
        %parallel_loop3A_334 = tpu.vector_load %arg13[%parallel_loop3A_332, %parallel_loop3A_333] {strides = array<i32>} : memref<112x224xf32, #tpu.memory_space<vmem>>, vector<16xf32>,
        tpu.vector_store %arg13[%parallel_loop3A_332, %parallel_loop3A_333], %parallel_loop3A_331 {strides = array<i32>} : memref<112x224xf32, #tpu.memory_space<vmem>>, vector<16xf32>,
        %parallel_loop3A_335 = arith.index_cast %parallel_loop3A_258 : i32 to index
        %parallel_loop3A_336 = arith.constant 64 : index
        %parallel_loop3A_337 = tpu.vector_load %arg11[%parallel_loop3A_335, %parallel_loop3A_336] {strides = array<i32>} : memref<112x224xf32, #tpu.memory_space<vmem>>, vector<16xf32>,
        %parallel_loop3A_338 = vector.broadcast %squeeze3A : f32 to vector<16xf32>
        %parallel_loop3A_339 = arith.mulf %parallel_loop3A_337, %parallel_loop3A_338 : vector<16xf32>
        %parallel_loop3A_340 = vector.broadcast %add3A_184 : f32 to vector<16xf32>
        %parallel_loop3A_341 = arith.addf %parallel_loop3A_339, %parallel_loop3A_340 : vector<16xf32>
        %parallel_loop3A_342 = arith.fptosi %parallel_loop3A_341 : vector<16xf32> to vector<16xi32>
        %parallel_loop3A_343 = vector.broadcast %mul3A_178 : i32 to vector<16xi32>
        %parallel_loop3A_344 = arith.maxsi %parallel_loop3A_343, %parallel_loop3A_342 : vector<16xi32>
        %parallel_loop3A_345 = vector.broadcast %add3A_180 : i32 to vector<16xi32>
        %parallel_loop3A_346 = arith.minsi %parallel_loop3A_345, %parallel_loop3A_344 : vector<16xi32>
        %parallel_loop3A_347 = tpu.vector_load_idx %arg7[%parallel_loop3A_346] : memref<6144xf32, #tpu.memory_space<vmem>>[vector<16xi32>], vector<16xf32>,
        %parallel_loop3A_348 = tpu.vector_load_idx %arg8[%parallel_loop3A_346] : memref<6144xf32, #tpu.memory_space<vmem>>[vector<16xi32>], vector<16xf32>,
        %parallel_loop3A_349 = arith.mulf %parallel_loop3A_347, %parallel_loop3A_337 : vector<16xf32>
        %parallel_loop3A_350 = arith.addf %parallel_loop3A_349, %parallel_loop3A_348 : vector<16xf32>
        %parallel_loop3A_351 = arith.index_cast %parallel_loop3A_258 : i32 to index
        %parallel_loop3A_352 = arith.constant 64 : index
        %parallel_loop3A_353 = tpu.vector_load %arg13[%parallel_loop3A_351, %parallel_loop3A_352] {strides = array<i32>} : memref<112x224xf32, #tpu.memory_space<vmem>>, vector<16xf32>,
        tpu.vector_store %arg13[%parallel_loop3A_351, %parallel_loop3A_352], %parallel_loop3A_350 {strides = array<i32>} : memref<112x224xf32, #tpu.memory_space<vmem>>, vector<16xf32>,
        %parallel_loop3A_354 = arith.index_cast %parallel_loop3A_258 : i32 to index
        %parallel_loop3A_355 = arith.constant 80 : index
        %parallel_loop3A_356 = tpu.vector_load %arg11[%parallel_loop3A_354, %parallel_loop3A_355] {strides = array<i32>} : memref<112x224xf32, #tpu.memory_space<vmem>>, vector<16xf32>,
        %parallel_loop3A_357 = vector.broadcast %squeeze3A : f32 to vector<16xf32>
        %parallel_loop3A_358 = arith.mulf %parallel_loop3A_356, %parallel_loop3A_357 : vector<16xf32>
        %parallel_loop3A_359 = vector.broadcast %add3A_184 : f32 to vector<16xf32>
        %parallel_loop3A_360 = arith.addf %parallel_loop3A_358, %parallel_loop3A_359 : vector<16xf32>
        %parallel_loop3A_361 = arith.fptosi %parallel_loop3A_360 : vector<16xf32> to vector<16xi32>
        %parallel_loop3A_362 = vector.broadcast %mul3A_178 : i32 to vector<16xi32>
        %parallel_loop3A_363 = arith.maxsi %parallel_loop3A_362, %parallel_loop3A_361 : vector<16xi32>
        %parallel_loop3A_364 = vector.broadcast %add3A_180 : i32 to vector<16xi32>
        %parallel_loop3A_365 = arith.minsi %parallel_loop3A_364, %parallel_loop3A_363 : vector<16xi32>
        %parallel_loop3A_366 = tpu.vector_load_idx %arg7[%parallel_loop3A_365] : memref<6144xf32, #tpu.memory_space<vmem>>[vector<16xi32>], vector<16xf32>,
        %parallel_loop3A_367 = tpu.vector_load_idx %arg8[%parallel_loop3A_365] : memref<6144xf32, #tpu.memory_space<vmem>>[vector<16xi32>], vector<16xf32>,
        %parallel_loop3A_368 = arith.mulf %parallel_loop3A_366, %parallel_loop3A_356 : vector<16xf32>
        %parallel_loop3A_369 = arith.addf %parallel_loop3A_368, %parallel_loop3A_367 : vector<16xf32>
        %parallel_loop3A_370 = arith.index_cast %parallel_loop3A_258 : i32 to index
        %parallel_loop3A_371 = arith.constant 80 : index
        %parallel_loop3A_372 = tpu.vector_load %arg13[%parallel_loop3A_370, %parallel_loop3A_371] {strides = array<i32>} : memref<112x224xf32, #tpu.memory_space<vmem>>, vector<16xf32>,
        tpu.vector_store %arg13[%parallel_loop3A_370, %parallel_loop3A_371], %parallel_loop3A_369 {strides = array<i32>} : memref<112x224xf32, #tpu.memory_space<vmem>>, vector<16xf32>,
        %parallel_loop3A_373 = arith.index_cast %parallel_loop3A_258 : i32 to index
        %parallel_loop3A_374 = arith.constant 96 : index
        %parallel_loop3A_375 = tpu.vector_load %arg11[%parallel_loop3A_373, %parallel_loop3A_374] {strides = array<i32>} : memref<112x224xf32, #tpu.memory_space<vmem>>, vector<16xf32>,
        %parallel_loop3A_376 = vector.broadcast %squeeze3A : f32 to vector<16xf32>
        %parallel_loop3A_377 = arith.mulf %parallel_loop3A_375, %parallel_loop3A_376 : vector<16xf32>
        %parallel_loop3A_378 = vector.broadcast %add3A_184 : f32 to vector<16xf32>
        %parallel_loop3A_379 = arith.addf %parallel_loop3A_377, %parallel_loop3A_378 : vector<16xf32>
        %parallel_loop3A_380 = arith.fptosi %parallel_loop3A_379 : vector<16xf32> to vector<16xi32>
        %parallel_loop3A_381 = vector.broadcast %mul3A_178 : i32 to vector<16xi32>
        %parallel_loop3A_382 = arith.maxsi %parallel_loop3A_381, %parallel_loop3A_380 : vector<16xi32>
        %parallel_loop3A_383 = vector.broadcast %add3A_180 : i32 to vector<16xi32>
        %parallel_loop3A_384 = arith.minsi %parallel_loop3A_383, %parallel_loop3A_382 : vector<16xi32>
        %parallel_loop3A_385 = tpu.vector_load_idx %arg7[%parallel_loop3A_384] : memref<6144xf32, #tpu.memory_space<vmem>>[vector<16xi32>], vector<16xf32>,
        %parallel_loop3A_386 = tpu.vector_load_idx %arg8[%parallel_loop3A_384] : memref<6144xf32, #tpu.memory_space<vmem>>[vector<16xi32>], vector<16xf32>,
        %parallel_loop3A_387 = arith.mulf %parallel_loop3A_385, %parallel_loop3A_375 : vector<16xf32>
        %parallel_loop3A_388 = arith.addf %parallel_loop3A_387, %parallel_loop3A_386 : vector<16xf32>
        %parallel_loop3A_389 = arith.index_cast %parallel_loop3A_258 : i32 to index
        %parallel_loop3A_390 = arith.constant 96 : index
        %parallel_loop3A_391 = tpu.vector_load %arg13[%parallel_loop3A_389, %parallel_loop3A_390] {strides = array<i32>} : memref<112x224xf32, #tpu.memory_space<vmem>>, vector<16xf32>,
        tpu.vector_store %arg13[%parallel_loop3A_389, %parallel_loop3A_390], %parallel_loop3A_388 {strides = array<i32>} : memref<112x224xf32, #tpu.memory_space<vmem>>, vector<16xf32>,
        %parallel_loop3A_392 = arith.index_cast %parallel_loop3A_258 : i32 to index
        %parallel_loop3A_393 = arith.constant 112 : index
        %parallel_loop3A_394 = tpu.vector_load %arg11[%parallel_loop3A_392, %parallel_loop3A_393] {strides = array<i32>} : memref<112x224xf32, #tpu.memory_space<vmem>>, vector<16xf32>,
        %parallel_loop3A_395 = vector.broadcast %squeeze3A : f32 to vector<16xf32>
        %parallel_loop3A_396 = arith.mulf %parallel_loop3A_394, %parallel_loop3A_395 : vector<16xf32>
        %parallel_loop3A_397 = vector.broadcast %add3A_184 : f32 to vector<16xf32>
        %parallel_loop3A_398 = arith.addf %parallel_loop3A_396, %parallel_loop3A_397 : vector<16xf32>
        %parallel_loop3A_399 = arith.fptosi %parallel_loop3A_398 : vector<16xf32> to vector<16xi32>
        %parallel_loop3A_400 = vector.broadcast %mul3A_178 : i32 to vector<16xi32>
        %parallel_loop3A_401 = arith.maxsi %parallel_loop3A_400, %parallel_loop3A_399 : vector<16xi32>
        %parallel_loop3A_402 = vector.broadcast %add3A_180 : i32 to vector<16xi32>
        %parallel_loop3A_403 = arith.minsi %parallel_loop3A_402, %parallel_loop3A_401 : vector<16xi32>
        %parallel_loop3A_404 = tpu.vector_load_idx %arg7[%parallel_loop3A_403] : memref<6144xf32, #tpu.memory_space<vmem>>[vector<16xi32>], vector<16xf32>,
        %parallel_loop3A_405 = tpu.vector_load_idx %arg8[%parallel_loop3A_403] : memref<6144xf32, #tpu.memory_space<vmem>>[vector<16xi32>], vector<16xf32>,
        %parallel_loop3A_406 = arith.mulf %parallel_loop3A_404, %parallel_loop3A_394 : vector<16xf32>
        %parallel_loop3A_407 = arith.addf %parallel_loop3A_406, %parallel_loop3A_405 : vector<16xf32>
        %parallel_loop3A_408 = arith.index_cast %parallel_loop3A_258 : i32 to index
        %parallel_loop3A_409 = arith.constant 112 : index
        %parallel_loop3A_410 = tpu.vector_load %arg13[%parallel_loop3A_408, %parallel_loop3A_409] {strides = array<i32>} : memref<112x224xf32, #tpu.memory_space<vmem>>, vector<16xf32>,
        tpu.vector_store %arg13[%parallel_loop3A_408, %parallel_loop3A_409], %parallel_loop3A_407 {strides = array<i32>} : memref<112x224xf32, #tpu.memory_space<vmem>>, vector<16xf32>,
        %parallel_loop3A_411 = arith.index_cast %parallel_loop3A_258 : i32 to index
        %parallel_loop3A_412 = arith.constant 128 : index
        %parallel_loop3A_413 = tpu.vector_load %arg11[%parallel_loop3A_411, %parallel_loop3A_412] {strides = array<i32>} : memref<112x224xf32, #tpu.memory_space<vmem>>, vector<16xf32>,
        %parallel_loop3A_414 = vector.broadcast %squeeze3A : f32 to vector<16xf32>
        %parallel_loop3A_415 = arith.mulf %parallel_loop3A_413, %parallel_loop3A_414 : vector<16xf32>
        %parallel_loop3A_416 = vector.broadcast %add3A_184 : f32 to vector<16xf32>
        %parallel_loop3A_417 = arith.addf %parallel_loop3A_415, %parallel_loop3A_416 : vector<16xf32>
        %parallel_loop3A_418 = arith.fptosi %parallel_loop3A_417 : vector<16xf32> to vector<16xi32>
        %parallel_loop3A_419 = vector.broadcast %mul3A_178 : i32 to vector<16xi32>
        %parallel_loop3A_420 = arith.maxsi %parallel_loop3A_419, %parallel_loop3A_418 : vector<16xi32>
        %parallel_loop3A_421 = vector.broadcast %add3A_180 : i32 to vector<16xi32>
        %parallel_loop3A_422 = arith.minsi %parallel_loop3A_421, %parallel_loop3A_420 : vector<16xi32>
        %parallel_loop3A_423 = tpu.vector_load_idx %arg7[%parallel_loop3A_422] : memref<6144xf32, #tpu.memory_space<vmem>>[vector<16xi32>], vector<16xf32>,
        %parallel_loop3A_424 = tpu.vector_load_idx %arg8[%parallel_loop3A_422] : memref<6144xf32, #tpu.memory_space<vmem>>[vector<16xi32>], vector<16xf32>,
        %parallel_loop3A_425 = arith.mulf %parallel_loop3A_423, %parallel_loop3A_413 : vector<16xf32>
        %parallel_loop3A_426 = arith.addf %parallel_loop3A_425, %parallel_loop3A_424 : vector<16xf32>
        %parallel_loop3A_427 = arith.index_cast %parallel_loop3A_258 : i32 to index
        %parallel_loop3A_428 = arith.constant 128 : index
        %parallel_loop3A_429 = tpu.vector_load %arg13[%parallel_loop3A_427, %parallel_loop3A_428] {strides = array<i32>} : memref<112x224xf32, #tpu.memory_space<vmem>>, vector<16xf32>,
        tpu.vector_store %arg13[%parallel_loop3A_427, %parallel_loop3A_428], %parallel_loop3A_426 {strides = array<i32>} : memref<112x224xf32, #tpu.memory_space<vmem>>, vector<16xf32>,
        %parallel_loop3A_430 = arith.index_cast %parallel_loop3A_258 : i32 to index
        %parallel_loop3A_431 = arith.constant 144 : index
        %parallel_loop3A_432 = tpu.vector_load %arg11[%parallel_loop3A_430, %parallel_loop3A_431] {strides = array<i32>} : memref<112x224xf32, #tpu.memory_space<vmem>>, vector<16xf32>,
        %parallel_loop3A_433 = vector.broadcast %squeeze3A : f32 to vector<16xf32>
        %parallel_loop3A_434 = arith.mulf %parallel_loop3A_432, %parallel_loop3A_433 : vector<16xf32>
        %parallel_loop3A_435 = vector.broadcast %add3A_184 : f32 to vector<16xf32>
        %parallel_loop3A_436 = arith.addf %parallel_loop3A_434, %parallel_loop3A_435 : vector<16xf32>
        %parallel_loop3A_437 = arith.fptosi %parallel_loop3A_436 : vector<16xf32> to vector<16xi32>
        %parallel_loop3A_438 = vector.broadcast %mul3A_178 : i32 to vector<16xi32>
        %parallel_loop3A_439 = arith.maxsi %parallel_loop3A_438, %parallel_loop3A_437 : vector<16xi32>
        %parallel_loop3A_440 = vector.broadcast %add3A_180 : i32 to vector<16xi32>
        %parallel_loop3A_441 = arith.minsi %parallel_loop3A_440, %parallel_loop3A_439 : vector<16xi32>
        %parallel_loop3A_442 = tpu.vector_load_idx %arg7[%parallel_loop3A_441] : memref<6144xf32, #tpu.memory_space<vmem>>[vector<16xi32>], vector<16xf32>,
        %parallel_loop3A_443 = tpu.vector_load_idx %arg8[%parallel_loop3A_441] : memref<6144xf32, #tpu.memory_space<vmem>>[vector<16xi32>], vector<16xf32>,
        %parallel_loop3A_444 = arith.mulf %parallel_loop3A_442, %parallel_loop3A_432 : vector<16xf32>
        %parallel_loop3A_445 = arith.addf %parallel_loop3A_444, %parallel_loop3A_443 : vector<16xf32>
        %parallel_loop3A_446 = arith.index_cast %parallel_loop3A_258 : i32 to index
        %parallel_loop3A_447 = arith.constant 144 : index
        %parallel_loop3A_448 = tpu.vector_load %arg13[%parallel_loop3A_446, %parallel_loop3A_447] {strides = array<i32>} : memref<112x224xf32, #tpu.memory_space<vmem>>, vector<16xf32>,
        tpu.vector_store %arg13[%parallel_loop3A_446, %parallel_loop3A_447], %parallel_loop3A_445 {strides = array<i32>} : memref<112x224xf32, #tpu.memory_space<vmem>>, vector<16xf32>,
        %parallel_loop3A_449 = arith.index_cast %parallel_loop3A_258 : i32 to index
        %parallel_loop3A_450 = arith.constant 160 : index
        %parallel_loop3A_451 = tpu.vector_load %arg11[%parallel_loop3A_449, %parallel_loop3A_450] {strides = array<i32>} : memref<112x224xf32, #tpu.memory_space<vmem>>, vector<16xf32>,
        %parallel_loop3A_452 = vector.broadcast %squeeze3A : f32 to vector<16xf32>
        %parallel_loop3A_453 = arith.mulf %parallel_loop3A_451, %parallel_loop3A_452 : vector<16xf32>
        %parallel_loop3A_454 = vector.broadcast %add3A_184 : f32 to vector<16xf32>
        %parallel_loop3A_455 = arith.addf %parallel_loop3A_453, %parallel_loop3A_454 : vector<16xf32>
        %parallel_loop3A_456 = arith.fptosi %parallel_loop3A_455 : vector<16xf32> to vector<16xi32>
        %parallel_loop3A_457 = vector.broadcast %mul3A_178 : i32 to vector<16xi32>
        %parallel_loop3A_458 = arith.maxsi %parallel_loop3A_457, %parallel_loop3A_456 : vector<16xi32>
        %parallel_loop3A_459 = vector.broadcast %add3A_180 : i32 to vector<16xi32>
        %parallel_loop3A_460 = arith.minsi %parallel_loop3A_459, %parallel_loop3A_458 : vector<16xi32>
        %parallel_loop3A_461 = tpu.vector_load_idx %arg7[%parallel_loop3A_460] : memref<6144xf32, #tpu.memory_space<vmem>>[vector<16xi32>], vector<16xf32>,
        %parallel_loop3A_462 = tpu.vector_load_idx %arg8[%parallel_loop3A_460] : memref<6144xf32, #tpu.memory_space<vmem>>[vector<16xi32>], vector<16xf32>,
        %parallel_loop3A_463 = arith.mulf %parallel_loop3A_461, %parallel_loop3A_451 : vector<16xf32>
        %parallel_loop3A_464 = arith.addf %parallel_loop3A_463, %parallel_loop3A_462 : vector<16xf32>
        %parallel_loop3A_465 = arith.index_cast %parallel_loop3A_258 : i32 to index
        %parallel_loop3A_466 = arith.constant 160 : index
        %parallel_loop3A_467 = tpu.vector_load %arg13[%parallel_loop3A_465, %parallel_loop3A_466] {strides = array<i32>} : memref<112x224xf32, #tpu.memory_space<vmem>>, vector<16xf32>,
        tpu.vector_store %arg13[%parallel_loop3A_465, %parallel_loop3A_466], %parallel_loop3A_464 {strides = array<i32>} : memref<112x224xf32, #tpu.memory_space<vmem>>, vector<16xf32>,
        %parallel_loop3A_468 = arith.index_cast %parallel_loop3A_258 : i32 to index
        %parallel_loop3A_469 = arith.constant 176 : index
        %parallel_loop3A_470 = tpu.vector_load %arg11[%parallel_loop3A_468, %parallel_loop3A_469] {strides = array<i32>} : memref<112x224xf32, #tpu.memory_space<vmem>>, vector<16xf32>,
        %parallel_loop3A_471 = vector.broadcast %squeeze3A : f32 to vector<16xf32>
        %parallel_loop3A_472 = arith.mulf %parallel_loop3A_470, %parallel_loop3A_471 : vector<16xf32>
        %parallel_loop3A_473 = vector.broadcast %add3A_184 : f32 to vector<16xf32>
        %parallel_loop3A_474 = arith.addf %parallel_loop3A_472, %parallel_loop3A_473 : vector<16xf32>
        %parallel_loop3A_475 = arith.fptosi %parallel_loop3A_474 : vector<16xf32> to vector<16xi32>
        %parallel_loop3A_476 = vector.broadcast %mul3A_178 : i32 to vector<16xi32>
        %parallel_loop3A_477 = arith.maxsi %parallel_loop3A_476, %parallel_loop3A_475 : vector<16xi32>
        %parallel_loop3A_478 = vector.broadcast %add3A_180 : i32 to vector<16xi32>
        %parallel_loop3A_479 = arith.minsi %parallel_loop3A_478, %parallel_loop3A_477 : vector<16xi32>
        %parallel_loop3A_480 = tpu.vector_load_idx %arg7[%parallel_loop3A_479] : memref<6144xf32, #tpu.memory_space<vmem>>[vector<16xi32>], vector<16xf32>,
        %parallel_loop3A_481 = tpu.vector_load_idx %arg8[%parallel_loop3A_479] : memref<6144xf32, #tpu.memory_space<vmem>>[vector<16xi32>], vector<16xf32>,
        %parallel_loop3A_482 = arith.mulf %parallel_loop3A_480, %parallel_loop3A_470 : vector<16xf32>
        %parallel_loop3A_483 = arith.addf %parallel_loop3A_482, %parallel_loop3A_481 : vector<16xf32>
        %parallel_loop3A_484 = arith.index_cast %parallel_loop3A_258 : i32 to index
        %parallel_loop3A_485 = arith.constant 176 : index
        %parallel_loop3A_486 = tpu.vector_load %arg13[%parallel_loop3A_484, %parallel_loop3A_485] {strides = array<i32>} : memref<112x224xf32, #tpu.memory_space<vmem>>, vector<16xf32>,
        tpu.vector_store %arg13[%parallel_loop3A_484, %parallel_loop3A_485], %parallel_loop3A_483 {strides = array<i32>} : memref<112x224xf32, #tpu.memory_space<vmem>>, vector<16xf32>,
        %parallel_loop3A_487 = arith.index_cast %parallel_loop3A_258 : i32 to index
        %parallel_loop3A_488 = arith.constant 192 : index
        %parallel_loop3A_489 = tpu.vector_load %arg11[%parallel_loop3A_487, %parallel_loop3A_488] {strides = array<i32>} : memref<112x224xf32, #tpu.memory_space<vmem>>, vector<16xf32>,
        %parallel_loop3A_490 = vector.broadcast %squeeze3A : f32 to vector<16xf32>
        %parallel_loop3A_491 = arith.mulf %parallel_loop3A_489, %parallel_loop3A_490 : vector<16xf32>
        %parallel_loop3A_492 = vector.broadcast %add3A_184 : f32 to vector<16xf32>
        %parallel_loop3A_493 = arith.addf %parallel_loop3A_491, %parallel_loop3A_492 : vector<16xf32>
        %parallel_loop3A_494 = arith.fptosi %parallel_loop3A_493 : vector<16xf32> to vector<16xi32>
        %parallel_loop3A_495 = vector.broadcast %mul3A_178 : i32 to vector<16xi32>
        %parallel_loop3A_496 = arith.maxsi %parallel_loop3A_495, %parallel_loop3A_494 : vector<16xi32>
        %parallel_loop3A_497 = vector.broadcast %add3A_180 : i32 to vector<16xi32>
        %parallel_loop3A_498 = arith.minsi %parallel_loop3A_497, %parallel_loop3A_496 : vector<16xi32>
        %parallel_loop3A_499 = tpu.vector_load_idx %arg7[%parallel_loop3A_498] : memref<6144xf32, #tpu.memory_space<vmem>>[vector<16xi32>], vector<16xf32>,
        %parallel_loop3A_500 = tpu.vector_load_idx %arg8[%parallel_loop3A_498] : memref<6144xf32, #tpu.memory_space<vmem>>[vector<16xi32>], vector<16xf32>,
        %parallel_loop3A_501 = arith.mulf %parallel_loop3A_499, %parallel_loop3A_489 : vector<16xf32>
        %parallel_loop3A_502 = arith.addf %parallel_loop3A_501, %parallel_loop3A_500 : vector<16xf32>
        %parallel_loop3A_503 = arith.index_cast %parallel_loop3A_258 : i32 to index
        %parallel_loop3A_504 = arith.constant 192 : index
        %parallel_loop3A_505 = tpu.vector_load %arg13[%parallel_loop3A_503, %parallel_loop3A_504] {strides = array<i32>} : memref<112x224xf32, #tpu.memory_space<vmem>>, vector<16xf32>,
        tpu.vector_store %arg13[%parallel_loop3A_503, %parallel_loop3A_504], %parallel_loop3A_502 {strides = array<i32>} : memref<112x224xf32, #tpu.memory_space<vmem>>, vector<16xf32>,
        %parallel_loop3A_506 = arith.index_cast %parallel_loop3A_258 : i32 to index
        %parallel_loop3A_507 = arith.constant 208 : index
        %parallel_loop3A_508 = tpu.vector_load %arg11[%parallel_loop3A_506, %parallel_loop3A_507] {strides = array<i32>} : memref<112x224xf32, #tpu.memory_space<vmem>>, vector<16xf32>,
        %parallel_loop3A_509 = vector.broadcast %squeeze3A : f32 to vector<16xf32>
        %parallel_loop3A_510 = arith.mulf %parallel_loop3A_508, %parallel_loop3A_509 : vector<16xf32>
        %parallel_loop3A_511 = vector.broadcast %add3A_184 : f32 to vector<16xf32>
        %parallel_loop3A_512 = arith.addf %parallel_loop3A_510, %parallel_loop3A_511 : vector<16xf32>
        %parallel_loop3A_513 = arith.fptosi %parallel_loop3A_512 : vector<16xf32> to vector<16xi32>
        %parallel_loop3A_514 = vector.broadcast %mul3A_178 : i32 to vector<16xi32>
        %parallel_loop3A_515 = arith.maxsi %parallel_loop3A_514, %parallel_loop3A_513 : vector<16xi32>
        %parallel_loop3A_516 = vector.broadcast %add3A_180 : i32 to vector<16xi32>
        %parallel_loop3A_517 = arith.minsi %parallel_loop3A_516, %parallel_loop3A_515 : vector<16xi32>
        %parallel_loop3A_518 = tpu.vector_load_idx %arg7[%parallel_loop3A_517] : memref<6144xf32, #tpu.memory_space<vmem>>[vector<16xi32>], vector<16xf32>,
        %parallel_loop3A_519 = tpu.vector_load_idx %arg8[%parallel_loop3A_517] : memref<6144xf32, #tpu.memory_space<vmem>>[vector<16xi32>], vector<16xf32>,
        %parallel_loop3A_520 = arith.mulf %parallel_loop3A_518, %parallel_loop3A_508 : vector<16xf32>
        %parallel_loop3A_521 = arith.addf %parallel_loop3A_520, %parallel_loop3A_519 : vector<16xf32>
        %parallel_loop3A_522 = arith.index_cast %parallel_loop3A_258 : i32 to index
        %parallel_loop3A_523 = arith.constant 208 : index
        %parallel_loop3A_524 = tpu.vector_load %arg13[%parallel_loop3A_522, %parallel_loop3A_523] {strides = array<i32>} : memref<112x224xf32, #tpu.memory_space<vmem>>, vector<16xf32>,
        tpu.vector_store %arg13[%parallel_loop3A_522, %parallel_loop3A_523], %parallel_loop3A_521 {strides = array<i32>} : memref<112x224xf32, #tpu.memory_space<vmem>>, vector<16xf32>,
      } {sc.loop_unroll_factor = 1 : i64, sc.parallel_access}
      %jit3A_202 = arith.constant 2 : i32
      %div3A_203 = arith.divsi %add3A_149, %jit3A_202 : i32
      %sign3A_204 = arith.constant 0 : i32
      %sign3A_205 = arith.cmpi sgt, %add3A_149, %sign3A_204 : i32
      %sign3A_206 = arith.extui %sign3A_205 : i1 to i32
      %sign3A_207 = arith.constant 0 : i32
      %sign3A_208 = arith.cmpi slt, %add3A_149, %sign3A_207 : i32
      %sign3A_209 = arith.extui %sign3A_208 : i1 to i32
      %sign3A_210 = arith.subi %sign3A_206, %sign3A_209 : i32
      %sign3A_211 = arith.constant 0 : i32
      %sign3A_212 = arith.cmpi sgt, %jit3A_202, %sign3A_211 : i32
      %sign3A_213 = arith.extui %sign3A_212 : i1 to i32
      %sign3A_214 = arith.constant 0 : i32
      %sign3A_215 = arith.cmpi slt, %jit3A_202, %sign3A_214 : i32
      %sign3A_216 = arith.extui %sign3A_215 : i1 to i32
      %sign3A_217 = arith.subi %sign3A_213, %sign3A_216 : i32
      %ne3A_218 = arith.cmpi ne, %sign3A_210, %sign3A_217 : i32
      %rem3A_219 = arith.remsi %add3A_149, %jit3A_202 : i32
      %ne3A_220 = arith.constant 0 : i32
      %ne3A_221 = arith.cmpi ne, %rem3A_219, %ne3A_220 : i32
      %and3A_222 = arith.andi %ne3A_218, %ne3A_221 : i1
      %sub3A_223 = arith.constant 1 : i32
      %sub3A_224 = arith.subi %div3A_203, %sub3A_223 : i32
      %select_n3A_225 = arith.select %and3A_222, %sub3A_224, %div3A_203 : i32
      %add3A_226 = arith.addi %mul3A_2, %select_n3A_225 : i32
      %jit3A_227 = arith.constant 2 : i32
      %eq3A_228 = arith.constant 0 : i32
      %eq3A_229 = arith.cmpi eq, %jit3A_227, %eq3A_228 : i32
      %jit3A_230 = arith.constant 1 : i32
      %select_n3A_231 = arith.select %eq3A_229, %jit3A_230, %jit3A_227 : i32
      %rem3A_232 = arith.remsi %add3A_149, %select_n3A_231 : i32
      %ne3A_233 = arith.constant 0 : i32
      %ne3A_234 = arith.cmpi ne, %rem3A_232, %ne3A_233 : i32
      %lt3A_235 = arith.constant 0 : i32
      %lt3A_236 = arith.cmpi slt, %rem3A_232, %lt3A_235 : i32
      %lt3A_237 = arith.constant 0 : i32
      %lt3A_238 = arith.cmpi slt, %select_n3A_231, %lt3A_237 : i32
      %ne3A_239 = arith.xori %lt3A_236, %lt3A_238 : i1
      %and3A_240 = arith.andi %ne3A_239, %ne3A_234 : i1
      %add3A_241 = arith.addi %rem3A_232, %select_n3A_231 : i32
      %select_n3A_242 = arith.select %and3A_240, %add3A_241, %rem3A_232 : i32
      %mul3A_243 = arith.constant 112 : i32
      %mul3A_244 = arith.muli %select_n3A_242, %mul3A_243 : i32
      %dma_start3A_245 = arith.constant 0 : i32
      %dma_start3A_246 = tpu.memref_slice %arg6[%add3A_226, %mul3A_244, %dma_start3A_245] : memref<384x224x224xf32, #tpu.memory_space<hbm>> -> memref<1x112x224xf32, #tpu.memory_space<hbm>>
      %dma_start3A_247 = tpu.memref_squeeze %dma_start3A_246 : memref<1x112x224xf32, #tpu.memory_space<hbm>> -> memref<112x224xf32, #tpu.memory_space<hbm>>
      %dma_start3A_248 = arith.constant 0 : i32
      %dma_start3A_249 = tpu.memref_slice %arg6[%add3A_226, %mul3A_244, %dma_start3A_248] : memref<384x224x224xf32, #tpu.memory_space<hbm>> -> memref<1x112x224xf32, #tpu.memory_space<hbm>>
      %dma_start3A_250 = tpu.memref_squeeze %dma_start3A_249 : memref<1x112x224xf32, #tpu.memory_space<hbm>> -> memref<112x224xf32, #tpu.memory_space<hbm>>
      tpu.enqueue_dma source(%arg13 : memref<112x224xf32, #tpu.memory_space<vmem>>) target(%dma_start3A_250 : memref<112x224xf32, #tpu.memory_space<hbm>>) target_semaphore(%arg17 : memref<!tpu.dma_semaphore, #tpu.memory_space<semaphore_mem>>)
      %add3A_251 = arith.constant 2 : i32
      %add3A_252 = arith.addi %add3A_149, %add3A_251 : i32
      %lt3A_253 = arith.constant 24 : i32
      %lt3A_254 = arith.cmpi slt, %add3A_252, %lt3A_253 : i32
      %convert_element_type3A_255 = arith.extui %lt3A_254 : i1 to i32
      %cond3A_256 = arith.constant 0 : i32
      %cond3A_257 = arith.cmpi ne, %convert_element_type3A_255, %cond3A_256 : i32
      scf.if %cond3A_257 {
        %add3A_258 = arith.constant 2 : i32
        %add3A_259 = arith.addi %add3A_149, %add3A_258 : i32
        %jit3A_260 = arith.constant 2 : i32
        %div3A_261 = arith.divsi %add3A_259, %jit3A_260 : i32
        %sign3A_262 = arith.constant 0 : i32
        %sign3A_263 = arith.cmpi sgt, %add3A_259, %sign3A_262 : i32
        %sign3A_264 = arith.extui %sign3A_263 : i1 to i32
        %sign3A_265 = arith.constant 0 : i32
        %sign3A_266 = arith.cmpi slt, %add3A_259, %sign3A_265 : i32
        %sign3A_267 = arith.extui %sign3A_266 : i1 to i32
        %sign3A_268 = arith.subi %sign3A_264, %sign3A_267 : i32
        %sign3A_269 = arith.constant 0 : i32
        %sign3A_270 = arith.cmpi sgt, %jit3A_260, %sign3A_269 : i32
        %sign3A_271 = arith.extui %sign3A_270 : i1 to i32
        %sign3A_272 = arith.constant 0 : i32
        %sign3A_273 = arith.cmpi slt, %jit3A_260, %sign3A_272 : i32
        %sign3A_274 = arith.extui %sign3A_273 : i1 to i32
        %sign3A_275 = arith.subi %sign3A_271, %sign3A_274 : i32
        %ne3A_276 = arith.cmpi ne, %sign3A_268, %sign3A_275 : i32
        %rem3A_277 = arith.remsi %add3A_259, %jit3A_260 : i32
        %ne3A_278 = arith.constant 0 : i32
        %ne3A_279 = arith.cmpi ne, %rem3A_277, %ne3A_278 : i32
        %and3A_280 = arith.andi %ne3A_276, %ne3A_279 : i1
        %sub3A_281 = arith.constant 1 : i32
        %sub3A_282 = arith.subi %div3A_261, %sub3A_281 : i32
        %select_n3A_283 = arith.select %and3A_280, %sub3A_282, %div3A_261 : i32
        %add3A_284 = arith.addi %mul3A_2, %select_n3A_283 : i32
        %jit3A_285 = arith.constant 2 : i32
        %eq3A_286 = arith.constant 0 : i32
        %eq3A_287 = arith.cmpi eq, %jit3A_285, %eq3A_286 : i32
        %jit3A_288 = arith.constant 1 : i32
        %select_n3A_289 = arith.select %eq3A_287, %jit3A_288, %jit3A_285 : i32
        %rem3A_290 = arith.remsi %add3A_259, %select_n3A_289 : i32
        %ne3A_291 = arith.constant 0 : i32
        %ne3A_292 = arith.cmpi ne, %rem3A_290, %ne3A_291 : i32
        %lt3A_293 = arith.constant 0 : i32
        %lt3A_294 = arith.cmpi slt, %rem3A_290, %lt3A_293 : i32
        %lt3A_295 = arith.constant 0 : i32
        %lt3A_296 = arith.cmpi slt, %select_n3A_289, %lt3A_295 : i32
        %ne3A_297 = arith.xori %lt3A_294, %lt3A_296 : i1
        %and3A_298 = arith.andi %ne3A_297, %ne3A_292 : i1
        %add3A_299 = arith.addi %rem3A_290, %select_n3A_289 : i32
        %select_n3A_300 = arith.select %and3A_298, %add3A_299, %rem3A_290 : i32
        %mul3A_301 = arith.constant 112 : i32
        %mul3A_302 = arith.muli %select_n3A_300, %mul3A_301 : i32
        %dma_start3A_303 = arith.constant 0 : i32
        %dma_start3A_304 = tpu.memref_slice %arg2[%add3A_284, %mul3A_302, %dma_start3A_303] : memref<384x224x224xf32, #tpu.memory_space<hbm>> -> memref<1x112x224xf32, #tpu.memory_space<hbm>>
        %dma_start3A_305 = tpu.memref_squeeze %dma_start3A_304 : memref<1x112x224xf32, #tpu.memory_space<hbm>> -> memref<112x224xf32, #tpu.memory_space<hbm>>
        %dma_start3A_306 = arith.constant 0 : i32
        %dma_start3A_307 = tpu.memref_slice %arg2[%add3A_284, %mul3A_302, %dma_start3A_306] : memref<384x224x224xf32, #tpu.memory_space<hbm>> -> memref<1x112x224xf32, #tpu.memory_space<hbm>>
        %dma_start3A_308 = tpu.memref_squeeze %dma_start3A_307 : memref<1x112x224xf32, #tpu.memory_space<hbm>> -> memref<112x224xf32, #tpu.memory_space<hbm>>
        tpu.enqueue_dma source(%dma_start3A_308 : memref<112x224xf32, #tpu.memory_space<hbm>>) target(%arg11 : memref<112x224xf32, #tpu.memory_space<vmem>>) target_semaphore(%arg15 : memref<!tpu.dma_semaphore, #tpu.memory_space<semaphore_mem>>)
      } else {
      }
    }
    %scan3A_29 = arith.constant 12 : i32
    %dma_wait3A = arith.constant 0 : i32
    %dma_wait3A_30 = arith.constant 0 : i32
    %dma_wait3A_31 = arith.constant 0 : i32
    %dma_wait3A_32 = tpu.memref_slice %arg6[%dma_wait3A, %dma_wait3A_30, %dma_wait3A_31] : memref<384x224x224xf32, #tpu.memory_space<hbm>> -> memref<1x112x224xf32, #tpu.memory_space<hbm>>
    %dma_wait3A_33 = tpu.memref_squeeze %dma_wait3A_32 : memref<1x112x224xf32, #tpu.memory_space<hbm>> -> memref<112x224xf32, #tpu.memory_space<hbm>>
    %dma_wait3A_34 = arith.constant 0 : i32
    %dma_wait3A_35 = arith.constant 0 : i32
    %dma_wait3A_36 = tpu.memref_slice %arg6[%dma_wait3A, %dma_wait3A_34, %dma_wait3A_35] : memref<384x224x224xf32, #tpu.memory_space<hbm>> -> memref<1x112x224xf32, #tpu.memory_space<hbm>>
    %dma_wait3A_37 = tpu.memref_squeeze %dma_wait3A_36 : memref<1x112x224xf32, #tpu.memory_space<hbm>> -> memref<112x224xf32, #tpu.memory_space<hbm>>
    tpu.wait_dma2 semaphore(%arg16 : memref<!tpu.dma_semaphore, #tpu.memory_space<semaphore_mem>>) src(%arg12 : memref<112x224xf32, #tpu.memory_space<vmem>>) dst(%dma_wait3A_37 : memref<112x224xf32, #tpu.memory_space<hbm>>)
    %dma_wait3A_38 = arith.constant 0 : i32
    %dma_wait3A_39 = arith.constant 0 : i32
    %dma_wait3A_40 = arith.constant 0 : i32
    %dma_wait3A_41 = tpu.memref_slice %arg6[%dma_wait3A_38, %dma_wait3A_39, %dma_wait3A_40] : memref<384x224x224xf32, #tpu.memory_space<hbm>> -> memref<1x112x224xf32, #tpu.memory_space<hbm>>
    %dma_wait3A_42 = tpu.memref_squeeze %dma_wait3A_41 : memref<1x112x224xf32, #tpu.memory_space<hbm>> -> memref<112x224xf32, #tpu.memory_space<hbm>>
    %dma_wait3A_43 = arith.constant 0 : i32
    %dma_wait3A_44 = arith.constant 0 : i32
    %dma_wait3A_45 = tpu.memref_slice %arg6[%dma_wait3A_38, %dma_wait3A_43, %dma_wait3A_44] : memref<384x224x224xf32, #tpu.memory_space<hbm>> -> memref<1x112x224xf32, #tpu.memory_space<hbm>>
    %dma_wait3A_46 = tpu.memref_squeeze %dma_wait3A_45 : memref<1x112x224xf32, #tpu.memory_space<hbm>> -> memref<112x224xf32, #tpu.memory_space<hbm>>
    tpu.wait_dma2 semaphore(%arg17 : memref<!tpu.dma_semaphore, #tpu.memory_space<semaphore_mem>>) src(%arg13 : memref<112x224xf32, #tpu.memory_space<vmem>>) dst(%dma_wait3A_46 : memref<112x224xf32, #tpu.memory_space<hbm>>)
    return
  }
}

</mosaic_0001>

<sc_bundles>
// kernel: kernel.3.cloned.1.call-start
scs
__scs_entry_jumppad:
0x0: {  	(pc) =	sbr.rel $0x88, $3  }
0x1: {  	(tag) =	ssettag $0x0;
	lr =	simm.s32 $0x1  }
0x2: {  	[smem:$0x3F9E] =	sst lr;
	_ =	strace $0xD0000000  }
0x3: {  	_ = 	snop  }
0x4: {  	_ = 	snop  }
0x5: {  	_ = 	snop  }
0x6: {  	_ = 	snop  }
0x7: {  	_ = 	snop  }
__scs_overlays_trampoline_lowered:
0x8: {  	[smem:$0x3FAD] =	sst s0  }
0x9: {  	[smem:$0x3FAE] =	sst s1  }
0xa: {  	[smem:$0x3FAF] =	sst s2  }
0xb: {  	[smem:$0x3FB0] =	sst s3  }
0xc: {  	[smem:$0x3FB1] =	sst s4  }
0xd: {  	[smem:$0x3FB2] =	sst s5  }
0xe: {  	[smem:$0x3FB3] =	sst s6  }
0xf: {  	[smem:$0x3FB4] =	sst s7  }
0x10: {  	[smem:$0x3FB5] =	sst s8  }
0x11: {  	[smem:$0x3FB6] =	sst s9;
	s0 =	simm.s32 @!p0 $0x0  }
0x12: {  	s1 =	sld [smem:$0x3F9C];
	s0 =	simm.s32 @p0 $0x1  }
0x13: {  	[smem:$0x3FB7] =	sst s0;
	s0 =	simm.s32 @!p1 $0x0  }
0x14: {  	s2 =	sld [smem:$0x3F9B];
	s0 =	simm.s32 @p1 $0x1  }
0x15: {  	[smem:$0x3FB8] =	sst s0;
	s0 =	simm.s32 @!p2 $0x0  }
0x16: {  	s3 =	sld [smem:$0x3FDB];
	s0 =	simm.s32 @p2 $0x1  }
0x17: {  	s4 =	simm.s32 $0x1BF5;
	[smem:$0x3FBA] =	sst s0  }
0x18: {  	s0 =	sld [smem:$0x3F9D];
	_ =	swait.ge [sflag:s4], $0x0  }
0x19: {  	s7 =	sld [smem:$0x3F9E]  }
0x1a: {  	s8 =	sadd.s32 $0xFFFFE003, lr  }
0x1b: {  	s9 =	sadd.s32 $0xFFFFFEF7, lr;
	s5 =	simm.s32 $0xFFFFFFFF;
	p2 =	slt.u32 s8, $0xFFFFF086  }
0x1c: {  	p1 =	slt.u32 s9, $0xF7A;
	s5 =	simm.s32 @!p2 $0x0  }
0x1d: {  	s5 =	simm.s32 @p1 $0x1;
	p0 =	seq.s32 s7, s2  }
0x1e: {  	s7 =	smul.u32 @!p0 $0xF7A, s2;
	p2 =	seq.s32 @!p0 s5, $0x0  }
0x1f: {  	s9 =	smul.u32 $0xF7A, s1;
	s8 =	simm.s32 @!p0 $0x1BF5;
	p2 =	por !p2, p0  }
0x20: {  	[sflag:s8] =	ssyncset.s32 @!p0 $0xFFFFF086;
	s6 =	sadd.s32 @!p0 s3, s7;
	s7 =	simm.s32 @!p0 $0x108  }
0x21: {  	s3 =	sadd.s32 s3, s9;
	s6 =	sadd.s32 @!p0 $0x88, s6;
	s7 =	simm.s32 @p2 $0x1082  }
0x22: {  	[simem:s7], [sflag:s8] =	dma.local @!p0 [hbm:s6], $0xF7A  }
0x23: {  	s9 =	sor.u32 $0xD0000000, s2;
	s6 =	simm.s32 $0x108;
	_ =	swait.ge @!p0 [sflag:s8], $0x0  }
0x24: {  	s3 =	sadd.s32 $0x88, s3;
	s6 =	simm.s32 @!p1 $0x1082;
	[sflag:s4] =	ssyncset.s32 $0xFFFFF086  }
0x25: {  	[simem:s6], [sflag:s4] =	dma.local [hbm:s3], $0xF7A  }
0x26: {  	[smem:$0x3F9E] =	sst s1;
	(tag) =	ssettag s2;
	_ =	strace s9  }
0x27: {  	s1 =	sld [smem:$0x3FAE]  }
0x28: {  	s2 =	sld [smem:$0x3FAF]  }
0x29: {  	s4 =	sld [smem:$0x3FB1]  }
0x2a: {  	p0 =	seq.s32 s5, $0x0;
	s5 =	sld [smem:$0x3FB2]  }
0x2b: {  	s6 =	sld [smem:$0x3FB3]  }
0x2c: {  	s7 =	sld [smem:$0x3FB4]  }
0x2d: {  	s3 =	simm.s32 $0x108;
	s8 =	sld [smem:$0x3FB5]  }
0x2e: {  	s3 =	simm.s32 @!p0 $0x1082;
	s9 =	sld [smem:$0x3FB6]  }
0x2f: {  	lr =	sadd.s32 s0, s3;
	s0 =	sld [smem:$0x3FAD]  }
0x30: {  	s3 =	sld [smem:$0x3FB0]  }
0x31: {  	[smem:$0x3FB9] =	sst s10  }
0x32: {  	s10 =	sld [smem:$0x3FB7];
	_ =	sdelay $0x3  }
0x33: {  	p0 =	seq.s32 s10, $0x1;
	s10 =	sld [smem:$0x3FB9];
	_ =	sdelay $0x3  }
0x34: {  	[smem:$0x3FB9] =	sst s10  }
0x35: {  	s10 =	sld [smem:$0x3FB8];
	_ =	sdelay $0x3  }
0x36: {  	p1 =	seq.s32 s10, $0x1;
	s10 =	sld [smem:$0x3FB9];
	_ =	sdelay $0x3  }
0x37: {  	[smem:$0x3FB9] =	sst s10  }
0x38: {  	s10 =	sld [smem:$0x3FBA]  }
0x39: {  	_ = 	snop;
	(pc) =	sbr.ind lr, $3  }
0x3a: {  	_ = 	snop  }
0x3b: {  	_ = 	snop  }
0x3c: {  	p2 =	seq.s32 s10, $0x1;
	s10 =	sld [smem:$0x3FB9]  }
0x3d: {  	_ =	shalt  }
0x3e: {  	_ =	shalt  }
0x3f: {  	_ =	shalt  }
0x40: {  	_ =	shalt  }
0x41: {  	_ =	shalt  }
0x42: {  	_ =	shalt  }
0x43: {  	_ =	shalt  }
0x44: {  	_ =	shalt  }
0x45: {  	_ =	shalt  }
0x46: {  	_ =	shalt  }
0x47: {  	_ =	shalt  }
0x48: {  	_ =	shalt  }
0x49: {  	_ =	shalt  }
0x4a: {  	_ =	shalt  }
0x4b: {  	_ =	shalt  }
0x4c: {  	_ =	shalt  }
0x4d: {  	_ =	shalt  }
0x4e: {  	_ =	shalt  }
0x4f: {  	_ =	shalt  }
0x50: {  	_ =	shalt  }
0x51: {  	_ =	shalt  }
0x52: {  	_ =	shalt  }
0x53: {  	_ =	shalt  }
0x54: {  	_ =	shalt  }
0x55: {  	_ =	shalt  }
0x56: {  	_ =	shalt  }
0x57: {  	_ =	shalt  }
0x58: {  	_ =	shalt  }
0x59: {  	_ =	shalt  }
0x5a: {  	_ =	shalt  }
0x5b: {  	_ =	shalt  }
0x5c: {  	_ =	shalt  }
0x5d: {  	_ =	shalt  }
0x5e: {  	_ =	shalt  }
0x5f: {  	_ =	shalt  }
0x60: {  	_ =	shalt  }
0x61: {  	_ =	shalt  }
0x62: {  	_ =	shalt  }
0x63: {  	_ =	shalt  }
0x64: {  	_ =	shalt  }
0x65: {  	_ =	shalt  }
0x66: {  	_ =	shalt  }
0x67: {  	_ =	shalt  }
0x68: {  	_ =	shalt  }
0x69: {  	_ =	shalt  }
0x6a: {  	_ =	shalt  }
0x6b: {  	_ =	shalt  }
0x6c: {  	_ =	shalt  }
0x6d: {  	_ =	shalt  }
0x6e: {  	_ =	shalt  }
0x6f: {  	_ =	shalt  }
0x70: {  	_ =	shalt  }
0x71: {  	_ =	shalt  }
0x72: {  	_ =	shalt  }
0x73: {  	_ =	shalt  }
0x74: {  	_ =	shalt  }
0x75: {  	_ =	shalt  }
0x76: {  	_ =	shalt  }
0x77: {  	_ =	shalt  }
0x78: {  	_ =	shalt  }
0x79: {  	_ =	shalt  }
0x7a: {  	_ =	shalt  }
0x7b: {  	_ =	shalt  }
0x7c: {  	_ =	shalt  }
0x7d: {  	_ =	shalt  }
0x7e: {  	_ =	shalt  }
0x7f: {  	_ =	shalt  }
0x80: {  	_ =	shalt  }
0x81: {  	_ =	shalt  }
0x82: {  	_ =	shalt  }
0x83: {  	_ =	shalt  }
0x84: {  	_ =	shalt  }
0x85: {  	_ =	shalt  }
0x86: {  	_ =	shalt  }
0x87: {  	_ =	shalt  }
.Lfunc_end0:
.L_simem_size_0:
called_computation_lowered:
.L_overlay_start_0:
0x88: {  	s2 =	sld [smem:$0x3FD9]  }
0x89: {  	s3 =	sld [smem:$0x3FFE];
	_ =	sdelay $0x1  }
0x8a: {  	s1 =	srdreg.scid  }
0x8b: {  	s0 =	sand.u32 $0x1, s1  }
0x8c: {  	s17 =	sshll.u32 s0, $0xA;
	s2 =	sadd.s32 s3, s2  }
0x8d: {  	s2 =	sadd.s32 s2, s17  }
0x8e: {  	[smem:$0x3FC5] =	sst s2  }
0x8f: {  	_ = 	snop  }
0x90: {  	s2 =	sld [smem:$0x3FC9]  }
0x91: {  	s18 =	sld [smem:$0x3FD0];
	(tm) =	ssettm $0x1  }
0x92: {  	s4 =	sld [smem:$0x3FFB];
	_ =	sdelay $0x3  }
0x93: {  	_ =	strace s4  }
0x94: {  	s4 =	sld [smem:$0x3FFC];
	_ =	sdelay $0x3  }
0x95: {  	_ =	strace s4  }
0x96: {  	s4 =	sld [smem:$0x3FFD];
	_ =	sdelay $0x3  }
0x97: {  	_ =	strace s4  }
0x98: {  	_ =	strace $0x8FFFFFFF  }
0x99: {  	s19 =	sld [smem:$0x3FDB];
	_ =	sdelay $0x1  }
0x9a: {  	s5 =	simm.s32 $_scs_section_size  }
0x9b: {  	s6 =	simm.s32 $_size__tile_overlayer_lowered;
	s7 =	simm.s32 $_tile_overlayer_lowered  }
0x9c: {  	s22 =	simm.s32 $0x1BFF;
	s21 =	sshll.u32 s7, $0x1;
	s4 =	sadd.s32 s5, s19  }
0x9d: {  	s8 =	simm.s32 $0x0;
	s20 =	sshll.u32 s6, $0x1;
	s6 =	sadd.s32 s21, s4  }
0x9e: {  	[timem:s8], [sflag:s22] =	dma.local [hbm:s6], s20  }
0x9f: {  	_ =	swait.ge [sflag:s22], s20  }
0xa0: {  	s5 =	ssub.s32 $0x0, s20;
	[sflag:s22] =	ssyncset.done $0x0  }
0xa1: {  	[sflag:s22] =	ssyncadd.s32 s5;
	_ =	sdelay $0x1  }
0xa2: {  	s23 =	simm.s32 $0x1B8B  }
0xa3: {  	_ =	swait.ge [sflag:s23], $0x1  }
0xa4: {  	[sflag:s23] =	ssyncset.done $0x0  }
0xa5: {  	s25 =	simm.s32 $0x1B8E;
	s24 =	sld [smem:$0x3FFE];
	[sflag:s23] =	ssyncadd.s32 $0xFFFFFFFF  }
0xa6: {  	s26 =	simm.s32 $execute0_lowered;
	[smem:$0x3FD2] =	sst s25  }
0xa7: {  	s6 =	sshll.u32 s26, $0x1;
	_ =	strace $0x80000046;
	[dreg:$0x1] =	wrdreg $0xFFFFFFFF  }
0xa8: {  	s28 =	simm.s32 $_size_execute0_lowered;
	s4 =	sadd.s32 s4, s6;
	[dreg:$0x0] =	wrdreg $0x0  }
0xa9: {  	s6 =	sshll.u32 s28, $0x1;
	[dreg:$0x2] =	wrdreg s4  }
0xaa: {  	[dreg:$0x3] =	wrdreg s6  }
0xab: {  	[dreg:$0x4] =	wrdreg $0xC0  }
0xac: {  	_ =	task [dreg:s8], $0x5FFFF  }
0xad: {  	[dreg:$0x1] =	wrdreg $0xFFFFFFFF  }
0xae: {  	[dreg:$0x0] =	wrdreg $0x60  }
0xaf: {  	[dreg:$0x2] =	wrdreg s2  }
0xb0: {  	[dreg:$0x3] =	wrdreg s24  }
0xb1: {  	[dreg:$0x4] =	wrdreg s18  }
0xb2: {  	[dreg:$0x5] =	wrdreg $0x9  }
0xb3: {  	_ =	task.clear_ibuf [dreg:s8], $0x6FFFF;
	_ =	strace $0x90000046  }
0xb4: {  	s29 =	simm.s32 $0x9;
	_ =	strace $0x80000048  }
0xb5: {  	_ =	swait.ge [sflag:s29], $0x1  }
0xb6: {  	[sflag:s29] =	ssyncadd.s32 $0xFFFFFFFF  }
0xb7: {  	_ =	strace $0x90000048  }
0xb8: {  	_ =	sfence  }
0xb9: {  	s30 =	sld [smem:$0x0];
	_ =	sdelay $0x2  }
0xba: {  	s31 =	sshll.u32 s1, $0xD;
	s1 =	sshrl.u32 s1, $0x2  }
0xbb: {  	s3 =	sand.u32 $0x4000, s31;
	s1 =	sadd.s32 s1, s30  }
0xbc: {  	s0 =	sor.u32 s3, s0;
	s1 =	sshll.u32 s1, $0x11  }
0xbd: {  	s0 =	sor.u32 s1, s0  }
0xbe: {  	s0 =	sadd.s32 $0x8F2B, s0  }
0xbf: {  	[sflag:s0] =	ssyncadd.remote.s32 $0x1  }
0xc0: {  	_ =	sfence.sel $0xFFFF  }
0xc1: {  	[dreg:$0x0] =	wrdreg $0xFFFFFFFF;
	(pc) =	sbr.abs _section_cstart, $3  }
0xc2: {  	[dreg:$0x1] =	wrdreg $0xFFFFFFFF  }
0xc3: {  	_ =	task.clear_ibuf [dreg:s8], $0x2FFFF;
	_ =	strace $0x9FFFFFFF  }
0xc4: {  	(tm) =	ssettm $0x7FFFFFFF  }
0xc5: {  	_ =	shalt  }
tec
execute0_lowered:
.L_overlay_start_1:
0x0: {  	(tag) =	ssettag $0x1  }
0x1: {  	s1 =	rddreg [dreg:$0x0]  }
0x2: {  	s0 =	rddreg [dreg:$0x1]  }
0x3: {  	s3 =	rddreg [dreg:$0x2];
	s4 =	simm.s32 $0x0  }
0x4: {  	s2 =	srdreg.scid;
	s5 =	stileid.u32;
	s13 =	simm.s32 $0x3080  }
0x5: {  	s14 =	simm.s32 $0xA080;
	s15 =	simm.s32 $0x5;
	s16 =	simm.s32 $0x1800  }
0x6: {  	s18 =	simm.s32 $0x1;
	s19 =	simm.s32 $0x11080;
	s20 =	simm.s32 $0x2  }
0x7: {  	s21 =	simm.s32 $0x4;
	s22 =	simm.s32 $0x18080;
	s23 =	simm.s32 $0x3  }
0x8: {  	s24 =	simm.s32 $0x0;
	[smem:$0x7FF] =	sst s4;
	s2 =	sand.u32 $0x1, s2  }
0x9: {  	s5 =	sshll.u32 s5, $0x1;
	s6 =	sadd.s32 $0x1400, s0;
	s30 =	sadd.s32 $0x1800, s0  }
.Ltmp0:
0xa: {  	s8 =	sadd.s32 $0xE00, s0;
	s5 =	sor.u32 s2, s5;
	(pc) =	sbr.rel .LBB2_1-.Ltmp0, $4  }
0xb: {  	_ =	strace $0x80000047;
	s2 =	ssub.s32 $0x2, s2;
	s9 =	smul.u32 $0x15000, s5  }
0xc: {  	[dreg:$0x4] =	wrdreg s6;
	s10 =	sshrl.u32 s2, $0x1;
	s7 =	smul.u32 $0xC, s5  }
0xd: {  	[dreg:$0x5] =	wrdreg s30;
	s31 =	ssub.s32 s2, s10;
	s9 =	sadd.s32 s1, s9  }
0xe: {  	s11 =	sor.u32 $0x1, s7;
	s12 =	smax.u32 s31, $0x1;
	s10 =	sadd.s32 $0xE00, s9  }
.LBB2_12:
0xf: {  	s24 =	sadd.s32 $0x1, s24  }
0x10: {  	_ =	swait.ge [sflag:s23], $0x7000;
	p0 =	sne.s32 s24, s12  }
.Ltmp1:
0x11: {  	[sflag:s23] =	ssyncset.done $0x0;
	(pc) =	sbr.rel @!p0 .LBB2_13-.Ltmp1, $4  }
0x12: {  	[sflag:s23] =	ssyncadd.s32 $0xFFFF9000  }
0x13: {  	_ =	swait.ge [sflag:s21], $0x7000  }
0x14: {  	[sflag:s21] =	ssyncset.done $0x0  }
0x15: {  	[sflag:s21] =	ssyncadd.s32 $0xFFFF9000  }
.LBB2_1:
0x16: {  	[tilespmem:s13], [sflag:$0x1] =	stream.linear.gather [hbm4b:s9+s4], $0x7000, $0x38;
	[tilespmem:$0x1F080] =	vst v63  }
0x17: {  	_ = 	snop  }
0x18: {  	[tilespmem:s14], [sflag:$0x2] =	stream.linear.gather [hbm4b:s10+s4], $0x7000, $0x38;
	[tilespmem:$0x1F080] =	vst v63  }
0x19: {  	s0 =	rddreg [dreg:$0x4]  }
0x1a: {  	[tilespmem:s4], [sflag:$0x5] =	stream.linear.gather [hbm4b:s0+s4], $0x1800, $0x38;
	[tilespmem:$0x1F080] =	vst v63  }
0x1b: {  	_ =	swait.ge [sflag:s15], $0x1800  }
0x1c: {  	[sflag:s15] =	ssyncset.done $0x0  }
0x1d: {  	s30 =	rddreg [dreg:$0x5];
	[sflag:s15] =	ssyncadd.s32 $0xFFFFE800  }
0x1e: {  	[tilespmem:s16], [sflag:$0x5] =	stream.linear.gather [hbm4b:s30+s4], $0x1800, $0x38;
	[tilespmem:$0x1F080] =	vst v63  }
0x1f: {  	_ =	swait.ge [sflag:s15], $0x1800  }
0x20: {  	[sflag:s15] =	ssyncset.done $0x0  }
0x21: {  	s31 =	simm.s32 $0x3000;
	[sflag:s15] =	ssyncadd.s32 $0xFFFFE800  }
0x22: {  	[tilespmem:s31], [sflag:$0x5] =	stream.linear.gather [hbm4b:s8+s4], $0x80, $0x38;
	[tilespmem:$0x1F080] =	vst v63  }
0x23: {  	_ =	swait.ge [sflag:s15], $0x80  }
0x24: {  	[sflag:s15] =	ssyncset.done $0x0  }
0x25: {  	[sflag:s15] =	ssyncadd.s32 $0xFFFFFF80  }
0x26: {  	v0 =	vld [tilespmem:$0x3000];
	_ =	sdelay $0x4  }
0x27: {  	(v2sf) =	vpush v0, $0x1;
	_ =	sdelay $0xd  }
0x28: {  	v0 =	vbroadcast v0, $0x0  }
0x29: {  	s26 =	simm.s32 $0x0;
	s25 =	spop (v2sf)  }
.LBB2_2:
0x2a: {  	s28 =	sadd.s32 s7, s26  }
0x2b: {  	_ =	swait.ge [sflag:s18], $0x7000;
	s0 =	smulhi.u32 $0xAAAAAAAB, s28  }
0x2c: {  	p0 =	seq.s32 s26, $0x0;
	[sflag:s18] =	ssyncset.done $0x0  }
0x2d: {  	s2 =	simm.s32 @!p0 $0x3;
	[sflag:s18] =	ssyncadd.s32 $0xFFFF9000;
	s0 =	sshrl.u32 s0, $0x6  }
0x2e: {  	s5 =	simm.s32 $0x0;
	_ =	swait.ge @!p0 [sflag:s2], $0x7000;
	s0 =	smul.u32 $0x60, s0  }
0x2f: {  	s17 =	sand.u32 $0x7800, s5;
	s5 =	sand.u32 $0x380, s5;
	[sflag:s2] =	ssyncset.done @!p0 $0x0  }
0x30: {  	s29 =	sor.u32 s5, s17;
	[sflag:s2] =	ssyncadd.s32 @!p0 $0xFFFF9000;
	s0 =	ssub.s32 s28, s0  }
0x31: {  	v4 =	vld [tilespmem:s29+$0x3080];
	s6 =	sshll.u32 s0, $0x6  }
0x32: {  	s17 =	sor.u32 $0x1, s6  }
0x33: {  	s5 =	scvt.s32.f32 s17;
	_ =	sdelay $0x1  }
0x34: {  	s5 =	sadd.f32 s5, s25  }
0x35: {  	v1 =	vmul.f32 v4, v0  }
0x36: {  	v3 =	vmov s5  }
0x37: {  	v1 =	vadd.f32 v1, v3;
	_ =	sdelay $0x1  }
0x38: {  	v1 =	vtrunc.f32 v1  }
0x39: {  	v5 =	vld [tilespmem:s29+$0x3090];
	v6 =	vcvt.f32.s32 v1  }
0x3a: {  	v1 =	vmov s6  }
0x3b: {  	s0 =	sshllo.u32 s0, $0x6;
	vm0 =	vgt.s32 v1, v6  }
0x3c: {  	v2 =	vmov s0;
	v6 =	vsel vm0, v1, v6  }
0x3d: {  	v6 =	vmin.u32 v2, v6  }
0x3e: {  	v7 =	vmul.f32 v5, v0;
	_ =	sdelay $0x1  }
0x3f: {  	v7 =	vadd.f32 v7, v3;
	_ =	sdelay $0x1  }
0x40: {  	v7 =	vtrunc.f32 v7;
	v8 =	vld.idx.msk [tilespmem:v6+s4+$0x0], $0xffff  }
0x41: {  	v9 =	vld [tilespmem:s29+$0x30A0];
	v7 =	vcvt.f32.s32 v7  }
0x42: {  	v6 =	vld.idx.msk [tilespmem:v6+s16+$0x0], $0xffff  }
0x43: {  	vm7 =	vgt.s32 v1, v7  }
0x44: {  	v7 =	vsel vm7, v1, v7  }
0x45: {  	v7 =	vmin.u32 v2, v7;
	v4 =	vmul.f32 v8, v4  }
0x46: {  	v8 =	vmul.f32 v9, v0  }
0x47: {  	v4 =	vadd.f32 v6, v4  }
0x48: {  	v6 =	vadd.f32 v8, v3  }
0x49: {  	[tilespmem:s29+$0x11080] =	vst v4  }
0x4a: {  	v6 =	vtrunc.f32 v6;
	v4 =	vld.idx.msk [tilespmem:v7+s4+$0x0], $0xffff  }
0x4b: {  	v8 =	vld [tilespmem:s29+$0x30B0];
	v6 =	vcvt.f32.s32 v6  }
0x4c: {  	v7 =	vld.idx.msk [tilespmem:v7+s16+$0x0], $0xffff  }
0x4d: {  	vm8 =	vgt.s32 v1, v6  }
0x4e: {  	v6 =	vsel vm8, v1, v6  }
0x4f: {  	v4 =	vmul.f32 v4, v5;
	v5 =	vmin.u32 v2, v6  }
0x50: {  	s17 =	simm.s32 $0x80;
	s6 =	simm.s32 $0x100;
	v6 =	vmul.f32 v8, v0  }
0x51: {  	s2 =	sand.u32 $0x380, s17;
	s0 =	sand.u32 $0x7800, s6;
	v4 =	vadd.f32 v7, v4  }
0x52: {  	s30 =	sor.u32 s2, s0;
	v6 =	vadd.f32 v6, v3  }
0x53: {  	v7 =	vld [tilespmem:s30+$0x3080];
	[tilespmem:s29+$0x11090] =	vst v4  }
0x54: {  	v6 =	vtrunc.f32 v6;
	v4 =	vld.idx.msk [tilespmem:v5+s4+$0x0], $0xffff  }
0x55: {  	v11 =	vld [tilespmem:s29+$0x30C0];
	v6 =	vcvt.f32.s32 v6  }
0x56: {  	v5 =	vld.idx.msk [tilespmem:v5+s16+$0x0], $0xffff  }
0x57: {  	vm9 =	vgt.s32 v1, v6  }
0x58: {  	v12 =	vmul.f32 v7, v0;
	v6 =	vsel vm9, v1, v6  }
0x59: {  	v6 =	vmin.u32 v2, v6;
	v4 =	vmul.f32 v4, v9  }
0x5a: {  	v9 =	vadd.f32 v12, v3;
	v12 =	vmul.f32 v11, v0  }
0x5b: {  	v4 =	vadd.f32 v5, v4  }
0x5c: {  	v5 =	vtrunc.f32 v9;
	v12 =	vadd.f32 v12, v3  }
0x5d: {  	v13 =	vld [tilespmem:s30+$0x3090];
	v5 =	vcvt.f32.s32 v5;
	[tilespmem:s29+$0x110A0] =	vst v4  }
0x5e: {  	v12 =	vtrunc.f32 v12;
	v4 =	vld.idx.msk [tilespmem:v6+s4+$0x0], $0xffff  }
0x5f: {  	v9 =	vld [tilespmem:s29+$0x30D0];
	vm10 =	vgt.s32 v1, v5;
	v12 =	vcvt.f32.s32 v12  }
0x60: {  	v6 =	vld.idx.msk [tilespmem:v6+s16+$0x0], $0xffff;
	v5 =	vsel vm10, v1, v5  }
0x61: {  	v14 =	vmin.u32 v2, v5;
	vm11 =	vgt.s32 v1, v12  }
0x62: {  	v5 =	vmul.f32 v13, v0;
	v12 =	vsel vm11, v1, v12  }
0x63: {  	v4 =	vmul.f32 v4, v8;
	v8 =	vmin.u32 v2, v12  }
0x64: {  	v16 =	vadd.f32 v5, v3;
	v12 =	vmul.f32 v9, v0  }
0x65: {  	v15 =	vld [tilespmem:s30+$0x30A0];
	v4 =	vadd.f32 v6, v4  }
0x66: {  	v16 =	vtrunc.f32 v16;
	v6 =	vld.idx.msk [tilespmem:v14+s4+$0x0], $0xffff;
	v12 =	vadd.f32 v12, v3  }
0x67: {  	v14 =	vld.idx.msk [tilespmem:v14+s16+$0x0], $0xffff;
	[tilespmem:s29+$0x110B0] =	vst v4;
	v4 =	vcvt.f32.s32 v16  }
0x68: {  	v12 =	vtrunc.f32 v12;
	v16 =	vld.idx.msk [tilespmem:v8+s4+$0x0], $0xffff  }
0x69: {  	v10 =	vld [tilespmem:s29+$0x30E0];
	v12 =	vcvt.f32.s32 v12;
	vm12 =	vgt.s32 v1, v4  }
0x6a: {  	v8 =	vld.idx.msk [tilespmem:v8+s16+$0x0], $0xffff;
	v4 =	vsel vm12, v1, v4  }
0x6b: {  	v6 =	vmul.f32 v6, v7;
	vm13 =	vgt.s32 v1, v12;
	v4 =	vmin.u32 v2, v4  }
0x6c: {  	v17 =	vmul.f32 v15, v0;
	v12 =	vsel vm13, v1, v12  }
0x6d: {  	v6 =	vadd.f32 v14, v6;
	v12 =	vmin.u32 v2, v12;
	v11 =	vmul.f32 v16, v11  }
0x6e: {  	v14 =	vmul.f32 v10, v0;
	v16 =	vadd.f32 v17, v3  }
0x6f: {  	v18 =	vld [tilespmem:s30+$0x30B0];
	[tilespmem:s30+$0x11080] =	vst v6;
	v6 =	vadd.f32 v8, v11  }
0x70: {  	v11 =	vadd.f32 v14, v3;
	v14 =	vtrunc.f32 v16;
	v8 =	vld.idx.msk [tilespmem:v4+s4+$0x0], $0xffff  }
0x71: {  	v4 =	vld.idx.msk [tilespmem:v4+s16+$0x0], $0xffff;
	[tilespmem:s29+$0x110C0] =	vst v6;
	v6 =	vcvt.f32.s32 v14  }
0x72: {  	v11 =	vtrunc.f32 v11;
	v14 =	vld.idx.msk [tilespmem:v12+s4+$0x0], $0xffff  }
0x73: {  	v17 =	vld [tilespmem:s29+$0x30F0];
	v11 =	vcvt.f32.s32 v11;
	vm14 =	vgt.s32 v1, v6  }
0x74: {  	v12 =	vld.idx.msk [tilespmem:v12+s16+$0x0], $0xffff;
	v6 =	vsel vm14, v1, v6  }
0x75: {  	s5 =	simm.s32 $0x100;
	s2 =	simm.s32 $0x200;
	vm15 =	vgt.s32 v1, v11;
	v8 =	vmul.f32 v8, v13;
	v13 =	vmin.u32 v2, v6  }
0x76: {  	s0 =	sand.u32 $0x7800, s2;
	s2 =	sand.u32 $0x380, s5;
	v16 =	vmul.f32 v18, v0;
	v11 =	vsel vm15, v1, v11  }
0x77: {  	s31 =	sor.u32 s2, s0;
	v4 =	vadd.f32 v4, v8;
	v8 =	vmul.f32 v14, v9;
	v9 =	vmin.u32 v2, v11  }
0x78: {  	v19 =	vld [tilespmem:s31+$0x3080];
	v11 =	vadd.f32 v16, v3  }
0x79: {  	v14 =	vld [tilespmem:s30+$0x30C0];
	v16 =	vmul.f32 v17, v0;
	[tilespmem:s30+$0x11090] =	vst v4;
	v4 =	vadd.f32 v12, v8  }
0x7a: {  	v11 =	vtrunc.f32 v11;
	v8 =	vld.idx.msk [tilespmem:v13+s4+$0x0], $0xffff  }
0x7b: {  	v12 =	vadd.f32 v16, v3;
	v13 =	vld.idx.msk [tilespmem:v13+s16+$0x0], $0xffff;
	[tilespmem:s29+$0x110D0] =	vst v4;
	v4 =	vcvt.f32.s32 v11  }
0x7c: {  	v11 =	vld.idx.msk [tilespmem:v9+s4+$0x0], $0xffff  }
0x7d: {  	v12 =	vtrunc.f32 v12;
	vm4 =	vgt.s32 v1, v4  }
0x7e: {  	v7 =	vld [tilespmem:s29+$0x3480];
	v16 =	vmul.f32 v19, v0;
	v12 =	vcvt.f32.s32 v12;
	v4 =	vsel vm4, v1, v4  }
0x7f: {  	v9 =	vld.idx.msk [tilespmem:v9+s16+$0x0], $0xffff;
	v8 =	vmul.f32 v8, v15;
	v15 =	vmin.u32 v2, v4  }
0x80: {  	v16 =	vadd.f32 v16, v3;
	v20 =	vmul.f32 v14, v0;
	vm5 =	vgt.s32 v1, v12  }
0x81: {  	v21 =	vld [tilespmem:s30+$0x30D0];
	v12 =	vsel vm5, v1, v12;
	v8 =	vadd.f32 v13, v8;
	v11 =	vmul.f32 v11, v10  }
0x82: {  	s17 =	simm.s32 $0x180;
	s6 =	simm.s32 $0x300;
	v22 =	vld [tilespmem:s31+$0x3090];
	v13 =	vmin.u32 v2, v12;
	v12 =	vtrunc.f32 v16;
	v16 =	vadd.f32 v20, v3  }
0x83: {  	s0 =	sand.u32 $0x7800, s6;
	s2 =	sand.u32 $0x380, s17;
	v24 =	vld [tilespmem:s31+$0x30A0];
	v20 =	vmul.f32 v7, v0;
	[tilespmem:s30+$0x110A0] =	vst v8;
	v8 =	vcvt.f32.s32 v12  }
0x84: {  	s0 =	sor.u32 s2, s0;
	v9 =	vadd.f32 v9, v11;
	v16 =	vtrunc.f32 v16;
	v11 =	vld.idx.msk [tilespmem:v15+s4+$0x0], $0xffff  }
0x85: {  	v29 =	vld [tilespmem:s0+$0x3080];
	v20 =	vadd.f32 v20, v3;
	v16 =	vcvt.f32.s32 v16;
	vm6 =	vgt.s32 v1, v8  }
0x86: {  	v15 =	vld.idx.msk [tilespmem:v15+s16+$0x0], $0xffff;
	[tilespmem:s29+$0x110E0] =	vst v9;
	v8 =	vsel vm6, v1, v8  }
0x87: {  	v20 =	vtrunc.f32 v20;
	v9 =	vld.idx.msk [tilespmem:v13+s4+$0x0], $0xffff;
	vm7 =	vgt.s32 v1, v16;
	v8 =	vmin.u32 v2, v8  }
0x88: {  	v23 =	vmul.f32 v22, v0;
	v5 =	vld [tilespmem:s29+$0x3490];
	v20 =	vcvt.f32.s32 v20;
	v16 =	vsel vm7, v1, v16  }
0x89: {  	v13 =	vld.idx.msk [tilespmem:v13+s16+$0x0], $0xffff;
	v16 =	vmin.u32 v2, v16;
	v11 =	vmul.f32 v11, v18  }
0x8a: {  	v23 =	vadd.f32 v23, v3;
	v6 =	vld [tilespmem:s30+$0x30E0];
	vm8 =	vgt.s32 v1, v20  }
0x8b: {  	v4 =	vld [tilespmem:s29+$0x34D0];
	v18 =	vmul.f32 v21, v0;
	v25 =	vsel vm8, v1, v20;
	v11 =	vadd.f32 v15, v11  }
0x8c: {  	v9 =	vmul.f32 v9, v17;
	v15 =	vmin.u32 v2, v25;
	v17 =	vld.idx.msk [tilespmem:v8+s4+$0x0], $0xffff  }
0x8d: {  	v23 =	vtrunc.f32 v23;
	v25 =	vmul.f32 v5, v0;
	v18 =	vadd.f32 v18, v3;
	v8 =	vld.idx.msk [tilespmem:v8+s16+$0x0], $0xffff;
	[tilespmem:s30+$0x110B0] =	vst v11  }
0x8e: {  	v9 =	vadd.f32 v13, v9;
	v11 =	vcvt.f32.s32 v23;
	v13 =	vld.idx.msk [tilespmem:v16+s4+$0x0], $0xffff  }
0x8f: {  	v23 =	vld [tilespmem:s29+$0x34A0];
	v25 =	vadd.f32 v25, v3;
	v18 =	vtrunc.f32 v18  }
0x90: {  	v26 =	vmul.f32 v24, v0;
	v16 =	vld.idx.msk [tilespmem:v16+s16+$0x0], $0xffff;
	[tilespmem:s29+$0x110F0] =	vst v9;
	vm9 =	vgt.s32 v1, v11;
	v9 =	vcvt.f32.s32 v18  }
0x91: {  	v25 =	vtrunc.f32 v25;
	v18 =	vld.idx.msk [tilespmem:v15+s4+$0x0], $0xffff;
	v11 =	vsel vm9, v1, v11;
	v17 =	vmul.f32 v17, v19  }
0x92: {  	v20 =	vld [tilespmem:s30+$0x3490];
	v19 =	vcvt.f32.s32 v25;
	v11 =	vmin.u32 v2, v11;
	vm10 =	vgt.s32 v1, v9  }
0x93: {  	v15 =	vld.idx.msk [tilespmem:v15+s16+$0x0], $0xffff;
	v9 =	vsel vm10, v1, v9;
	v8 =	vadd.f32 v8, v17;
	v17 =	vmul.f32 v13, v14  }
0x94: {  	v26 =	vadd.f32 v26, v3;
	v10 =	vld [tilespmem:s29+$0x34C0];
	vm11 =	vgt.s32 v1, v19;
	v9 =	vmin.u32 v2, v9  }
0x95: {  	v25 =	vmul.f32 v6, v0;
	v14 =	vld [tilespmem:s30+$0x30F0];
	v19 =	vsel vm11, v1, v19;
	[tilespmem:s31+$0x11080] =	vst v8;
	v8 =	vadd.f32 v16, v17  }
0x96: {  	v16 =	vld [tilespmem:s31+$0x30B0];
	v7 =	vmul.f32 v18, v7;
	v17 =	vmin.u32 v2, v19;
	v18 =	vmul.f32 v23, v0  }
0x97: {  	v26 =	vtrunc.f32 v26;
	v30 =	vmul.f32 v20, v0;
	v25 =	vadd.f32 v25, v3;
	v19 =	vld.idx.msk [tilespmem:v11+s4+$0x0], $0xffff  }
0x98: {  	v11 =	vld.idx.msk [tilespmem:v11+s16+$0x0], $0xffff;
	[tilespmem:s30+$0x110C0] =	vst v8;
	v7 =	vadd.f32 v15, v7;
	v8 =	vcvt.f32.s32 v26;
	v15 =	vadd.f32 v18, v3  }
0x99: {  	v25 =	vtrunc.f32 v25;
	v26 =	vmul.f32 v4, v0;
	v18 =	vld.idx.msk [tilespmem:v9+s4+$0x0], $0xffff  }
0x9a: {  	v9 =	vld.idx.msk [tilespmem:v9+s16+$0x0], $0xffff;
	[tilespmem:s29+$0x11480] =	vst v7;
	vm12 =	vgt.s32 v1, v8;
	v7 =	vcvt.f32.s32 v25;
	v15 =	vtrunc.f32 v15  }
0x9b: {  	v25 =	vmul.f32 v10, v0;
	v26 =	vadd.f32 v26, v3;
	v27 =	vld.idx.msk [tilespmem:v17+s4+$0x0], $0xffff;
	v8 =	vsel vm12, v1, v8  }
0x9c: {  	v12 =	vld [tilespmem:s29+$0x34B0];
	v19 =	vmul.f32 v19, v22;
	v22 =	vmin.u32 v2, v8;
	vm13 =	vgt.s32 v1, v7  }
0x9d: {  	v13 =	vld [tilespmem:s30+$0x3480];
	v15 =	vcvt.f32.s32 v15;
	v28 =	vmul.f32 v16, v0;
	v7 =	vsel vm13, v1, v7  }
0x9e: {  	v17 =	vld.idx.msk [tilespmem:v17+s16+$0x0], $0xffff;
	v11 =	vadd.f32 v11, v19;
	v18 =	vmul.f32 v18, v21;
	v7 =	vmin.u32 v2, v7  }
0x9f: {  	v8 =	vld [tilespmem:s31+$0x30E0];
	vm14 =	vgt.s32 v1, v15;
	v19 =	vadd.f32 v28, v3;
	v21 =	vmul.f32 v14, v0  }
0xa0: {  	v28 =	vld [tilespmem:s31+$0x30C0];
	v15 =	vsel vm14, v1, v15;
	[tilespmem:s31+$0x11090] =	vst v11;
	v9 =	vadd.f32 v9, v18;
	v5 =	vmul.f32 v27, v5  }
0xa1: {  	v11 =	vmin.u32 v2, v15;
	v15 =	vmul.f32 v12, v0;
	v19 =	vtrunc.f32 v19;
	v18 =	vld.idx.msk [tilespmem:v22+s4+$0x0], $0xffff  }
0xa2: {  	v25 =	vadd.f32 v25, v3;
	v21 =	vadd.f32 v21, v3;
	v22 =	vld.idx.msk [tilespmem:v22+s16+$0x0], $0xffff;
	[tilespmem:s30+$0x110D0] =	vst v9;
	v9 =	vcvt.f32.s32 v19  }
0xa3: {  	v27 =	vmul.f32 v13, v0;
	v5 =	vadd.f32 v17, v5;
	v15 =	vadd.f32 v15, v3;
	v17 =	vld.idx.msk [tilespmem:v7+s4+$0x0], $0xffff  }
0xa4: {  	v31 =	vmul.f32 v8, v0;
	v32 =	vld.idx.msk [tilespmem:v7+s16+$0x0], $0xffff;
	v7 =	vtrunc.f32 v21;
	vm15 =	vgt.s32 v1, v9  }
0xa5: {  	v57 =	vld [tilespmem:s0+$0x3090];
	[tilespmem:s29+$0x11490] =	vst v5;
	v5 =	vcvt.f32.s32 v7;
	v7 =	vtrunc.f32 v15;
	v9 =	vsel vm15, v1, v9  }
0xa6: {  	v33 =	vld.idx.msk [tilespmem:v11+s4+$0x0], $0xffff;
	v34 =	vcvt.f32.s32 v7;
	v7 =	vmul.f32 v18, v24;
	v9 =	vmin.u32 v2, v9  }
0xa7: {  	v19 =	vmul.f32 v28, v0;
	v21 =	vld [tilespmem:s31+$0x30D0];
	v15 =	vmul.f32 v29, v0;
	vm4 =	vgt.s32 v1, v5  }
0xa8: {  	v11 =	vld.idx.msk [tilespmem:v11+s16+$0x0], $0xffff;
	v18 =	vsel vm4, v1, v5;
	v22 =	vadd.f32 v22, v7;
	v17 =	vmul.f32 v17, v6  }
0xa9: {  	v15 =	vadd.f32 v15, v3;
	v5 =	vld [tilespmem:s30+$0x34D0];
	vm5 =	vgt.s32 v1, v34;
	v18 =	vmin.u32 v2, v18  }
0xaa: {  	v19 =	vadd.f32 v19, v3;
	v6 =	vld [tilespmem:s30+$0x34C0];
	v24 =	vsel vm5, v1, v34;
	[tilespmem:s31+$0x110A0] =	vst v22;
	v17 =	vadd.f32 v32, v17  }
0xab: {  	v15 =	vtrunc.f32 v15;
	v22 =	vmul.f32 v33, v23;
	v23 =	vmin.u32 v2, v24;
	v24 =	vld.idx.msk [tilespmem:v9+s4+$0x0], $0xffff  }
0xac: {  	v15 =	vcvt.f32.s32 v15;
	v59 =	vld.idx.msk [tilespmem:v9+s16+$0x0], $0xffff;
	v9 =	vtrunc.f32 v19;
	[tilespmem:s30+$0x110E0] =	vst v17;
	v17 =	vadd.f32 v27, v3  }
0xad: {  	v7 =	vld [tilespmem:s30+$0x34B0];
	v11 =	vadd.f32 v11, v22;
	v9 =	vcvt.f32.s32 v9;
	v22 =	vtrunc.f32 v25  }
0xae: {  	vm6 =	vgt.s32 v1, v15;
	v27 =	vmul.f32 v57, v0;
	v19 =	vld.idx.msk [tilespmem:v18+s4+$0x0], $0xffff;
	v17 =	vtrunc.f32 v17  }
0xaf: {  	v15 =	vsel vm6, v1, v15;
	v18 =	vld.idx.msk [tilespmem:v18+s16+$0x0], $0xffff;
	[tilespmem:s29+$0x114A0] =	vst v11;
	v11 =	vcvt.f32.s32 v22;
	v22 =	vcvt.f32.s32 v17  }
0xb0: {  	v58 =	vmul.f32 v21, v0;
	v15 =	vmin.u32 v2, v15;
	vm7 =	vgt.s32 v1, v9;
	v25 =	vld.idx.msk [tilespmem:v23+s4+$0x0], $0xffff  }
0xb1: {  	v27 =	vadd.f32 v27, v3;
	v17 =	vld [tilespmem:s0+$0x30A0];
	v9 =	vsel vm7, v1, v9;
	vm1 =	vgt.s32 v1, v22  }
0xb2: {  	v23 =	vld.idx.msk [tilespmem:v23+s16+$0x0], $0xffff;
	v16 =	vmul.f32 v24, v16;
	v24 =	vmin.u32 v2, v9;
	v22 =	vsel vm1, v1, v22  }
0xb3: {  	vm8 =	vgt.s32 v1, v11;
	v9 =	vld [tilespmem:s30+$0x34A0];
	v14 =	vmul.f32 v19, v14;
	v19 =	vmin.u32 v2, v22  }
0xb4: {  	v32 =	vadd.f32 v58, v3;
	v35 =	vsel vm8, v1, v11;
	v11 =	vld [tilespmem:s31+$0x3490];
	v16 =	vadd.f32 v59, v16  }
0xb5: {  	v27 =	vtrunc.f32 v27;
	v22 =	vld.idx.msk [tilespmem:v15+s4+$0x0], $0xffff;
	v14 =	vadd.f32 v18, v14;
	v12 =	vmul.f32 v25, v12  }
0xb6: {  	v60 =	vmin.u32 v2, v35;
	v15 =	vld.idx.msk [tilespmem:v15+s16+$0x0], $0xffff;
	[tilespmem:s31+$0x110B0] =	vst v16;
	v16 =	vcvt.f32.s32 v27;
	v27 =	vadd.f32 v30, v3  }
0xb7: {  	v18 =	vmul.f32 v17, v0;
	v30 =	vtrunc.f32 v32;
	v25 =	vld.idx.msk [tilespmem:v24+s4+$0x0], $0xffff;
	[tilespmem:s30+$0x110F0] =	vst v14;
	v12 =	vadd.f32 v23, v12  }
0xb8: {  	v14 =	vtrunc.f32 v26;
	vm9 =	vgt.s32 v1, v16;
	v27 =	vtrunc.f32 v27;
	v26 =	vld.idx.msk [tilespmem:v19+s4+$0x0], $0xffff  }
0xb9: {  	v23 =	vcvt.f32.s32 v30;
	v18 =	vadd.f32 v18, v3;
	v30 =	vld.idx.msk [tilespmem:v19+s16+$0x0], $0xffff;
	v19 =	vcvt.f32.s32 v27  }
0xba: {  	v24 =	vld.idx.msk [tilespmem:v24+s16+$0x0], $0xffff;
	v16 =	vsel vm9, v1, v16;
	[tilespmem:s29+$0x114B0] =	vst v12;
	v12 =	vmul.f32 v22, v29;
	v22 =	vcvt.f32.s32 v14  }
0xbb: {  	v27 =	vmin.u32 v2, v16;
	vm10 =	vgt.s32 v1, v23;
	v14 =	vld [tilespmem:s31+$0x3480];
	v18 =	vtrunc.f32 v18  }
0xbc: {  	v29 =	vld.idx.msk [tilespmem:v60+s4+$0x0], $0xffff;
	v16 =	vsel vm10, v1, v23;
	vm11 =	vgt.s32 v1, v19;
	v12 =	vadd.f32 v15, v12  }
0xbd: {  	vm12 =	vgt.s32 v1, v22;
	v15 =	vmul.f32 v25, v28;
	v23 =	vmin.u32 v2, v16;
	v25 =	vld.idx.msk [tilespmem:v60+s16+$0x0], $0xffff  }
0xbe: {  	v18 =	vcvt.f32.s32 v18;
	v16 =	vld [tilespmem:s31+$0x30F0];
	v28 =	vsel vm11, v1, v19;
	v22 =	vsel vm12, v1, v22  }
0xbf: {  	v19 =	vld [tilespmem:s0+$0x30B0];
	[tilespmem:s0+$0x11080] =	vst v12;
	v12 =	vadd.f32 v24, v15;
	v24 =	vmin.u32 v2, v28;
	v13 =	vmul.f32 v26, v13  }
0xc0: {  	vm13 =	vgt.s32 v1, v18;
	v15 =	vadd.f32 v31, v3;
	v28 =	vmul.f32 v9, v0;
	v26 =	vld.idx.msk [tilespmem:v27+s4+$0x0], $0xffff  }
0xc1: {  	v31 =	vmin.u32 v2, v22;
	v27 =	vld.idx.msk [tilespmem:v27+s16+$0x0], $0xffff;
	[tilespmem:s31+$0x110C0] =	vst v12;
	v12 =	vadd.f32 v30, v13  }
0xc2: {  	v22 =	vadd.f32 v28, v3;
	v28 =	vtrunc.f32 v15;
	v13 =	vmul.f32 v29, v10;
	v29 =	vld.idx.msk [tilespmem:v23+s4+$0x0], $0xffff  }
0xc3: {  	v15 =	vmul.f32 v6, v0;
	v10 =	vmul.f32 v5, v0;
	v23 =	vld.idx.msk [tilespmem:v23+s16+$0x0], $0xffff;
	[tilespmem:s30+$0x11480] =	vst v12  }
0xc4: {  	v22 =	vtrunc.f32 v22;
	v12 =	vadd.f32 v25, v13;
	v13 =	vcvt.f32.s32 v28;
	v61 =	vld.idx.msk [tilespmem:v24+s4+$0x0], $0xffff  }
0xc5: {  	v25 =	vsel vm13, v1, v18;
	v30 =	vcvt.f32.s32 v22;
	v18 =	vmul.f32 v7, v0;
	v24 =	vld.idx.msk [tilespmem:v24+s16+$0x0], $0xffff  }
0xc6: {  	v22 =	vld [tilespmem:s0+$0x30E0];
	v26 =	vmul.f32 v26, v57;
	v28 =	vmin.u32 v2, v25;
	[tilespmem:s29+$0x114C0] =	vst v12;
	vm14 =	vgt.s32 v1, v13  }
0xc7: {  	s5 =	simm.s32 $0x400;
	s17 =	simm.s32 $0x200;
	v25 =	vmul.f32 v19, v0;
	vm15 =	vgt.s32 v1, v30;
	v12 =	vld.idx.msk [tilespmem:v31+s4+$0x0], $0xffff;
	v13 =	vsel vm14, v1, v13  }
0xc8: {  	s2 =	sand.u32 $0x7800, s5;
	s6 =	sand.u32 $0x380, s17;
	v26 =	vadd.f32 v27, v26;
	v62 =	vmul.f32 v29, v21;
	v21 =	vld [tilespmem:s0+$0x30C0];
	v27 =	vmin.u32 v2, v13  }
0xc9: {  	s2 =	sor.u32 s6, s2;
	v29 =	vmul.f32 v16, v0;
	v63 =	vsel vm15, v1, v30;
	v13 =	vld.idx.msk [tilespmem:v31+s16+$0x0], $0xffff;
	v31 =	vadd.f32 v25, v3  }
0xca: {  	s5 =	simm.s32 $0x500;
	v25 =	vld [tilespmem:s2+$0x3080];
	[tilespmem:s0+$0x11090] =	vst v26;
	v30 =	vadd.f32 v23, v62;
	v26 =	vmul.f32 v61, v20;
	v20 =	vmin.u32 v2, v63  }
.LBB2_3:
0xcb: {  	p1 =	sne.s32 s5, $0x6F00;
	v32 =	vld.idx.msk [tilespmem:v28+s4+$0x0], $0xffff;
	v23 =	vadd.f32 v29, v3;
	v29 =	vmul.f32 v14, v0;
	v33 =	vmul.f32 v11, v0  }
0xcc: {  	v31 =	vtrunc.f32 v31;
	v28 =	vld.idx.msk [tilespmem:v28+s16+$0x0], $0xffff;
	[tilespmem:s31+$0x110D0] =	vst v30;
	v24 =	vadd.f32 v24, v26;
	v26 =	vmul.f32 v12, v4  }
0xcd: {  	v18 =	vadd.f32 v18, v3;
	v30 =	vcvt.f32.s32 v31;
	v12 =	vmul.f32 v22, v0;
	v4 =	vmovc v5;
	v31 =	vld.idx.msk [tilespmem:v27+s4+$0x0], $0xffff  }
0xce: {  	v5 =	vtrunc.f32 v23;
	v34 =	vmul.f32 v21, v0;
	v27 =	vld.idx.msk [tilespmem:v27+s16+$0x0], $0xffff;
	[tilespmem:s30+$0x11490] =	vst v24;
	v24 =	vadd.f32 v13, v26  }
0xcf: {  	v18 =	vtrunc.f32 v18;
	vm0 =	vgt.s32 v1, v30;
	v5 =	vcvt.f32.s32 v5;
	v26 =	vld.idx.msk [tilespmem:v20+s4+$0x0], $0xffff;
	v23 =	vmovc v11  }
0xd0: {  	v35 =	vcvt.f32.s32 v18;
	v11 =	vmul.f32 v25, v0;
	v30 =	vsel vm0, v1, v30;
	v13 =	vld [tilespmem:s0+$0x30D0];
	[tilespmem:s29+$0x114D0] =	vst v24;
	s29 =	smov.u32 s30;
	s30 =	smov.u32 s31;
	s31 =	smov.u32 s0  }
0xd1: {  	v17 =	vmul.f32 v32, v17;
	v24 =	vmin.u32 v2, v30;
	vm0 =	vgt.s32 v1, v5;
	s0 =	smov.u32 s2;
	v30 =	vld.idx.msk [tilespmem:v20+s16+$0x0], $0xffff  }
0xd2: {  	v11 =	vadd.f32 v11, v3;
	v18 =	vsel vm0, v1, v5;
	vm0 =	vgt.s32 v1, v35;
	v5 =	vld [tilespmem:s30+$0x34D0]  }
0xd3: {  	v17 =	vadd.f32 v28, v17;
	v28 =	vmul.f32 v31, v8;
	v31 =	vmin.u32 v2, v18;
	v8 =	vmovc v22;
	v18 =	vld [tilespmem:s30+$0x34C0]  }
0xd4: {  	v22 =	vadd.f32 v34, v3;
	v34 =	vsel vm0, v1, v35;
	v11 =	vtrunc.f32 v11;
	v32 =	vld [tilespmem:s30+$0x34B0]  }
0xd5: {  	v9 =	vmul.f32 v26, v9;
	v26 =	vmin.u32 v2, v34;
	v20 =	vld [tilespmem:s0+$0x3090];
	[tilespmem:s31+$0x110A0] =	vst v17;
	v17 =	vadd.f32 v27, v28  }
0xd6: {  	v15 =	vadd.f32 v15, v3;
	v11 =	vcvt.f32.s32 v11;
	v28 =	vmul.f32 v13, v0;
	v27 =	vld.idx.msk [tilespmem:v24+s4+$0x0], $0xffff  }
0xd7: {  	v22 =	vtrunc.f32 v22;
	v9 =	vadd.f32 v30, v9;
	v24 =	vld.idx.msk [tilespmem:v24+s16+$0x0], $0xffff;
	[tilespmem:s30+$0x110E0] =	vst v17;
	v17 =	vadd.f32 v29, v3  }
0xd8: {  	v15 =	vtrunc.f32 v15;
	v22 =	vcvt.f32.s32 v22;
	vm0 =	vgt.s32 v1, v11;
	v29 =	vld.idx.msk [tilespmem:v31+s4+$0x0], $0xffff  }
0xd9: {  	v15 =	vcvt.f32.s32 v15;
	v11 =	vsel vm0, v1, v11;
	v30 =	vld.idx.msk [tilespmem:v31+s16+$0x0], $0xffff;
	v17 =	vtrunc.f32 v17;
	[tilespmem:s29+$0x114A0] =	vst v9  }
0xda: {  	vm0 =	vgt.s32 v1, v22;
	v31 =	vmin.u32 v2, v11;
	v9 =	vcvt.f32.s32 v17;
	v34 =	vld.idx.msk [tilespmem:v26+s4+$0x0], $0xffff  }
0xdb: {  	v22 =	vsel vm0, v1, v22;
	vm0 =	vgt.s32 v1, v15;
	v11 =	vmul.f32 v20, v0;
	v17 =	vld [tilespmem:s0+$0x30A0]  }
0xdc: {  	v22 =	vmin.u32 v2, v22;
	v19 =	vmul.f32 v27, v19;
	vm1 =	vgt.s32 v1, v9;
	v26 =	vld.idx.msk [tilespmem:v26+s16+$0x0], $0xffff  }
0xdd: {  	v15 =	vsel vm0, v1, v15;
	v27 =	vadd.f32 v11, v3;
	v35 =	vsel vm1, v1, v9;
	v9 =	vld [tilespmem:s30+$0x34A0]  }
0xde: {  	v19 =	vadd.f32 v24, v19;
	v16 =	vmul.f32 v29, v16;
	v11 =	vld [tilespmem:s31+$0x3490];
	v24 =	vmin.u32 v2, v35  }
0xdf: {  	v10 =	vadd.f32 v10, v3;
	v28 =	vadd.f32 v28, v3;
	v15 =	vmin.u32 v2, v15;
	v29 =	vld.idx.msk [tilespmem:v31+s4+$0x0], $0xffff  }
0xe0: {  	v27 =	vtrunc.f32 v27;
	v16 =	vadd.f32 v30, v16;
	v31 =	vld.idx.msk [tilespmem:v31+s16+$0x0], $0xffff;
	[tilespmem:s31+$0x110B0] =	vst v19;
	v19 =	vmul.f32 v34, v7  }
0xe1: {  	v33 =	vadd.f32 v33, v3;
	v27 =	vcvt.f32.s32 v27;
	v30 =	vmul.f32 v17, v0;
	v7 =	vmovc v32;
	v34 =	vld.idx.msk [tilespmem:v22+s4+$0x0], $0xffff  }
0xe2: {  	v10 =	vtrunc.f32 v10;
	v28 =	vtrunc.f32 v28;
	v22 =	vld.idx.msk [tilespmem:v22+s16+$0x0], $0xffff;
	[tilespmem:s30+$0x110F0] =	vst v16;
	v16 =	vadd.f32 v26, v19  }
0xe3: {  	vm0 =	vgt.s32 v1, v27;
	v19 =	vcvt.f32.s32 v28;
	v28 =	vtrunc.f32 v33;
	v26 =	vld.idx.msk [tilespmem:v24+s4+$0x0], $0xffff  }
0xe4: {  	v10 =	vcvt.f32.s32 v10;
	v27 =	vsel vm0, v1, v27;
	v28 =	vcvt.f32.s32 v28;
	v24 =	vld.idx.msk [tilespmem:v24+s16+$0x0], $0xffff;
	[tilespmem:s29+$0x114B0] =	vst v16  }
0xe5: {  	v16 =	vmul.f32 v29, v25;
	v25 =	vmin.u32 v2, v27;
	vm0 =	vgt.s32 v1, v19;
	v27 =	vld.idx.msk [tilespmem:v15+s4+$0x0], $0xffff  }
0xe6: {  	vm1 =	vgt.s32 v1, v10;
	v19 =	vsel vm0, v1, v19;
	vm0 =	vgt.s32 v1, v28;
	v29 =	vld [tilespmem:s31+$0x3480]  }
0xe7: {  	v31 =	vadd.f32 v31, v16;
	v21 =	vmul.f32 v34, v21;
	v32 =	vmin.u32 v2, v19;
	v33 =	vld.idx.msk [tilespmem:v15+s16+$0x0], $0xffff  }
0xe8: {  	v10 =	vsel vm1, v1, v10;
	v28 =	vsel vm0, v1, v28;
	v15 =	vadd.f32 v30, v3;
	v16 =	vld [tilespmem:s31+$0x30F0]  }
0xe9: {  	v21 =	vadd.f32 v22, v21;
	v14 =	vmul.f32 v26, v14;
	v22 =	vmin.u32 v2, v28;
	[tilespmem:s0+$0x11080] =	vst v31;
	v19 =	vld [tilespmem:s0+$0x30B0]  }
0xea: {  	v12 =	vadd.f32 v12, v3;
	v30 =	vmin.u32 v2, v10;
	v28 =	vmul.f32 v9, v0;
	v26 =	vld.idx.msk [tilespmem:v25+s4+$0x0], $0xffff  }
0xeb: {  	v10 =	vtrunc.f32 v15;
	v34 =	vadd.f32 v24, v14;
	v25 =	vld.idx.msk [tilespmem:v25+s16+$0x0], $0xffff;
	[tilespmem:s31+$0x110C0] =	vst v21;
	v21 =	vmul.f32 v27, v6  }
0xec: {  	v24 =	vcvt.f32.s32 v10;
	v28 =	vadd.f32 v28, v3;
	v10 =	vmul.f32 v5, v0;
	v6 =	vmovc v18;
	v27 =	vld.idx.msk [tilespmem:v32+s4+$0x0], $0xffff  }
0xed: {  	v12 =	vtrunc.f32 v12;
	v15 =	vmul.f32 v6, v0;
	v32 =	vld.idx.msk [tilespmem:v32+s16+$0x0], $0xffff;
	[tilespmem:s30+$0x11480] =	vst v34;
	v21 =	vadd.f32 v33, v21  }
0xee: {  	v31 =	vcvt.f32.s32 v12;
	vm0 =	vgt.s32 v1, v24;
	v12 =	vtrunc.f32 v28;
	v14 =	vmovc v29;
	v33 =	vld.idx.msk [tilespmem:v22+s4+$0x0], $0xffff  }
0xef: {  	v18 =	vmul.f32 v7, v0;
	v28 =	vsel vm0, v1, v24;
	v34 =	vcvt.f32.s32 v12;
	v24 =	vld.idx.msk [tilespmem:v22+s16+$0x0], $0xffff;
	[tilespmem:s29+$0x114C0] =	vst v21  }
.Ltmp2:
0xf0: {  	vm0 =	vgt.s32 v1, v31;
	v28 =	vmin.u32 v2, v28;
	v20 =	vmul.f32 v26, v20;
	v12 =	vld.idx.msk [tilespmem:v30+s4+$0x0], $0xffff;
	(pc) =	sbr.rel @p1 .LBB2_3-.Ltmp2, $4  }
0xf1: {  	s17 =	sadd.s32 $0x80, s17;
	v21 =	vmul.f32 v19, v0;
	v26 =	vsel vm0, v1, v31;
	vm0 =	vgt.s32 v1, v34;
	v22 =	vld [tilespmem:s0+$0x30E0]  }
0xf2: {  	s6 =	sand.u32 $0x380, s17;
	s2 =	sand.u32 $0x7800, s5;
	v20 =	vadd.f32 v25, v20;
	v35 =	vmul.f32 v27, v13;
	v27 =	vmin.u32 v2, v26;
	v13 =	vld.idx.msk [tilespmem:v30+s16+$0x0], $0xffff  }
0xf3: {  	s2 =	sor.u32 s6, s2;
	v29 =	vmul.f32 v16, v0;
	v34 =	vsel vm0, v1, v34;
	v31 =	vadd.f32 v21, v3;
	v21 =	vld [tilespmem:s0+$0x30C0]  }
0xf4: {  	s5 =	sadd.s32 $0x100, s5;
	v30 =	vadd.f32 v32, v35;
	v26 =	vmul.f32 v33, v23;
	v25 =	vld [tilespmem:s2+$0x3080];
	[tilespmem:s0+$0x11090] =	vst v20;
	v20 =	vmin.u32 v2, v34  }
0xf5: {  	_ =	sdelay $0x3  }
0xf6: {  	v23 =	vmul.f32 v25, v0;
	_ =	sdelay $0x1  }
0xf7: {  	v23 =	vadd.f32 v23, v3;
	_ =	sdelay $0x1  }
0xf8: {  	v23 =	vtrunc.f32 v23  }
0xf9: {  	v32 =	vld [tilespmem:s2+$0x3090];
	v23 =	vcvt.f32.s32 v23;
	_ =	sdelay $0x1  }
0xfa: {  	vm0 =	vgt.s32 v1, v23  }
0xfb: {  	v23 =	vsel vm0, v1, v23  }
0xfc: {  	v23 =	vmin.u32 v2, v23  }
0xfd: {  	v33 =	vmul.f32 v32, v0;
	_ =	sdelay $0x1  }
0xfe: {  	v33 =	vadd.f32 v33, v3;
	_ =	sdelay $0x1  }
0xff: {  	v33 =	vtrunc.f32 v33;
	v34 =	vld.idx.msk [tilespmem:v23+s4+$0x0], $0xffff  }
0x100: {  	v35 =	vld [tilespmem:s2+$0x30A0];
	v33 =	vcvt.f32.s32 v33  }
0x101: {  	v23 =	vld.idx.msk [tilespmem:v23+s16+$0x0], $0xffff  }
0x102: {  	vm7 =	vgt.s32 v1, v33  }
0x103: {  	v33 =	vsel vm7, v1, v33  }
0x104: {  	v33 =	vmin.u32 v2, v33;
	v60 =	vmul.f32 v34, v25  }
0x105: {  	v61 =	vmul.f32 v35, v0  }
0x106: {  	v23 =	vadd.f32 v23, v60  }
0x107: {  	v62 =	vadd.f32 v61, v3  }
0x108: {  	[tilespmem:s2+$0x11080] =	vst v23  }
0x109: {  	v25 =	vtrunc.f32 v62;
	v23 =	vld.idx.msk [tilespmem:v33+s4+$0x0], $0xffff  }
0x10a: {  	v63 =	vld [tilespmem:s2+$0x30B0];
	v25 =	vcvt.f32.s32 v25  }
0x10b: {  	v33 =	vld.idx.msk [tilespmem:v33+s16+$0x0], $0xffff  }
0x10c: {  	vm8 =	vgt.s32 v1, v25  }
0x10d: {  	v25 =	vsel vm8, v1, v25  }
0x10e: {  	v25 =	vmin.u32 v2, v25;
	v23 =	vmul.f32 v23, v32  }
0x10f: {  	v36 =	vld.idx.msk [tilespmem:v28+s4+$0x0], $0xffff;
	v31 =	vtrunc.f32 v31;
	v39 =	vmul.f32 v63, v0  }
0x110: {  	v31 =	vcvt.f32.s32 v31;
	v23 =	vadd.f32 v33, v23  }
0x111: {  	v37 =	vld.idx.msk [tilespmem:v28+s16+$0x0], $0xffff;
	v32 =	vadd.f32 v39, v3  }
0x112: {  	vm9 =	vgt.s32 v1, v31;
	[tilespmem:s2+$0x11090] =	vst v23  }
0x113: {  	v31 =	vsel vm9, v1, v31;
	v32 =	vtrunc.f32 v32;
	v23 =	vld.idx.msk [tilespmem:v25+s4+$0x0], $0xffff  }
0x114: {  	v17 =	vmul.f32 v36, v17;
	v31 =	vmin.u32 v2, v31;
	v33 =	vld [tilespmem:s2+$0x30C0];
	v32 =	vcvt.f32.s32 v32  }
0x115: {  	v40 =	vmul.f32 v21, v0;
	v41 =	vld.idx.msk [tilespmem:v25+s16+$0x0], $0xffff  }
0x116: {  	v17 =	vadd.f32 v37, v17;
	vm10 =	vgt.s32 v1, v32  }
0x117: {  	v36 =	vadd.f32 v40, v3;
	v32 =	vsel vm10, v1, v32  }
0x118: {  	[tilespmem:s0+$0x110A0] =	vst v17;
	v32 =	vmin.u32 v2, v32;
	v23 =	vmul.f32 v23, v35  }
0x119: {  	v36 =	vtrunc.f32 v36;
	v42 =	vld.idx.msk [tilespmem:v31+s4+$0x0], $0xffff;
	v43 =	vmul.f32 v33, v0  }
0x11a: {  	v37 =	vld [tilespmem:s0+$0x30D0];
	v36 =	vcvt.f32.s32 v36;
	v17 =	vadd.f32 v41, v23  }
0x11b: {  	v31 =	vld.idx.msk [tilespmem:v31+s16+$0x0], $0xffff;
	v46 =	vadd.f32 v43, v3  }
0x11c: {  	vm11 =	vgt.s32 v1, v36;
	[tilespmem:s2+$0x110A0] =	vst v17  }
0x11d: {  	[tilespmem:s31+$0x110D0] =	vst v30;
	v36 =	vsel vm11, v1, v36;
	v30 =	vtrunc.f32 v46;
	v49 =	vld.idx.msk [tilespmem:v32+s4+$0x0], $0xffff  }
0x11e: {  	v45 =	vmin.u32 v2, v36;
	v36 =	vld [tilespmem:s2+$0x30D0];
	v19 =	vmul.f32 v42, v19;
	v30 =	vcvt.f32.s32 v30  }
0x11f: {  	v47 =	vmul.f32 v37, v0;
	v50 =	vld.idx.msk [tilespmem:v32+s16+$0x0], $0xffff  }
0x120: {  	v44 =	vld.idx.msk [tilespmem:v27+s4+$0x0], $0xffff;
	v48 =	vadd.f32 v31, v19;
	vm12 =	vgt.s32 v1, v30  }
0x121: {  	v38 =	vld.idx.msk [tilespmem:v27+s16+$0x0], $0xffff;
	v27 =	vadd.f32 v47, v3;
	v30 =	vsel vm12, v1, v30  }
0x122: {  	v29 =	vadd.f32 v29, v3;
	[tilespmem:s0+$0x110B0] =	vst v48;
	v40 =	vmin.u32 v2, v30;
	v34 =	vmul.f32 v49, v63  }
0x123: {  	v27 =	vtrunc.f32 v27;
	v54 =	vmul.f32 v36, v0;
	v52 =	vld.idx.msk [tilespmem:v45+s4+$0x0], $0xffff  }
0x124: {  	v51 =	vtrunc.f32 v29;
	v27 =	vcvt.f32.s32 v27;
	v31 =	vadd.f32 v50, v34  }
0x125: {  	v53 =	vcvt.f32.s32 v51;
	v57 =	vadd.f32 v54, v3;
	v39 =	vld.idx.msk [tilespmem:v45+s16+$0x0], $0xffff  }
0x126: {  	v28 =	vld [tilespmem:s2+$0x30E0];
	vm1 =	vgt.s32 v1, v27;
	[tilespmem:s2+$0x110B0] =	vst v31  }
0x127: {  	vm13 =	vgt.s32 v1, v53;
	v27 =	vsel vm1, v1, v27;
	v34 =	vtrunc.f32 v57;
	v59 =	vld.idx.msk [tilespmem:v40+s4+$0x0], $0xffff  }
0x128: {  	v56 =	vmin.u32 v2, v27;
	v55 =	vmul.f32 v52, v21;
	v34 =	vcvt.f32.s32 v34  }
0x129: {  	v8 =	vmul.f32 v44, v8;
	v41 =	vmul.f32 v22, v0;
	v32 =	vsel vm13, v1, v53;
	v61 =	vld.idx.msk [tilespmem:v40+s16+$0x0], $0xffff  }
0x12a: {  	v21 =	vadd.f32 v39, v55;
	v32 =	vmin.u32 v2, v32;
	vm14 =	vgt.s32 v1, v34  }
0x12b: {  	v44 =	vmul.f32 v28, v0;
	v60 =	vadd.f32 v41, v3;
	v34 =	vsel vm14, v1, v34  }
0x12c: {  	v8 =	vadd.f32 v38, v8;
	v38 =	vld [tilespmem:s0+$0x30F0];
	[tilespmem:s0+$0x110C0] =	vst v21;
	v34 =	vmin.u32 v2, v34;
	v33 =	vmul.f32 v59, v33  }
0x12d: {  	v62 =	vld.idx.msk [tilespmem:v56+s4+$0x0], $0xffff;
	v39 =	vtrunc.f32 v60  }
0x12e: {  	[tilespmem:s31+$0x110E0] =	vst v8;
	v29 =	vld.idx.msk [tilespmem:v56+s16+$0x0], $0xffff;
	v35 =	vadd.f32 v44, v3;
	v39 =	vcvt.f32.s32 v39;
	v21 =	vadd.f32 v61, v33  }
0x12f: {  	v63 =	vld.idx.msk [tilespmem:v32+s4+$0x0], $0xffff  }
0x130: {  	v48 =	vtrunc.f32 v35;
	vm15 =	vgt.s32 v1, v39;
	v32 =	vld.idx.msk [tilespmem:v32+s16+$0x0], $0xffff;
	[tilespmem:s2+$0x110C0] =	vst v21  }
0x131: {  	v35 =	vcvt.f32.s32 v48;
	v39 =	vsel vm15, v1, v39;
	v47 =	vld.idx.msk [tilespmem:v34+s4+$0x0], $0xffff  }
0x132: {  	v45 =	vmin.u32 v2, v39;
	v39 =	vld [tilespmem:s2+$0x30F0]  }
0x133: {  	v58 =	vmul.f32 v14, v0;
	v8 =	vmul.f32 v62, v37;
	vm5 =	vgt.s32 v1, v35;
	v50 =	vld.idx.msk [tilespmem:v34+s16+$0x0], $0xffff  }
0x134: {  	v46 =	vmul.f32 v38, v0;
	v35 =	vsel vm5, v1, v35;
	v16 =	vmul.f32 v63, v16  }
0x135: {  	v8 =	vadd.f32 v29, v8;
	v30 =	vld [tilespmem:s0+$0x3480];
	v35 =	vmin.u32 v2, v35;
	v31 =	vadd.f32 v58, v3  }
0x136: {  	v16 =	vadd.f32 v32, v16;
	v21 =	vadd.f32 v46, v3;
	v53 =	vmul.f32 v47, v36  }
0x137: {  	[tilespmem:s0+$0x110D0] =	vst v8;
	v31 =	vtrunc.f32 v31;
	v55 =	vmul.f32 v39, v0  }
0x138: {  	v51 =	vld.idx.msk [tilespmem:v45+s4+$0x0], $0xffff;
	v31 =	vcvt.f32.s32 v31;
	[tilespmem:s31+$0x110F0] =	vst v16;
	v21 =	vtrunc.f32 v21;
	v16 =	vadd.f32 v50, v53  }
0x139: {  	v57 =	vadd.f32 v55, v3;
	v21 =	vcvt.f32.s32 v21  }
0x13a: {  	v58 =	vmul.f32 v30, v0;
	v37 =	vld.idx.msk [tilespmem:v45+s16+$0x0], $0xffff;
	vm4 =	vgt.s32 v1, v31;
	[tilespmem:s2+$0x110D0] =	vst v16  }
0x13b: {  	v31 =	vsel vm4, v1, v31;
	v32 =	vtrunc.f32 v57;
	vm6 =	vgt.s32 v1, v21;
	v60 =	vld.idx.msk [tilespmem:v35+s4+$0x0], $0xffff  }
0x13c: {  	v31 =	vmin.u32 v2, v31;
	v32 =	vcvt.f32.s32 v32;
	v33 =	vld [tilespmem:s2+$0x3480];
	v21 =	vsel vm6, v1, v21  }
0x13d: {  	v56 =	vmul.f32 v51, v22;
	v21 =	vmin.u32 v2, v21;
	v61 =	vld.idx.msk [tilespmem:v35+s16+$0x0], $0xffff  }
0x13e: {  	v40 =	vadd.f32 v58, v3;
	vm8 =	vgt.s32 v1, v32  }
0x13f: {  	v59 =	vadd.f32 v37, v56;
	v32 =	vsel vm8, v1, v32  }
0x140: {  	v27 =	vld [tilespmem:s2+$0x3490];
	v44 =	vtrunc.f32 v40;
	v32 =	vmin.u32 v2, v32;
	v28 =	vmul.f32 v60, v28  }
0x141: {  	v18 =	vadd.f32 v18, v3;
	[tilespmem:s0+$0x110E0] =	vst v59;
	v54 =	vld.idx.msk [tilespmem:v31+s4+$0x0], $0xffff;
	v47 =	vmul.f32 v33, v0;
	v35 =	vcvt.f32.s32 v44  }
0x142: {  	v24 =	vadd.f32 v24, v26;
	v63 =	vld.idx.msk [tilespmem:v21+s4+$0x0], $0xffff;
	v26 =	vadd.f32 v61, v28  }
0x143: {  	v25 =	vld [tilespmem:s0+$0x3490];
	v49 =	vmul.f32 v11, v0;
	v50 =	vadd.f32 v47, v3;
	vm9 =	vgt.s32 v1, v35  }
0x144: {  	v15 =	vadd.f32 v15, v3;
	v18 =	vtrunc.f32 v18;
	v46 =	vld.idx.msk [tilespmem:v21+s16+$0x0], $0xffff;
	v35 =	vsel vm9, v1, v35;
	[tilespmem:s2+$0x110E0] =	vst v26  }
0x145: {  	v52 =	vadd.f32 v49, v3;
	v49 =	vmin.u32 v2, v35;
	v35 =	vtrunc.f32 v50;
	v53 =	vld.idx.msk [tilespmem:v32+s4+$0x0], $0xffff  }
0x146: {  	v10 =	vadd.f32 v10, v3;
	v15 =	vtrunc.f32 v15;
	v31 =	vld.idx.msk [tilespmem:v31+s16+$0x0], $0xffff;
	v35 =	vcvt.f32.s32 v35  }
0x147: {  	v62 =	vmul.f32 v54, v14;
	v48 =	vmul.f32 v63, v38;
	v54 =	vld.idx.msk [tilespmem:v32+s16+$0x0], $0xffff  }
0x148: {  	v10 =	vtrunc.f32 v10;
	v34 =	vtrunc.f32 v52;
	vm10 =	vgt.s32 v1, v35  }
0x149: {  	[tilespmem:s30+$0x11490] =	vst v24;
	v24 =	vld [tilespmem:s2+$0x34B0];
	v34 =	vcvt.f32.s32 v34;
	v52 =	vadd.f32 v46, v48;
	v35 =	vsel vm10, v1, v35  }
0x14a: {  	v45 =	vld.idx.msk [tilespmem:v20+s4+$0x0], $0xffff;
	v56 =	vmul.f32 v25, v0;
	v35 =	vmin.u32 v2, v35;
	v28 =	vmul.f32 v53, v39  }
0x14b: {  	v29 =	vld [tilespmem:s31+$0x34A0];
	v57 =	vmul.f32 v27, v0;
	vm7 =	vgt.s32 v1, v34;
	v31 =	vadd.f32 v31, v62;
	[tilespmem:s0+$0x110F0] =	vst v52  }
0x14c: {  	v58 =	vadd.f32 v56, v3;
	v34 =	vsel vm7, v1, v34;
	v55 =	vld.idx.msk [tilespmem:v49+s4+$0x0], $0xffff;
	v26 =	vadd.f32 v54, v28  }
0x14d: {  	v18 =	vcvt.f32.s32 v18;
	v34 =	vmin.u32 v2, v34;
	[tilespmem:s31+$0x11480] =	vst v31;
	v60 =	vadd.f32 v57, v3;
	v38 =	vld [tilespmem:s0+$0x34A0]  }
0x14e: {  	v15 =	vcvt.f32.s32 v15;
	v31 =	vld.idx.msk [tilespmem:v49+s16+$0x0], $0xffff;
	v28 =	vtrunc.f32 v58;
	[tilespmem:s2+$0x110F0] =	vst v26  }
0x14f: {  	vm13 =	vgt.s32 v1, v18;
	v36 =	vtrunc.f32 v60;
	v62 =	vcvt.f32.s32 v28;
	v63 =	vld.idx.msk [tilespmem:v35+s4+$0x0], $0xffff  }
0x150: {  	v18 =	vsel vm13, v1, v18;
	v61 =	vmul.f32 v29, v0;
	v40 =	vcvt.f32.s32 v36;
	v32 =	vld [tilespmem:s2+$0x34A0]  }
0x151: {  	v18 =	vmin.u32 v2, v18;
	v30 =	vmul.f32 v55, v30;
	vm11 =	vgt.s32 v1, v62;
	v35 =	vld.idx.msk [tilespmem:v35+s16+$0x0], $0xffff  }
0x152: {  	v51 =	vld.idx.msk [tilespmem:v34+s4+$0x0], $0xffff;
	v41 =	vadd.f32 v61, v3;
	vm12 =	vgt.s32 v1, v40;
	v26 =	vsel vm11, v1, v62  }
0x153: {  	v23 =	vld [tilespmem:s31+$0x34B0];
	v30 =	vadd.f32 v31, v30;
	v31 =	vsel vm12, v1, v40;
	v26 =	vmin.u32 v2, v26  }
0x154: {  	v42 =	vld.idx.msk [tilespmem:v20+s16+$0x0], $0xffff;
	v43 =	vmul.f32 v38, v0;
	v31 =	vmin.u32 v2, v31;
	v28 =	vmul.f32 v63, v33  }
0x155: {  	vm15 =	vgt.s32 v1, v15;
	v34 =	vld.idx.msk [tilespmem:v34+s16+$0x0], $0xffff;
	v36 =	vtrunc.f32 v41;
	v44 =	vmul.f32 v32, v0  }
0x156: {  	v19 =	vld [tilespmem:s31+$0x34C0];
	v36 =	vcvt.f32.s32 v36;
	v33 =	vadd.f32 v43, v3;
	v28 =	vadd.f32 v35, v28  }
0x157: {  	v22 =	vld [tilespmem:s0+$0x34B0];
	v9 =	vmul.f32 v45, v9;
	v59 =	vmul.f32 v51, v11;
	[tilespmem:s0+$0x11480] =	vst v30;
	v35 =	vadd.f32 v44, v3  }
0x158: {  	v51 =	vmul.f32 v23, v0;
	vm14 =	vgt.s32 v1, v36;
	v46 =	vld.idx.msk [tilespmem:v26+s4+$0x0], $0xffff;
	v33 =	vtrunc.f32 v33;
	[tilespmem:s2+$0x11480] =	vst v28  }
0x159: {  	v45 =	vsel vm14, v1, v36;
	v48 =	vcvt.f32.s32 v33;
	v50 =	vtrunc.f32 v35;
	v49 =	vld.idx.msk [tilespmem:v31+s4+$0x0], $0xffff  }
0x15a: {  	v11 =	vadd.f32 v34, v59;
	v47 =	vmin.u32 v2, v45;
	v26 =	vld.idx.msk [tilespmem:v26+s16+$0x0], $0xffff;
	v34 =	vcvt.f32.s32 v50  }
0x15b: {  	v15 =	vsel vm15, v1, v15;
	v9 =	vadd.f32 v42, v9;
	vm4 =	vgt.s32 v1, v48;
	v31 =	vld.idx.msk [tilespmem:v31+s16+$0x0], $0xffff  }
0x15c: {  	v17 =	vld [tilespmem:s31+$0x34D0];
	v52 =	vadd.f32 v51, v3;
	v30 =	vsel vm4, v1, v48;
	vm5 =	vgt.s32 v1, v34  }
0x15d: {  	[tilespmem:s30+$0x114A0] =	vst v9;
	v16 =	vld [tilespmem:s0+$0x34C0];
	v25 =	vmul.f32 v46, v25;
	v30 =	vmin.u32 v2, v30;
	v53 =	vsel vm5, v1, v34  }
0x15e: {  	v21 =	vld [tilespmem:s2+$0x34C0];
	[tilespmem:s31+$0x11490] =	vst v11;
	v55 =	vmul.f32 v22, v0;
	v28 =	vmin.u32 v2, v53;
	v27 =	vmul.f32 v49, v27  }
0x15f: {  	v57 =	vmul.f32 v24, v0;
	v61 =	vmul.f32 v19, v0;
	v54 =	vld.idx.msk [tilespmem:v47+s4+$0x0], $0xffff;
	v56 =	vadd.f32 v26, v25  }
0x160: {  	v59 =	vld.idx.msk [tilespmem:v18+s4+$0x0], $0xffff;
	v11 =	vtrunc.f32 v52;
	v60 =	vadd.f32 v55, v3;
	v58 =	vadd.f32 v31, v27  }
0x161: {  	v15 =	vmin.u32 v2, v15;
	v11 =	vcvt.f32.s32 v11;
	v20 =	vld.idx.msk [tilespmem:v47+s16+$0x0], $0xffff;
	v25 =	vadd.f32 v57, v3;
	[tilespmem:s0+$0x11490] =	vst v56  }
0x162: {  	v37 =	vmul.f32 v16, v0;
	v9 =	vadd.f32 v61, v3;
	v62 =	vld.idx.msk [tilespmem:v30+s4+$0x0], $0xffff;
	v31 =	vtrunc.f32 v60;
	[tilespmem:s2+$0x11490] =	vst v58  }
0x163: {  	vm6 =	vgt.s32 v1, v11;
	v25 =	vtrunc.f32 v25;
	v63 =	vcvt.f32.s32 v31;
	v34 =	vld.idx.msk [tilespmem:v28+s4+$0x0], $0xffff  }
0x164: {  	v11 =	vsel vm6, v1, v11;
	v29 =	vmul.f32 v54, v29;
	v30 =	vld.idx.msk [tilespmem:v30+s16+$0x0], $0xffff;
	v25 =	vcvt.f32.s32 v25  }
0x165: {  	v11 =	vmin.u32 v2, v11;
	v40 =	vmul.f32 v21, v0;
	vm7 =	vgt.s32 v1, v63;
	v35 =	vld.idx.msk [tilespmem:v28+s16+$0x0], $0xffff  }
0x166: {  	v18 =	vld.idx.msk [tilespmem:v18+s16+$0x0], $0xffff;
	v20 =	vadd.f32 v20, v29;
	vm8 =	vgt.s32 v1, v25;
	v26 =	vsel vm7, v1, v63  }
0x167: {  	v25 =	vsel vm8, v1, v25;
	v36 =	vmul.f32 v62, v38;
	v26 =	vmin.u32 v2, v26  }
0x168: {  	v8 =	vld [tilespmem:s0+$0x34D0];
	v7 =	vmul.f32 v59, v7;
	v25 =	vmin.u32 v2, v25;
	v38 =	vmul.f32 v34, v32  }
0x169: {  	v14 =	vld [tilespmem:s2+$0x34D0];
	v9 =	vtrunc.f32 v9;
	v41 =	vadd.f32 v40, v3;
	[tilespmem:s31+$0x114A0] =	vst v20;
	v28 =	vadd.f32 v30, v36  }
0x16a: {  	v9 =	vcvt.f32.s32 v9;
	v20 =	vadd.f32 v37, v3;
	v39 =	vld.idx.msk [tilespmem:v11+s4+$0x0], $0xffff;
	v27 =	vadd.f32 v35, v38  }
0x16b: {  	v10 =	vcvt.f32.s32 v10;
	v42 =	vmul.f32 v17, v0;
	v7 =	vadd.f32 v18, v7;
	v11 =	vld.idx.msk [tilespmem:v11+s16+$0x0], $0xffff;
	[tilespmem:s0+$0x114A0] =	vst v28  }
0x16c: {  	vm9 =	vgt.s32 v1, v9;
	v18 =	vtrunc.f32 v41;
	v20 =	vtrunc.f32 v20;
	v43 =	vld.idx.msk [tilespmem:v26+s4+$0x0], $0xffff;
	[tilespmem:s2+$0x114A0] =	vst v27  }
0x16d: {  	v9 =	vsel vm9, v1, v9;
	v18 =	vcvt.f32.s32 v18;
	v20 =	vcvt.f32.s32 v20;
	v27 =	vld.idx.msk [tilespmem:v25+s4+$0x0], $0xffff  }
0x16e: {  	v9 =	vmin.u32 v2, v9;
	vm12 =	vgt.s32 v1, v10;
	v47 =	vmul.f32 v8, v0;
	v26 =	vld.idx.msk [tilespmem:v26+s16+$0x0], $0xffff  }
0x16f: {  	vm11 =	vgt.s32 v1, v18;
	vm10 =	vgt.s32 v1, v20;
	v23 =	vmul.f32 v39, v23;
	v25 =	vld.idx.msk [tilespmem:v25+s16+$0x0], $0xffff  }
0x170: {  	[tilespmem:s30+$0x114B0] =	vst v7;
	v7 =	vadd.f32 v47, v3;
	v18 =	vsel vm11, v1, v18;
	v45 =	vsel vm10, v1, v20  }
0x171: {  	v44 =	vadd.f32 v11, v23;
	v11 =	vmin.u32 v2, v45;
	v22 =	vmul.f32 v43, v22  }
0x172: {  	v18 =	vmin.u32 v2, v18;
	v46 =	vld.idx.msk [tilespmem:v15+s4+$0x0], $0xffff;
	v28 =	vadd.f32 v42, v3;
	v48 =	vmul.f32 v27, v24  }
0x173: {  	v7 =	vtrunc.f32 v7;
	v50 =	vmul.f32 v14, v0;
	v15 =	vld.idx.msk [tilespmem:v15+s16+$0x0], $0xffff;
	[tilespmem:s31+$0x114B0] =	vst v44;
	v22 =	vadd.f32 v26, v22  }
0x174: {  	v7 =	vcvt.f32.s32 v7;
	v49 =	vld.idx.msk [tilespmem:v9+s4+$0x0], $0xffff;
	v51 =	vtrunc.f32 v28;
	v23 =	vadd.f32 v25, v48  }
0x175: {  	v10 =	vsel vm12, v1, v10;
	v53 =	vadd.f32 v50, v3;
	v9 =	vld.idx.msk [tilespmem:v9+s16+$0x0], $0xffff;
	v52 =	vcvt.f32.s32 v51;
	[tilespmem:s0+$0x114B0] =	vst v22  }
0x176: {  	v10 =	vmin.u32 v2, v10;
	vm14 =	vgt.s32 v1, v7;
	v54 =	vld.idx.msk [tilespmem:v11+s4+$0x0], $0xffff;
	[tilespmem:s2+$0x114B0] =	vst v23  }
0x177: {  	v6 =	vmul.f32 v46, v6;
	vm13 =	vgt.s32 v1, v52;
	v22 =	vtrunc.f32 v53;
	v23 =	vld.idx.msk [tilespmem:v18+s4+$0x0], $0xffff  }
0x178: {  	v7 =	vsel vm14, v1, v7;
	v25 =	vsel vm13, v1, v52;
	v11 =	vld.idx.msk [tilespmem:v11+s16+$0x0], $0xffff;
	v22 =	vcvt.f32.s32 v22  }
0x179: {  	v6 =	vadd.f32 v15, v6;
	v19 =	vmul.f32 v49, v19;
	v55 =	vmin.u32 v2, v25;
	v18 =	vld.idx.msk [tilespmem:v18+s16+$0x0], $0xffff  }
0x17a: {  	v56 =	vmin.u32 v2, v7;
	vm15 =	vgt.s32 v1, v22  }
0x17b: {  	[tilespmem:s30+$0x114C0] =	vst v6;
	v9 =	vadd.f32 v9, v19;
	v58 =	vsel vm15, v1, v22;
	v57 =	vmul.f32 v54, v16  }
0x17c: {  	v59 =	vld.idx.msk [tilespmem:v10+s4+$0x0], $0xffff;
	v16 =	vmin.u32 v2, v58;
	v60 =	vmul.f32 v23, v21  }
0x17d: {  	v10 =	vld.idx.msk [tilespmem:v10+s16+$0x0], $0xffff;
	[tilespmem:s31+$0x114C0] =	vst v9;
	v7 =	vadd.f32 v11, v57  }
0x17e: {  	v9 =	vld.idx.msk [tilespmem:v55+s4+$0x0], $0xffff;
	v61 =	vadd.f32 v18, v60  }
0x17f: {  	v15 =	vld.idx.msk [tilespmem:v55+s16+$0x0], $0xffff;
	[tilespmem:s0+$0x114C0] =	vst v7  }
0x180: {  	v7 =	vld.idx.msk [tilespmem:v56+s4+$0x0], $0xffff;
	[tilespmem:s2+$0x114C0] =	vst v61  }
0x181: {  	v11 =	vld.idx.msk [tilespmem:v16+s4+$0x0], $0xffff  }
0x182: {  	v4 =	vmul.f32 v12, v4;
	v6 =	vld.idx.msk [tilespmem:v56+s16+$0x0], $0xffff  }
0x183: {  	v5 =	vmul.f32 v59, v5;
	v62 =	vld.idx.msk [tilespmem:v16+s16+$0x0], $0xffff  }
0x184: {  	v4 =	vadd.f32 v13, v4;
	v9 =	vmul.f32 v9, v17  }
0x185: {  	v5 =	vadd.f32 v10, v5;
	v7 =	vmul.f32 v7, v8  }
0x186: {  	p1 =	sne.s32 s26, $0xB;
	[tilespmem:s29+$0x114D0] =	vst v4;
	v4 =	vadd.f32 v15, v9;
	v63 =	vmul.f32 v11, v14  }
.Ltmp3:
0x187: {  	[tilespmem:s30+$0x114D0] =	vst v5;
	v5 =	vadd.f32 v6, v7;
	(pc) =	sbr.rel @p1 .LBB2_6-.Ltmp3, $4  }
0x188: {  	s5 =	smul.u32 $0x1C00, s28;
	[tilespmem:s31+$0x114D0] =	vst v4;
	v4 =	vadd.f32 v62, v63  }
0x189: {  	[tilespmem:s0+$0x114D0] =	vst v5  }
0x18a: {  	s31 =	sadd.s32 s3, s5;
	[tilespmem:s2+$0x114D0] =	vst v4  }
0x18b: {  	[hbm4b:s31+s4] =	stream.linear.scatter [tilespmem:s19], [sflag:$0x3], $0x7000, $0x38;
	[tilespmem:$0x1F080] =	vst v63  }
.Ltmp4:
0x18c: {  	(pc) =	sbr.rel .LBB2_7-.Ltmp4, $4  }
0x18d: {  	_ = 	snop  }
0x18e: {  	_ =	swait.ge [sflag:s20], $0x7000  }
0x18f: {  	[sflag:s20] =	ssyncset.done $0x0  }
0x190: {  	[sflag:s20] =	ssyncadd.s32 $0xFFFF9000  }
.LBB2_6:
0x191: {  	s0 =	sadd.s32 s26, s11  }
0x192: {  	s0 =	smul.u32 $0x1C00, s0;
	_ =	sdelay $0x1  }
.Ltmp5:
0x193: {  	s0 =	sadd.s32 s1, s0;
	(pc) =	sbr.rel @p0 .LBB2_8-.Ltmp5, $4  }
0x194: {  	[tilespmem:s13], [sflag:$0x1] =	stream.linear.gather [hbm4b:s0+s4], $0x7000, $0x38;
	[tilespmem:$0x1F080] =	vst v63  }
0x195: {  	_ =	swait.ge [sflag:s20], $0x7000  }
0x196: {  	[sflag:s20] =	ssyncset.done $0x0  }
0x197: {  	[sflag:s20] =	ssyncadd.s32 $0xFFFF9000  }
.LBB2_7:
0x198: {  	_ =	swait.ge [sflag:s21], $0x7000  }
0x199: {  	[sflag:s21] =	ssyncset.done $0x0  }
0x19a: {  	[sflag:s21] =	ssyncadd.s32 $0xFFFF9000  }
.LBB2_8:
0x19b: {  	s0 =	simm.s32 $0x0  }
0x19c: {  	s2 =	sand.u32 $0x7800, s0;
	s0 =	sand.u32 $0x380, s0  }
0x19d: {  	s29 =	sor.u32 s0, s2  }
0x19e: {  	v4 =	vld [tilespmem:s29+$0xA080];
	_ =	sdelay $0x4  }
0x19f: {  	v5 =	vmul.f32 v4, v0;
	_ =	sdelay $0x1  }
0x1a0: {  	v5 =	vadd.f32 v5, v3;
	_ =	sdelay $0x1  }
0x1a1: {  	v5 =	vtrunc.f32 v5  }
0x1a2: {  	v6 =	vld [tilespmem:s29+$0xA090];
	v5 =	vcvt.f32.s32 v5;
	_ =	sdelay $0x1  }
0x1a3: {  	vm0 =	vgt.s32 v1, v5  }
0x1a4: {  	v5 =	vsel vm0, v1, v5  }
0x1a5: {  	v5 =	vmin.u32 v2, v5  }
0x1a6: {  	v7 =	vmul.f32 v6, v0;
	_ =	sdelay $0x1  }
0x1a7: {  	v7 =	vadd.f32 v7, v3;
	_ =	sdelay $0x1  }
0x1a8: {  	v7 =	vtrunc.f32 v7;
	v8 =	vld.idx.msk [tilespmem:v5+s4+$0x0], $0xffff  }
0x1a9: {  	v9 =	vld [tilespmem:s29+$0xA0A0];
	v7 =	vcvt.f32.s32 v7  }
0x1aa: {  	v5 =	vld.idx.msk [tilespmem:v5+s16+$0x0], $0xffff  }
0x1ab: {  	vm7 =	vgt.s32 v1, v7  }
0x1ac: {  	v7 =	vsel vm7, v1, v7  }
0x1ad: {  	v7 =	vmin.u32 v2, v7;
	v4 =	vmul.f32 v8, v4  }
0x1ae: {  	v8 =	vmul.f32 v9, v0  }
0x1af: {  	v4 =	vadd.f32 v5, v4  }
0x1b0: {  	v5 =	vadd.f32 v8, v3  }
0x1b1: {  	[tilespmem:s29+$0x18080] =	vst v4  }
0x1b2: {  	v5 =	vtrunc.f32 v5;
	v4 =	vld.idx.msk [tilespmem:v7+s4+$0x0], $0xffff  }
0x1b3: {  	v8 =	vld [tilespmem:s29+$0xA0B0];
	v5 =	vcvt.f32.s32 v5  }
0x1b4: {  	v7 =	vld.idx.msk [tilespmem:v7+s16+$0x0], $0xffff  }
0x1b5: {  	vm8 =	vgt.s32 v1, v5  }
0x1b6: {  	v5 =	vsel vm8, v1, v5  }
0x1b7: {  	v5 =	vmin.u32 v2, v5;
	v4 =	vmul.f32 v4, v6  }
0x1b8: {  	s5 =	simm.s32 $0x80;
	s2 =	simm.s32 $0x100;
	v6 =	vmul.f32 v8, v0  }
0x1b9: {  	s0 =	sand.u32 $0x7800, s2;
	s2 =	sand.u32 $0x380, s5;
	v4 =	vadd.f32 v7, v4  }
0x1ba: {  	s30 =	sor.u32 s2, s0;
	v6 =	vadd.f32 v6, v3  }
0x1bb: {  	v7 =	vld [tilespmem:s30+$0xA080];
	[tilespmem:s29+$0x18090] =	vst v4  }
0x1bc: {  	v6 =	vtrunc.f32 v6;
	v4 =	vld.idx.msk [tilespmem:v5+s4+$0x0], $0xffff  }
0x1bd: {  	v11 =	vld [tilespmem:s29+$0xA0C0];
	v6 =	vcvt.f32.s32 v6  }
0x1be: {  	v5 =	vld.idx.msk [tilespmem:v5+s16+$0x0], $0xffff  }
0x1bf: {  	vm9 =	vgt.s32 v1, v6  }
0x1c0: {  	v12 =	vmul.f32 v7, v0;
	v6 =	vsel vm9, v1, v6  }
0x1c1: {  	v6 =	vmin.u32 v2, v6;
	v4 =	vmul.f32 v4, v9  }
0x1c2: {  	v9 =	vadd.f32 v12, v3;
	v12 =	vmul.f32 v11, v0  }
0x1c3: {  	v4 =	vadd.f32 v5, v4  }
0x1c4: {  	v5 =	vtrunc.f32 v9;
	v12 =	vadd.f32 v12, v3  }
0x1c5: {  	v13 =	vld [tilespmem:s30+$0xA090];
	v5 =	vcvt.f32.s32 v5;
	[tilespmem:s29+$0x180A0] =	vst v4  }
0x1c6: {  	v12 =	vtrunc.f32 v12;
	v4 =	vld.idx.msk [tilespmem:v6+s4+$0x0], $0xffff  }
0x1c7: {  	v9 =	vld [tilespmem:s29+$0xA0D0];
	vm10 =	vgt.s32 v1, v5;
	v12 =	vcvt.f32.s32 v12  }
0x1c8: {  	v6 =	vld.idx.msk [tilespmem:v6+s16+$0x0], $0xffff;
	v5 =	vsel vm10, v1, v5  }
0x1c9: {  	v14 =	vmin.u32 v2, v5;
	vm11 =	vgt.s32 v1, v12  }
0x1ca: {  	v5 =	vmul.f32 v13, v0;
	v12 =	vsel vm11, v1, v12  }
0x1cb: {  	v4 =	vmul.f32 v4, v8;
	v8 =	vmin.u32 v2, v12  }
0x1cc: {  	v16 =	vadd.f32 v5, v3;
	v12 =	vmul.f32 v9, v0  }
0x1cd: {  	v15 =	vld [tilespmem:s30+$0xA0A0];
	v4 =	vadd.f32 v6, v4  }
0x1ce: {  	v16 =	vtrunc.f32 v16;
	v6 =	vld.idx.msk [tilespmem:v14+s4+$0x0], $0xffff;
	v12 =	vadd.f32 v12, v3  }
0x1cf: {  	v14 =	vld.idx.msk [tilespmem:v14+s16+$0x0], $0xffff;
	[tilespmem:s29+$0x180B0] =	vst v4;
	v4 =	vcvt.f32.s32 v16  }
0x1d0: {  	v12 =	vtrunc.f32 v12;
	v16 =	vld.idx.msk [tilespmem:v8+s4+$0x0], $0xffff  }
0x1d1: {  	v10 =	vld [tilespmem:s29+$0xA0E0];
	v12 =	vcvt.f32.s32 v12;
	vm12 =	vgt.s32 v1, v4  }
0x1d2: {  	v8 =	vld.idx.msk [tilespmem:v8+s16+$0x0], $0xffff;
	v4 =	vsel vm12, v1, v4  }
0x1d3: {  	v6 =	vmul.f32 v6, v7;
	vm13 =	vgt.s32 v1, v12;
	v4 =	vmin.u32 v2, v4  }
0x1d4: {  	v17 =	vmul.f32 v15, v0;
	v12 =	vsel vm13, v1, v12  }
0x1d5: {  	v6 =	vadd.f32 v14, v6;
	v12 =	vmin.u32 v2, v12;
	v11 =	vmul.f32 v16, v11  }
0x1d6: {  	v14 =	vmul.f32 v10, v0;
	v16 =	vadd.f32 v17, v3  }
0x1d7: {  	v18 =	vld [tilespmem:s30+$0xA0B0];
	[tilespmem:s30+$0x18080] =	vst v6;
	v6 =	vadd.f32 v8, v11  }
0x1d8: {  	v11 =	vadd.f32 v14, v3;
	v14 =	vtrunc.f32 v16;
	v8 =	vld.idx.msk [tilespmem:v4+s4+$0x0], $0xffff  }
0x1d9: {  	v4 =	vld.idx.msk [tilespmem:v4+s16+$0x0], $0xffff;
	[tilespmem:s29+$0x180C0] =	vst v6;
	v6 =	vcvt.f32.s32 v14  }
0x1da: {  	v11 =	vtrunc.f32 v11;
	v14 =	vld.idx.msk [tilespmem:v12+s4+$0x0], $0xffff  }
0x1db: {  	v17 =	vld [tilespmem:s29+$0xA0F0];
	v11 =	vcvt.f32.s32 v11;
	vm14 =	vgt.s32 v1, v6  }
0x1dc: {  	v12 =	vld.idx.msk [tilespmem:v12+s16+$0x0], $0xffff;
	v6 =	vsel vm14, v1, v6  }
0x1dd: {  	s6 =	simm.s32 $0x200;
	s17 =	simm.s32 $0x100;
	vm15 =	vgt.s32 v1, v11;
	v8 =	vmul.f32 v8, v13;
	v13 =	vmin.u32 v2, v6  }
0x1de: {  	s0 =	sand.u32 $0x7800, s6;
	s2 =	sand.u32 $0x380, s17;
	v16 =	vmul.f32 v18, v0;
	v11 =	vsel vm15, v1, v11  }
0x1df: {  	s31 =	sor.u32 s2, s0;
	v4 =	vadd.f32 v4, v8;
	v8 =	vmul.f32 v14, v9;
	v9 =	vmin.u32 v2, v11  }
0x1e0: {  	v19 =	vld [tilespmem:s31+$0xA080];
	v11 =	vadd.f32 v16, v3  }
0x1e1: {  	v14 =	vld [tilespmem:s30+$0xA0C0];
	v16 =	vmul.f32 v17, v0;
	[tilespmem:s30+$0x18090] =	vst v4;
	v4 =	vadd.f32 v12, v8  }
0x1e2: {  	v11 =	vtrunc.f32 v11;
	v8 =	vld.idx.msk [tilespmem:v13+s4+$0x0], $0xffff  }
0x1e3: {  	v12 =	vadd.f32 v16, v3;
	v13 =	vld.idx.msk [tilespmem:v13+s16+$0x0], $0xffff;
	[tilespmem:s29+$0x180D0] =	vst v4;
	v4 =	vcvt.f32.s32 v11  }
0x1e4: {  	v11 =	vld.idx.msk [tilespmem:v9+s4+$0x0], $0xffff  }
0x1e5: {  	v12 =	vtrunc.f32 v12;
	vm4 =	vgt.s32 v1, v4  }
0x1e6: {  	v7 =	vld [tilespmem:s29+$0xA480];
	v16 =	vmul.f32 v19, v0;
	v12 =	vcvt.f32.s32 v12;
	v4 =	vsel vm4, v1, v4  }
0x1e7: {  	v9 =	vld.idx.msk [tilespmem:v9+s16+$0x0], $0xffff;
	v8 =	vmul.f32 v8, v15;
	v15 =	vmin.u32 v2, v4  }
0x1e8: {  	v16 =	vadd.f32 v16, v3;
	v20 =	vmul.f32 v14, v0;
	vm5 =	vgt.s32 v1, v12  }
0x1e9: {  	v21 =	vld [tilespmem:s30+$0xA0D0];
	v12 =	vsel vm5, v1, v12;
	v8 =	vadd.f32 v13, v8;
	v11 =	vmul.f32 v11, v10  }
0x1ea: {  	s5 =	simm.s32 $0x180;
	s2 =	simm.s32 $0x300;
	v22 =	vld [tilespmem:s31+$0xA090];
	v13 =	vmin.u32 v2, v12;
	v12 =	vtrunc.f32 v16;
	v16 =	vadd.f32 v20, v3  }
0x1eb: {  	v24 =	vld [tilespmem:s31+$0xA0A0];
	s0 =	sand.u32 $0x7800, s2;
	s2 =	sand.u32 $0x380, s5;
	v20 =	vmul.f32 v7, v0;
	[tilespmem:s30+$0x180A0] =	vst v8;
	v8 =	vcvt.f32.s32 v12  }
0x1ec: {  	s0 =	sor.u32 s2, s0;
	v9 =	vadd.f32 v9, v11;
	v16 =	vtrunc.f32 v16;
	v11 =	vld.idx.msk [tilespmem:v15+s4+$0x0], $0xffff  }
0x1ed: {  	v29 =	vld [tilespmem:s0+$0xA080];
	v20 =	vadd.f32 v20, v3;
	v16 =	vcvt.f32.s32 v16;
	vm6 =	vgt.s32 v1, v8  }
0x1ee: {  	v15 =	vld.idx.msk [tilespmem:v15+s16+$0x0], $0xffff;
	[tilespmem:s29+$0x180E0] =	vst v9;
	v8 =	vsel vm6, v1, v8  }
0x1ef: {  	v20 =	vtrunc.f32 v20;
	v9 =	vld.idx.msk [tilespmem:v13+s4+$0x0], $0xffff;
	vm7 =	vgt.s32 v1, v16;
	v8 =	vmin.u32 v2, v8  }
0x1f0: {  	v23 =	vmul.f32 v22, v0;
	v5 =	vld [tilespmem:s29+$0xA490];
	v20 =	vcvt.f32.s32 v20;
	v16 =	vsel vm7, v1, v16  }
0x1f1: {  	v13 =	vld.idx.msk [tilespmem:v13+s16+$0x0], $0xffff;
	v16 =	vmin.u32 v2, v16;
	v11 =	vmul.f32 v11, v18  }
0x1f2: {  	v23 =	vadd.f32 v23, v3;
	v6 =	vld [tilespmem:s30+$0xA0E0];
	vm8 =	vgt.s32 v1, v20  }
0x1f3: {  	v4 =	vld [tilespmem:s29+$0xA4D0];
	v18 =	vmul.f32 v21, v0;
	v25 =	vsel vm8, v1, v20;
	v11 =	vadd.f32 v15, v11  }
0x1f4: {  	v9 =	vmul.f32 v9, v17;
	v15 =	vmin.u32 v2, v25;
	v17 =	vld.idx.msk [tilespmem:v8+s4+$0x0], $0xffff  }
0x1f5: {  	v23 =	vtrunc.f32 v23;
	v25 =	vmul.f32 v5, v0;
	v18 =	vadd.f32 v18, v3;
	v8 =	vld.idx.msk [tilespmem:v8+s16+$0x0], $0xffff;
	[tilespmem:s30+$0x180B0] =	vst v11  }
0x1f6: {  	v9 =	vadd.f32 v13, v9;
	v11 =	vcvt.f32.s32 v23;
	v13 =	vld.idx.msk [tilespmem:v16+s4+$0x0], $0xffff  }
0x1f7: {  	v23 =	vld [tilespmem:s29+$0xA4A0];
	v25 =	vadd.f32 v25, v3;
	v18 =	vtrunc.f32 v18  }
0x1f8: {  	v26 =	vmul.f32 v24, v0;
	v16 =	vld.idx.msk [tilespmem:v16+s16+$0x0], $0xffff;
	[tilespmem:s29+$0x180F0] =	vst v9;
	vm9 =	vgt.s32 v1, v11;
	v9 =	vcvt.f32.s32 v18  }
0x1f9: {  	v25 =	vtrunc.f32 v25;
	v18 =	vld.idx.msk [tilespmem:v15+s4+$0x0], $0xffff;
	v11 =	vsel vm9, v1, v11;
	v17 =	vmul.f32 v17, v19  }
0x1fa: {  	v20 =	vld [tilespmem:s30+$0xA490];
	v19 =	vcvt.f32.s32 v25;
	v11 =	vmin.u32 v2, v11;
	vm10 =	vgt.s32 v1, v9  }
0x1fb: {  	v15 =	vld.idx.msk [tilespmem:v15+s16+$0x0], $0xffff;
	v9 =	vsel vm10, v1, v9;
	v8 =	vadd.f32 v8, v17;
	v17 =	vmul.f32 v13, v14  }
0x1fc: {  	v26 =	vadd.f32 v26, v3;
	v10 =	vld [tilespmem:s29+$0xA4C0];
	vm11 =	vgt.s32 v1, v19;
	v9 =	vmin.u32 v2, v9  }
0x1fd: {  	v25 =	vmul.f32 v6, v0;
	v14 =	vld [tilespmem:s30+$0xA0F0];
	v19 =	vsel vm11, v1, v19;
	[tilespmem:s31+$0x18080] =	vst v8;
	v8 =	vadd.f32 v16, v17  }
0x1fe: {  	v16 =	vld [tilespmem:s31+$0xA0B0];
	v7 =	vmul.f32 v18, v7;
	v17 =	vmin.u32 v2, v19;
	v18 =	vmul.f32 v23, v0  }
0x1ff: {  	v26 =	vtrunc.f32 v26;
	v30 =	vmul.f32 v20, v0;
	v25 =	vadd.f32 v25, v3;
	v19 =	vld.idx.msk [tilespmem:v11+s4+$0x0], $0xffff  }
0x200: {  	v11 =	vld.idx.msk [tilespmem:v11+s16+$0x0], $0xffff;
	[tilespmem:s30+$0x180C0] =	vst v8;
	v7 =	vadd.f32 v15, v7;
	v8 =	vcvt.f32.s32 v26;
	v15 =	vadd.f32 v18, v3  }
0x201: {  	v25 =	vtrunc.f32 v25;
	v26 =	vmul.f32 v4, v0;
	v18 =	vld.idx.msk [tilespmem:v9+s4+$0x0], $0xffff  }
0x202: {  	v9 =	vld.idx.msk [tilespmem:v9+s16+$0x0], $0xffff;
	[tilespmem:s29+$0x18480] =	vst v7;
	vm12 =	vgt.s32 v1, v8;
	v7 =	vcvt.f32.s32 v25;
	v15 =	vtrunc.f32 v15  }
0x203: {  	v25 =	vmul.f32 v10, v0;
	v26 =	vadd.f32 v26, v3;
	v27 =	vld.idx.msk [tilespmem:v17+s4+$0x0], $0xffff;
	v8 =	vsel vm12, v1, v8  }
0x204: {  	v12 =	vld [tilespmem:s29+$0xA4B0];
	v19 =	vmul.f32 v19, v22;
	v22 =	vmin.u32 v2, v8;
	vm13 =	vgt.s32 v1, v7  }
0x205: {  	v13 =	vld [tilespmem:s30+$0xA480];
	v15 =	vcvt.f32.s32 v15;
	v28 =	vmul.f32 v16, v0;
	v7 =	vsel vm13, v1, v7  }
0x206: {  	v17 =	vld.idx.msk [tilespmem:v17+s16+$0x0], $0xffff;
	v11 =	vadd.f32 v11, v19;
	v18 =	vmul.f32 v18, v21;
	v7 =	vmin.u32 v2, v7  }
0x207: {  	v8 =	vld [tilespmem:s31+$0xA0E0];
	vm14 =	vgt.s32 v1, v15;
	v19 =	vadd.f32 v28, v3;
	v21 =	vmul.f32 v14, v0  }
0x208: {  	v28 =	vld [tilespmem:s31+$0xA0C0];
	v15 =	vsel vm14, v1, v15;
	[tilespmem:s31+$0x18090] =	vst v11;
	v9 =	vadd.f32 v9, v18;
	v5 =	vmul.f32 v27, v5  }
0x209: {  	v11 =	vmin.u32 v2, v15;
	v15 =	vmul.f32 v12, v0;
	v19 =	vtrunc.f32 v19;
	v18 =	vld.idx.msk [tilespmem:v22+s4+$0x0], $0xffff  }
0x20a: {  	v25 =	vadd.f32 v25, v3;
	v21 =	vadd.f32 v21, v3;
	v22 =	vld.idx.msk [tilespmem:v22+s16+$0x0], $0xffff;
	[tilespmem:s30+$0x180D0] =	vst v9;
	v9 =	vcvt.f32.s32 v19  }
0x20b: {  	v27 =	vmul.f32 v13, v0;
	v5 =	vadd.f32 v17, v5;
	v15 =	vadd.f32 v15, v3;
	v17 =	vld.idx.msk [tilespmem:v7+s4+$0x0], $0xffff  }
0x20c: {  	v31 =	vmul.f32 v8, v0;
	v32 =	vld.idx.msk [tilespmem:v7+s16+$0x0], $0xffff;
	v7 =	vtrunc.f32 v21;
	vm15 =	vgt.s32 v1, v9  }
0x20d: {  	v57 =	vld [tilespmem:s0+$0xA090];
	[tilespmem:s29+$0x18490] =	vst v5;
	v5 =	vcvt.f32.s32 v7;
	v7 =	vtrunc.f32 v15;
	v9 =	vsel vm15, v1, v9  }
0x20e: {  	v33 =	vld.idx.msk [tilespmem:v11+s4+$0x0], $0xffff;
	v34 =	vcvt.f32.s32 v7;
	v7 =	vmul.f32 v18, v24;
	v9 =	vmin.u32 v2, v9  }
0x20f: {  	v19 =	vmul.f32 v28, v0;
	v21 =	vld [tilespmem:s31+$0xA0D0];
	v15 =	vmul.f32 v29, v0;
	vm4 =	vgt.s32 v1, v5  }
0x210: {  	v11 =	vld.idx.msk [tilespmem:v11+s16+$0x0], $0xffff;
	v18 =	vsel vm4, v1, v5;
	v22 =	vadd.f32 v22, v7;
	v17 =	vmul.f32 v17, v6  }
0x211: {  	v15 =	vadd.f32 v15, v3;
	v5 =	vld [tilespmem:s30+$0xA4D0];
	vm5 =	vgt.s32 v1, v34;
	v18 =	vmin.u32 v2, v18  }
0x212: {  	v19 =	vadd.f32 v19, v3;
	v6 =	vld [tilespmem:s30+$0xA4C0];
	v24 =	vsel vm5, v1, v34;
	[tilespmem:s31+$0x180A0] =	vst v22;
	v17 =	vadd.f32 v32, v17  }
0x213: {  	v15 =	vtrunc.f32 v15;
	v22 =	vmul.f32 v33, v23;
	v23 =	vmin.u32 v2, v24;
	v24 =	vld.idx.msk [tilespmem:v9+s4+$0x0], $0xffff  }
0x214: {  	v15 =	vcvt.f32.s32 v15;
	v59 =	vld.idx.msk [tilespmem:v9+s16+$0x0], $0xffff;
	v9 =	vtrunc.f32 v19;
	[tilespmem:s30+$0x180E0] =	vst v17;
	v17 =	vadd.f32 v27, v3  }
0x215: {  	v7 =	vld [tilespmem:s30+$0xA4B0];
	v11 =	vadd.f32 v11, v22;
	v9 =	vcvt.f32.s32 v9;
	v22 =	vtrunc.f32 v25  }
0x216: {  	vm6 =	vgt.s32 v1, v15;
	v27 =	vmul.f32 v57, v0;
	v19 =	vld.idx.msk [tilespmem:v18+s4+$0x0], $0xffff;
	v17 =	vtrunc.f32 v17  }
0x217: {  	v15 =	vsel vm6, v1, v15;
	v18 =	vld.idx.msk [tilespmem:v18+s16+$0x0], $0xffff;
	[tilespmem:s29+$0x184A0] =	vst v11;
	v11 =	vcvt.f32.s32 v22;
	v22 =	vcvt.f32.s32 v17  }
0x218: {  	v58 =	vmul.f32 v21, v0;
	v15 =	vmin.u32 v2, v15;
	vm7 =	vgt.s32 v1, v9;
	v25 =	vld.idx.msk [tilespmem:v23+s4+$0x0], $0xffff  }
0x219: {  	v27 =	vadd.f32 v27, v3;
	v17 =	vld [tilespmem:s0+$0xA0A0];
	v9 =	vsel vm7, v1, v9;
	vm1 =	vgt.s32 v1, v22  }
0x21a: {  	v23 =	vld.idx.msk [tilespmem:v23+s16+$0x0], $0xffff;
	v16 =	vmul.f32 v24, v16;
	v24 =	vmin.u32 v2, v9;
	v22 =	vsel vm1, v1, v22  }
0x21b: {  	vm8 =	vgt.s32 v1, v11;
	v9 =	vld [tilespmem:s30+$0xA4A0];
	v14 =	vmul.f32 v19, v14;
	v19 =	vmin.u32 v2, v22  }
0x21c: {  	v32 =	vadd.f32 v58, v3;
	v35 =	vsel vm8, v1, v11;
	v11 =	vld [tilespmem:s31+$0xA490];
	v16 =	vadd.f32 v59, v16  }
0x21d: {  	v27 =	vtrunc.f32 v27;
	v22 =	vld.idx.msk [tilespmem:v15+s4+$0x0], $0xffff;
	v14 =	vadd.f32 v18, v14;
	v12 =	vmul.f32 v25, v12  }
0x21e: {  	v60 =	vmin.u32 v2, v35;
	v15 =	vld.idx.msk [tilespmem:v15+s16+$0x0], $0xffff;
	[tilespmem:s31+$0x180B0] =	vst v16;
	v16 =	vcvt.f32.s32 v27;
	v27 =	vadd.f32 v30, v3  }
0x21f: {  	v18 =	vmul.f32 v17, v0;
	v30 =	vtrunc.f32 v32;
	v25 =	vld.idx.msk [tilespmem:v24+s4+$0x0], $0xffff;
	[tilespmem:s30+$0x180F0] =	vst v14;
	v12 =	vadd.f32 v23, v12  }
0x220: {  	v14 =	vtrunc.f32 v26;
	vm9 =	vgt.s32 v1, v16;
	v27 =	vtrunc.f32 v27;
	v26 =	vld.idx.msk [tilespmem:v19+s4+$0x0], $0xffff  }
0x221: {  	v23 =	vcvt.f32.s32 v30;
	v18 =	vadd.f32 v18, v3;
	v30 =	vld.idx.msk [tilespmem:v19+s16+$0x0], $0xffff;
	v19 =	vcvt.f32.s32 v27  }
0x222: {  	v24 =	vld.idx.msk [tilespmem:v24+s16+$0x0], $0xffff;
	v16 =	vsel vm9, v1, v16;
	[tilespmem:s29+$0x184B0] =	vst v12;
	v12 =	vmul.f32 v22, v29;
	v22 =	vcvt.f32.s32 v14  }
0x223: {  	v27 =	vmin.u32 v2, v16;
	vm10 =	vgt.s32 v1, v23;
	v14 =	vld [tilespmem:s31+$0xA480];
	v18 =	vtrunc.f32 v18  }
0x224: {  	v29 =	vld.idx.msk [tilespmem:v60+s4+$0x0], $0xffff;
	v16 =	vsel vm10, v1, v23;
	vm11 =	vgt.s32 v1, v19;
	v12 =	vadd.f32 v15, v12  }
0x225: {  	vm12 =	vgt.s32 v1, v22;
	v15 =	vmul.f32 v25, v28;
	v23 =	vmin.u32 v2, v16;
	v25 =	vld.idx.msk [tilespmem:v60+s16+$0x0], $0xffff  }
0x226: {  	v18 =	vcvt.f32.s32 v18;
	v16 =	vld [tilespmem:s31+$0xA0F0];
	v28 =	vsel vm11, v1, v19;
	v22 =	vsel vm12, v1, v22  }
0x227: {  	v19 =	vld [tilespmem:s0+$0xA0B0];
	[tilespmem:s0+$0x18080] =	vst v12;
	v12 =	vadd.f32 v24, v15;
	v24 =	vmin.u32 v2, v28;
	v13 =	vmul.f32 v26, v13  }
0x228: {  	vm13 =	vgt.s32 v1, v18;
	v15 =	vadd.f32 v31, v3;
	v28 =	vmul.f32 v9, v0;
	v26 =	vld.idx.msk [tilespmem:v27+s4+$0x0], $0xffff  }
0x229: {  	v31 =	vmin.u32 v2, v22;
	v27 =	vld.idx.msk [tilespmem:v27+s16+$0x0], $0xffff;
	[tilespmem:s31+$0x180C0] =	vst v12;
	v12 =	vadd.f32 v30, v13  }
0x22a: {  	v22 =	vadd.f32 v28, v3;
	v28 =	vtrunc.f32 v15;
	v13 =	vmul.f32 v29, v10;
	v29 =	vld.idx.msk [tilespmem:v23+s4+$0x0], $0xffff  }
0x22b: {  	v15 =	vmul.f32 v6, v0;
	v10 =	vmul.f32 v5, v0;
	v23 =	vld.idx.msk [tilespmem:v23+s16+$0x0], $0xffff;
	[tilespmem:s30+$0x18480] =	vst v12  }
0x22c: {  	v22 =	vtrunc.f32 v22;
	v12 =	vadd.f32 v25, v13;
	v13 =	vcvt.f32.s32 v28;
	v61 =	vld.idx.msk [tilespmem:v24+s4+$0x0], $0xffff  }
0x22d: {  	v25 =	vsel vm13, v1, v18;
	v30 =	vcvt.f32.s32 v22;
	v18 =	vmul.f32 v7, v0;
	v24 =	vld.idx.msk [tilespmem:v24+s16+$0x0], $0xffff  }
0x22e: {  	v22 =	vld [tilespmem:s0+$0xA0E0];
	v26 =	vmul.f32 v26, v57;
	v28 =	vmin.u32 v2, v25;
	[tilespmem:s29+$0x184C0] =	vst v12;
	vm14 =	vgt.s32 v1, v13  }
0x22f: {  	s6 =	simm.s32 $0x400;
	s17 =	simm.s32 $0x200;
	v25 =	vmul.f32 v19, v0;
	vm15 =	vgt.s32 v1, v30;
	v12 =	vld.idx.msk [tilespmem:v31+s4+$0x0], $0xffff;
	v13 =	vsel vm14, v1, v13  }
0x230: {  	s5 =	sand.u32 $0x380, s17;
	s2 =	sand.u32 $0x7800, s6;
	v26 =	vadd.f32 v27, v26;
	v62 =	vmul.f32 v29, v21;
	v21 =	vld [tilespmem:s0+$0xA0C0];
	v27 =	vmin.u32 v2, v13  }
0x231: {  	s2 =	sor.u32 s5, s2;
	v29 =	vmul.f32 v16, v0;
	v63 =	vsel vm15, v1, v30;
	v13 =	vld.idx.msk [tilespmem:v31+s16+$0x0], $0xffff;
	v31 =	vadd.f32 v25, v3  }
0x232: {  	s5 =	simm.s32 $0x500;
	v25 =	vld [tilespmem:s2+$0xA080];
	[tilespmem:s0+$0x18090] =	vst v26;
	v30 =	vadd.f32 v23, v62;
	v26 =	vmul.f32 v61, v20;
	v20 =	vmin.u32 v2, v63  }
.LBB2_9:
0x233: {  	p0 =	sne.s32 s5, $0x6F00;
	v32 =	vld.idx.msk [tilespmem:v28+s4+$0x0], $0xffff;
	v23 =	vadd.f32 v29, v3;
	v29 =	vmul.f32 v14, v0;
	v33 =	vmul.f32 v11, v0  }
0x234: {  	v31 =	vtrunc.f32 v31;
	v28 =	vld.idx.msk [tilespmem:v28+s16+$0x0], $0xffff;
	[tilespmem:s31+$0x180D0] =	vst v30;
	v24 =	vadd.f32 v24, v26;
	v26 =	vmul.f32 v12, v4  }
0x235: {  	v18 =	vadd.f32 v18, v3;
	v30 =	vcvt.f32.s32 v31;
	v12 =	vmul.f32 v22, v0;
	v4 =	vmovc v5;
	v31 =	vld.idx.msk [tilespmem:v27+s4+$0x0], $0xffff  }
0x236: {  	v5 =	vtrunc.f32 v23;
	v34 =	vmul.f32 v21, v0;
	v27 =	vld.idx.msk [tilespmem:v27+s16+$0x0], $0xffff;
	[tilespmem:s30+$0x18490] =	vst v24;
	v24 =	vadd.f32 v13, v26  }
0x237: {  	v18 =	vtrunc.f32 v18;
	vm0 =	vgt.s32 v1, v30;
	v5 =	vcvt.f32.s32 v5;
	v26 =	vld.idx.msk [tilespmem:v20+s4+$0x0], $0xffff;
	v23 =	vmovc v11  }
0x238: {  	v35 =	vcvt.f32.s32 v18;
	v11 =	vmul.f32 v25, v0;
	v30 =	vsel vm0, v1, v30;
	v13 =	vld [tilespmem:s0+$0xA0D0];
	[tilespmem:s29+$0x184D0] =	vst v24;
	s29 =	smov.u32 s30;
	s30 =	smov.u32 s31;
	s31 =	smov.u32 s0  }
0x239: {  	v17 =	vmul.f32 v32, v17;
	v24 =	vmin.u32 v2, v30;
	vm0 =	vgt.s32 v1, v5;
	s0 =	smov.u32 s2;
	v30 =	vld.idx.msk [tilespmem:v20+s16+$0x0], $0xffff  }
0x23a: {  	v11 =	vadd.f32 v11, v3;
	v18 =	vsel vm0, v1, v5;
	vm0 =	vgt.s32 v1, v35;
	v5 =	vld [tilespmem:s30+$0xA4D0]  }
0x23b: {  	v17 =	vadd.f32 v28, v17;
	v28 =	vmul.f32 v31, v8;
	v31 =	vmin.u32 v2, v18;
	v8 =	vmovc v22;
	v18 =	vld [tilespmem:s30+$0xA4C0]  }
0x23c: {  	v22 =	vadd.f32 v34, v3;
	v34 =	vsel vm0, v1, v35;
	v11 =	vtrunc.f32 v11;
	v32 =	vld [tilespmem:s30+$0xA4B0]  }
0x23d: {  	v9 =	vmul.f32 v26, v9;
	v26 =	vmin.u32 v2, v34;
	v20 =	vld [tilespmem:s0+$0xA090];
	[tilespmem:s31+$0x180A0] =	vst v17;
	v17 =	vadd.f32 v27, v28  }
0x23e: {  	v15 =	vadd.f32 v15, v3;
	v11 =	vcvt.f32.s32 v11;
	v28 =	vmul.f32 v13, v0;
	v27 =	vld.idx.msk [tilespmem:v24+s4+$0x0], $0xffff  }
0x23f: {  	v22 =	vtrunc.f32 v22;
	v9 =	vadd.f32 v30, v9;
	v24 =	vld.idx.msk [tilespmem:v24+s16+$0x0], $0xffff;
	[tilespmem:s30+$0x180E0] =	vst v17;
	v17 =	vadd.f32 v29, v3  }
0x240: {  	v15 =	vtrunc.f32 v15;
	v22 =	vcvt.f32.s32 v22;
	vm0 =	vgt.s32 v1, v11;
	v29 =	vld.idx.msk [tilespmem:v31+s4+$0x0], $0xffff  }
0x241: {  	v15 =	vcvt.f32.s32 v15;
	v11 =	vsel vm0, v1, v11;
	v30 =	vld.idx.msk [tilespmem:v31+s16+$0x0], $0xffff;
	v17 =	vtrunc.f32 v17;
	[tilespmem:s29+$0x184A0] =	vst v9  }
0x242: {  	vm0 =	vgt.s32 v1, v22;
	v31 =	vmin.u32 v2, v11;
	v9 =	vcvt.f32.s32 v17;
	v34 =	vld.idx.msk [tilespmem:v26+s4+$0x0], $0xffff  }
0x243: {  	v22 =	vsel vm0, v1, v22;
	vm0 =	vgt.s32 v1, v15;
	v11 =	vmul.f32 v20, v0;
	v17 =	vld [tilespmem:s0+$0xA0A0]  }
0x244: {  	v22 =	vmin.u32 v2, v22;
	v19 =	vmul.f32 v27, v19;
	vm1 =	vgt.s32 v1, v9;
	v26 =	vld.idx.msk [tilespmem:v26+s16+$0x0], $0xffff  }
0x245: {  	v15 =	vsel vm0, v1, v15;
	v27 =	vadd.f32 v11, v3;
	v35 =	vsel vm1, v1, v9;
	v9 =	vld [tilespmem:s30+$0xA4A0]  }
0x246: {  	v19 =	vadd.f32 v24, v19;
	v16 =	vmul.f32 v29, v16;
	v11 =	vld [tilespmem:s31+$0xA490];
	v24 =	vmin.u32 v2, v35  }
0x247: {  	v10 =	vadd.f32 v10, v3;
	v28 =	vadd.f32 v28, v3;
	v15 =	vmin.u32 v2, v15;
	v29 =	vld.idx.msk [tilespmem:v31+s4+$0x0], $0xffff  }
0x248: {  	v27 =	vtrunc.f32 v27;
	v16 =	vadd.f32 v30, v16;
	v31 =	vld.idx.msk [tilespmem:v31+s16+$0x0], $0xffff;
	[tilespmem:s31+$0x180B0] =	vst v19;
	v19 =	vmul.f32 v34, v7  }
0x249: {  	v33 =	vadd.f32 v33, v3;
	v27 =	vcvt.f32.s32 v27;
	v30 =	vmul.f32 v17, v0;
	v7 =	vmovc v32;
	v34 =	vld.idx.msk [tilespmem:v22+s4+$0x0], $0xffff  }
0x24a: {  	v10 =	vtrunc.f32 v10;
	v28 =	vtrunc.f32 v28;
	v22 =	vld.idx.msk [tilespmem:v22+s16+$0x0], $0xffff;
	[tilespmem:s30+$0x180F0] =	vst v16;
	v16 =	vadd.f32 v26, v19  }
0x24b: {  	vm0 =	vgt.s32 v1, v27;
	v19 =	vcvt.f32.s32 v28;
	v28 =	vtrunc.f32 v33;
	v26 =	vld.idx.msk [tilespmem:v24+s4+$0x0], $0xffff  }
0x24c: {  	v10 =	vcvt.f32.s32 v10;
	v27 =	vsel vm0, v1, v27;
	v28 =	vcvt.f32.s32 v28;
	v24 =	vld.idx.msk [tilespmem:v24+s16+$0x0], $0xffff;
	[tilespmem:s29+$0x184B0] =	vst v16  }
0x24d: {  	v16 =	vmul.f32 v29, v25;
	v25 =	vmin.u32 v2, v27;
	vm0 =	vgt.s32 v1, v19;
	v27 =	vld.idx.msk [tilespmem:v15+s4+$0x0], $0xffff  }
0x24e: {  	vm1 =	vgt.s32 v1, v10;
	v19 =	vsel vm0, v1, v19;
	vm0 =	vgt.s32 v1, v28;
	v29 =	vld [tilespmem:s31+$0xA480]  }
0x24f: {  	v31 =	vadd.f32 v31, v16;
	v21 =	vmul.f32 v34, v21;
	v32 =	vmin.u32 v2, v19;
	v33 =	vld.idx.msk [tilespmem:v15+s16+$0x0], $0xffff  }
0x250: {  	v10 =	vsel vm1, v1, v10;
	v28 =	vsel vm0, v1, v28;
	v15 =	vadd.f32 v30, v3;
	v16 =	vld [tilespmem:s31+$0xA0F0]  }
0x251: {  	v21 =	vadd.f32 v22, v21;
	v14 =	vmul.f32 v26, v14;
	v22 =	vmin.u32 v2, v28;
	[tilespmem:s0+$0x18080] =	vst v31;
	v19 =	vld [tilespmem:s0+$0xA0B0]  }
0x252: {  	v12 =	vadd.f32 v12, v3;
	v30 =	vmin.u32 v2, v10;
	v28 =	vmul.f32 v9, v0;
	v26 =	vld.idx.msk [tilespmem:v25+s4+$0x0], $0xffff  }
0x253: {  	v10 =	vtrunc.f32 v15;
	v34 =	vadd.f32 v24, v14;
	v25 =	vld.idx.msk [tilespmem:v25+s16+$0x0], $0xffff;
	[tilespmem:s31+$0x180C0] =	vst v21;
	v21 =	vmul.f32 v27, v6  }
0x254: {  	v24 =	vcvt.f32.s32 v10;
	v28 =	vadd.f32 v28, v3;
	v10 =	vmul.f32 v5, v0;
	v6 =	vmovc v18;
	v27 =	vld.idx.msk [tilespmem:v32+s4+$0x0], $0xffff  }
0x255: {  	v12 =	vtrunc.f32 v12;
	v15 =	vmul.f32 v6, v0;
	v32 =	vld.idx.msk [tilespmem:v32+s16+$0x0], $0xffff;
	[tilespmem:s30+$0x18480] =	vst v34;
	v21 =	vadd.f32 v33, v21  }
0x256: {  	v31 =	vcvt.f32.s32 v12;
	vm0 =	vgt.s32 v1, v24;
	v12 =	vtrunc.f32 v28;
	v14 =	vmovc v29;
	v33 =	vld.idx.msk [tilespmem:v22+s4+$0x0], $0xffff  }
0x257: {  	v18 =	vmul.f32 v7, v0;
	v28 =	vsel vm0, v1, v24;
	v34 =	vcvt.f32.s32 v12;
	v24 =	vld.idx.msk [tilespmem:v22+s16+$0x0], $0xffff;
	[tilespmem:s29+$0x184C0] =	vst v21  }
.Ltmp6:
0x258: {  	vm0 =	vgt.s32 v1, v31;
	v28 =	vmin.u32 v2, v28;
	v20 =	vmul.f32 v26, v20;
	v12 =	vld.idx.msk [tilespmem:v30+s4+$0x0], $0xffff;
	(pc) =	sbr.rel @p0 .LBB2_9-.Ltmp6, $4  }
0x259: {  	s17 =	sadd.s32 $0x80, s17;
	v21 =	vmul.f32 v19, v0;
	v26 =	vsel vm0, v1, v31;
	vm0 =	vgt.s32 v1, v34;
	v22 =	vld [tilespmem:s0+$0xA0E0]  }
0x25a: {  	s6 =	sand.u32 $0x380, s17;
	s2 =	sand.u32 $0x7800, s5;
	v20 =	vadd.f32 v25, v20;
	v35 =	vmul.f32 v27, v13;
	v27 =	vmin.u32 v2, v26;
	v13 =	vld.idx.msk [tilespmem:v30+s16+$0x0], $0xffff  }
0x25b: {  	s2 =	sor.u32 s6, s2;
	v29 =	vmul.f32 v16, v0;
	v34 =	vsel vm0, v1, v34;
	v31 =	vadd.f32 v21, v3;
	v21 =	vld [tilespmem:s0+$0xA0C0]  }
0x25c: {  	s5 =	sadd.s32 $0x100, s5;
	v30 =	vadd.f32 v32, v35;
	v26 =	vmul.f32 v33, v23;
	v25 =	vld [tilespmem:s2+$0xA080];
	[tilespmem:s0+$0x18090] =	vst v20;
	v20 =	vmin.u32 v2, v34  }
0x25d: {  	_ =	sdelay $0x3  }
0x25e: {  	v23 =	vmul.f32 v25, v0;
	_ =	sdelay $0x1  }
0x25f: {  	v23 =	vadd.f32 v23, v3;
	_ =	sdelay $0x1  }
0x260: {  	v23 =	vtrunc.f32 v23  }
0x261: {  	v32 =	vld [tilespmem:s2+$0xA090];
	v23 =	vcvt.f32.s32 v23;
	_ =	sdelay $0x1  }
0x262: {  	vm0 =	vgt.s32 v1, v23  }
0x263: {  	v23 =	vsel vm0, v1, v23  }
0x264: {  	v23 =	vmin.u32 v2, v23  }
0x265: {  	v33 =	vmul.f32 v32, v0;
	_ =	sdelay $0x1  }
0x266: {  	v33 =	vadd.f32 v33, v3;
	_ =	sdelay $0x1  }
0x267: {  	v33 =	vtrunc.f32 v33;
	v34 =	vld.idx.msk [tilespmem:v23+s4+$0x0], $0xffff  }
0x268: {  	v35 =	vld [tilespmem:s2+$0xA0A0];
	v33 =	vcvt.f32.s32 v33  }
0x269: {  	v23 =	vld.idx.msk [tilespmem:v23+s16+$0x0], $0xffff  }
0x26a: {  	vm7 =	vgt.s32 v1, v33  }
0x26b: {  	v33 =	vsel vm7, v1, v33  }
0x26c: {  	v33 =	vmin.u32 v2, v33;
	v60 =	vmul.f32 v34, v25  }
0x26d: {  	v61 =	vmul.f32 v35, v0  }
0x26e: {  	v23 =	vadd.f32 v23, v60  }
0x26f: {  	v62 =	vadd.f32 v61, v3  }
0x270: {  	[tilespmem:s2+$0x18080] =	vst v23  }
0x271: {  	v25 =	vtrunc.f32 v62;
	v23 =	vld.idx.msk [tilespmem:v33+s4+$0x0], $0xffff  }
0x272: {  	v63 =	vld [tilespmem:s2+$0xA0B0];
	v25 =	vcvt.f32.s32 v25  }
0x273: {  	v33 =	vld.idx.msk [tilespmem:v33+s16+$0x0], $0xffff  }
0x274: {  	vm8 =	vgt.s32 v1, v25  }
0x275: {  	v25 =	vsel vm8, v1, v25  }
0x276: {  	v25 =	vmin.u32 v2, v25;
	v23 =	vmul.f32 v23, v32  }
0x277: {  	v36 =	vld.idx.msk [tilespmem:v28+s4+$0x0], $0xffff;
	v31 =	vtrunc.f32 v31;
	v40 =	vmul.f32 v63, v0  }
0x278: {  	v31 =	vcvt.f32.s32 v31;
	v23 =	vadd.f32 v33, v23  }
0x279: {  	v37 =	vld.idx.msk [tilespmem:v28+s16+$0x0], $0xffff;
	v32 =	vadd.f32 v40, v3  }
0x27a: {  	vm9 =	vgt.s32 v1, v31;
	[tilespmem:s2+$0x18090] =	vst v23  }
0x27b: {  	v31 =	vsel vm9, v1, v31;
	v32 =	vtrunc.f32 v32;
	v23 =	vld.idx.msk [tilespmem:v25+s4+$0x0], $0xffff  }
0x27c: {  	v17 =	vmul.f32 v36, v17;
	v31 =	vmin.u32 v2, v31;
	v33 =	vld [tilespmem:s2+$0xA0C0];
	v32 =	vcvt.f32.s32 v32  }
0x27d: {  	v41 =	vmul.f32 v21, v0;
	v42 =	vld.idx.msk [tilespmem:v25+s16+$0x0], $0xffff  }
0x27e: {  	v17 =	vadd.f32 v37, v17;
	vm10 =	vgt.s32 v1, v32  }
0x27f: {  	v36 =	vadd.f32 v41, v3;
	v32 =	vsel vm10, v1, v32  }
0x280: {  	[tilespmem:s0+$0x180A0] =	vst v17;
	v32 =	vmin.u32 v2, v32;
	v23 =	vmul.f32 v23, v35  }
0x281: {  	v36 =	vtrunc.f32 v36;
	v43 =	vld.idx.msk [tilespmem:v31+s4+$0x0], $0xffff;
	v44 =	vmul.f32 v33, v0  }
0x282: {  	v37 =	vld [tilespmem:s0+$0xA0D0];
	v36 =	vcvt.f32.s32 v36;
	v17 =	vadd.f32 v42, v23  }
0x283: {  	v31 =	vld.idx.msk [tilespmem:v31+s16+$0x0], $0xffff;
	v47 =	vadd.f32 v44, v3  }
0x284: {  	vm11 =	vgt.s32 v1, v36;
	[tilespmem:s2+$0x180A0] =	vst v17  }
0x285: {  	[tilespmem:s31+$0x180D0] =	vst v30;
	v36 =	vsel vm11, v1, v36;
	v30 =	vtrunc.f32 v47;
	v50 =	vld.idx.msk [tilespmem:v32+s4+$0x0], $0xffff  }
0x286: {  	v46 =	vmin.u32 v2, v36;
	v36 =	vld [tilespmem:s2+$0xA0D0];
	v19 =	vmul.f32 v43, v19;
	v30 =	vcvt.f32.s32 v30  }
0x287: {  	v48 =	vmul.f32 v37, v0;
	v51 =	vld.idx.msk [tilespmem:v32+s16+$0x0], $0xffff  }
0x288: {  	v45 =	vld.idx.msk [tilespmem:v27+s4+$0x0], $0xffff;
	v49 =	vadd.f32 v31, v19;
	vm12 =	vgt.s32 v1, v30  }
0x289: {  	v38 =	vld.idx.msk [tilespmem:v27+s16+$0x0], $0xffff;
	v27 =	vadd.f32 v48, v3;
	v30 =	vsel vm12, v1, v30  }
0x28a: {  	v29 =	vadd.f32 v29, v3;
	[tilespmem:s0+$0x180B0] =	vst v49;
	v40 =	vmin.u32 v2, v30;
	v34 =	vmul.f32 v50, v63  }
0x28b: {  	v27 =	vtrunc.f32 v27;
	v55 =	vmul.f32 v36, v0;
	v53 =	vld.idx.msk [tilespmem:v46+s4+$0x0], $0xffff  }
0x28c: {  	v52 =	vtrunc.f32 v29;
	v27 =	vcvt.f32.s32 v27;
	v31 =	vadd.f32 v51, v34  }
0x28d: {  	v54 =	vcvt.f32.s32 v52;
	v58 =	vadd.f32 v55, v3;
	v39 =	vld.idx.msk [tilespmem:v46+s16+$0x0], $0xffff  }
0x28e: {  	v28 =	vld [tilespmem:s2+$0xA0E0];
	vm1 =	vgt.s32 v1, v27;
	[tilespmem:s2+$0x180B0] =	vst v31  }
0x28f: {  	vm13 =	vgt.s32 v1, v54;
	v27 =	vsel vm1, v1, v27;
	v34 =	vtrunc.f32 v58;
	v60 =	vld.idx.msk [tilespmem:v40+s4+$0x0], $0xffff  }
0x290: {  	v57 =	vmin.u32 v2, v27;
	v56 =	vmul.f32 v53, v21;
	v34 =	vcvt.f32.s32 v34  }
0x291: {  	v41 =	vmul.f32 v22, v0;
	v8 =	vmul.f32 v45, v8;
	v32 =	vsel vm13, v1, v54;
	v62 =	vld.idx.msk [tilespmem:v40+s16+$0x0], $0xffff  }
0x292: {  	v21 =	vadd.f32 v39, v56;
	v32 =	vmin.u32 v2, v32;
	vm14 =	vgt.s32 v1, v34  }
0x293: {  	v61 =	vadd.f32 v41, v3;
	v45 =	vmul.f32 v28, v0;
	v34 =	vsel vm14, v1, v34  }
0x294: {  	v8 =	vadd.f32 v38, v8;
	v38 =	vld [tilespmem:s0+$0xA0F0];
	[tilespmem:s0+$0x180C0] =	vst v21;
	v34 =	vmin.u32 v2, v34;
	v33 =	vmul.f32 v60, v33  }
0x295: {  	v39 =	vtrunc.f32 v61;
	v29 =	vld.idx.msk [tilespmem:v57+s16+$0x0], $0xffff  }
0x296: {  	[tilespmem:s31+$0x180E0] =	vst v8;
	v39 =	vcvt.f32.s32 v39;
	v35 =	vadd.f32 v45, v3;
	v63 =	vld.idx.msk [tilespmem:v57+s4+$0x0], $0xffff;
	v21 =	vadd.f32 v62, v33  }
0x297: {  	v44 =	vld.idx.msk [tilespmem:v32+s4+$0x0], $0xffff  }
0x298: {  	vm15 =	vgt.s32 v1, v39;
	v49 =	vtrunc.f32 v35;
	v32 =	vld.idx.msk [tilespmem:v32+s16+$0x0], $0xffff;
	[tilespmem:s2+$0x180C0] =	vst v21  }
0x299: {  	v39 =	vsel vm15, v1, v39;
	v35 =	vcvt.f32.s32 v49;
	v48 =	vld.idx.msk [tilespmem:v34+s4+$0x0], $0xffff  }
0x29a: {  	v46 =	vmin.u32 v2, v39;
	v39 =	vld [tilespmem:s2+$0xA0F0]  }
0x29b: {  	v59 =	vmul.f32 v14, v0;
	vm5 =	vgt.s32 v1, v35;
	v8 =	vmul.f32 v63, v37;
	v51 =	vld.idx.msk [tilespmem:v34+s16+$0x0], $0xffff  }
0x29c: {  	v47 =	vmul.f32 v38, v0;
	v35 =	vsel vm5, v1, v35;
	v16 =	vmul.f32 v44, v16  }
0x29d: {  	v30 =	vld [tilespmem:s0+$0xA480];
	v35 =	vmin.u32 v2, v35;
	v31 =	vadd.f32 v59, v3;
	v8 =	vadd.f32 v29, v8  }
0x29e: {  	v16 =	vadd.f32 v32, v16;
	v21 =	vadd.f32 v47, v3;
	v54 =	vmul.f32 v48, v36  }
0x29f: {  	v56 =	vmul.f32 v39, v0;
	v31 =	vtrunc.f32 v31;
	[tilespmem:s0+$0x180D0] =	vst v8  }
0x2a0: {  	v31 =	vcvt.f32.s32 v31;
	v52 =	vld.idx.msk [tilespmem:v46+s4+$0x0], $0xffff;
	[tilespmem:s31+$0x180F0] =	vst v16;
	v21 =	vtrunc.f32 v21;
	v16 =	vadd.f32 v51, v54  }
0x2a1: {  	v58 =	vadd.f32 v56, v3;
	v21 =	vcvt.f32.s32 v21  }
0x2a2: {  	v59 =	vmul.f32 v30, v0;
	vm4 =	vgt.s32 v1, v31;
	v37 =	vld.idx.msk [tilespmem:v46+s16+$0x0], $0xffff;
	[tilespmem:s2+$0x180D0] =	vst v16  }
0x2a3: {  	v32 =	vtrunc.f32 v58;
	v31 =	vsel vm4, v1, v31;
	vm6 =	vgt.s32 v1, v21;
	v61 =	vld.idx.msk [tilespmem:v35+s4+$0x0], $0xffff  }
0x2a4: {  	v32 =	vcvt.f32.s32 v32;
	v31 =	vmin.u32 v2, v31;
	v33 =	vld [tilespmem:s2+$0xA480];
	v21 =	vsel vm6, v1, v21  }
0x2a5: {  	v57 =	vmul.f32 v52, v22;
	v21 =	vmin.u32 v2, v21;
	v62 =	vld.idx.msk [tilespmem:v35+s16+$0x0], $0xffff  }
0x2a6: {  	v40 =	vadd.f32 v59, v3;
	vm8 =	vgt.s32 v1, v32  }
0x2a7: {  	v18 =	vadd.f32 v18, v3;
	v32 =	vsel vm8, v1, v32;
	v60 =	vadd.f32 v37, v57  }
0x2a8: {  	v27 =	vld [tilespmem:s2+$0xA490];
	v45 =	vtrunc.f32 v40;
	v32 =	vmin.u32 v2, v32;
	v28 =	vmul.f32 v61, v28  }
0x2a9: {  	v15 =	vadd.f32 v15, v3;
	v55 =	vld.idx.msk [tilespmem:v31+s4+$0x0], $0xffff;
	[tilespmem:s0+$0x180E0] =	vst v60;
	v48 =	vmul.f32 v33, v0;
	v35 =	vcvt.f32.s32 v45  }
0x2aa: {  	v24 =	vadd.f32 v24, v26;
	v44 =	vld.idx.msk [tilespmem:v21+s4+$0x0], $0xffff;
	v26 =	vadd.f32 v62, v28  }
0x2ab: {  	v25 =	vld [tilespmem:s0+$0xA490];
	v50 =	vmul.f32 v11, v0;
	v51 =	vadd.f32 v48, v3;
	vm9 =	vgt.s32 v1, v35  }
0x2ac: {  	v18 =	vtrunc.f32 v18;
	v15 =	vtrunc.f32 v15;
	v47 =	vld.idx.msk [tilespmem:v21+s16+$0x0], $0xffff;
	v35 =	vsel vm9, v1, v35;
	[tilespmem:s2+$0x180E0] =	vst v26  }
0x2ad: {  	v53 =	vadd.f32 v50, v3;
	v50 =	vmin.u32 v2, v35;
	v35 =	vtrunc.f32 v51;
	v54 =	vld.idx.msk [tilespmem:v32+s4+$0x0], $0xffff  }
0x2ae: {  	v18 =	vcvt.f32.s32 v18;
	v31 =	vld.idx.msk [tilespmem:v31+s16+$0x0], $0xffff;
	v35 =	vcvt.f32.s32 v35  }
0x2af: {  	v63 =	vmul.f32 v55, v14;
	v49 =	vmul.f32 v44, v38;
	v55 =	vld.idx.msk [tilespmem:v32+s16+$0x0], $0xffff  }
0x2b0: {  	[tilespmem:s30+$0x18490] =	vst v24;
	v58 =	vmul.f32 v27, v0;
	v34 =	vtrunc.f32 v53;
	vm10 =	vgt.s32 v1, v35  }
0x2b1: {  	v43 =	vld.idx.msk [tilespmem:v20+s16+$0x0], $0xffff;
	v34 =	vcvt.f32.s32 v34;
	v53 =	vadd.f32 v47, v49;
	v35 =	vsel vm10, v1, v35  }
0x2b2: {  	v29 =	vld [tilespmem:s31+$0xA4A0];
	v57 =	vmul.f32 v25, v0;
	v35 =	vmin.u32 v2, v35;
	v28 =	vmul.f32 v54, v39  }
0x2b3: {  	v15 =	vcvt.f32.s32 v15;
	v46 =	vld.idx.msk [tilespmem:v20+s4+$0x0], $0xffff;
	vm7 =	vgt.s32 v1, v34;
	v31 =	vadd.f32 v31, v63;
	[tilespmem:s0+$0x180F0] =	vst v53  }
0x2b4: {  	v34 =	vsel vm7, v1, v34;
	v59 =	vadd.f32 v57, v3;
	v56 =	vld.idx.msk [tilespmem:v50+s4+$0x0], $0xffff;
	v26 =	vadd.f32 v55, v28  }
0x2b5: {  	vm15 =	vgt.s32 v1, v15;
	v34 =	vmin.u32 v2, v34;
	[tilespmem:s31+$0x18480] =	vst v31;
	v61 =	vadd.f32 v58, v3;
	v38 =	vld [tilespmem:s0+$0xA4A0]  }
0x2b6: {  	v10 =	vadd.f32 v10, v3;
	v15 =	vsel vm15, v1, v15;
	v31 =	vld.idx.msk [tilespmem:v50+s16+$0x0], $0xffff;
	v28 =	vtrunc.f32 v59;
	[tilespmem:s2+$0x180F0] =	vst v26  }
0x2b7: {  	vm13 =	vgt.s32 v1, v18;
	v36 =	vtrunc.f32 v61;
	v63 =	vcvt.f32.s32 v28;
	v40 =	vld.idx.msk [tilespmem:v35+s4+$0x0], $0xffff  }
0x2b8: {  	v18 =	vsel vm13, v1, v18;
	v62 =	vmul.f32 v29, v0;
	v41 =	vcvt.f32.s32 v36;
	v32 =	vld [tilespmem:s2+$0xA4A0]  }
0x2b9: {  	v9 =	vmul.f32 v46, v9;
	v30 =	vmul.f32 v56, v30;
	vm11 =	vgt.s32 v1, v63;
	v35 =	vld.idx.msk [tilespmem:v35+s16+$0x0], $0xffff  }
0x2ba: {  	v52 =	vld.idx.msk [tilespmem:v34+s4+$0x0], $0xffff;
	v42 =	vadd.f32 v62, v3;
	vm12 =	vgt.s32 v1, v41;
	v26 =	vsel vm11, v1, v63  }
0x2bb: {  	v23 =	vld [tilespmem:s31+$0xA4B0];
	v30 =	vadd.f32 v31, v30;
	v31 =	vsel vm12, v1, v41;
	v26 =	vmin.u32 v2, v26  }
0x2bc: {  	v24 =	vld [tilespmem:s2+$0xA4B0];
	v44 =	vmul.f32 v38, v0;
	v31 =	vmin.u32 v2, v31;
	v28 =	vmul.f32 v40, v33  }
0x2bd: {  	v18 =	vmin.u32 v2, v18;
	v34 =	vld.idx.msk [tilespmem:v34+s16+$0x0], $0xffff;
	v36 =	vtrunc.f32 v42;
	v45 =	vmul.f32 v32, v0  }
0x2be: {  	v19 =	vld [tilespmem:s31+$0xA4C0];
	v36 =	vcvt.f32.s32 v36;
	v33 =	vadd.f32 v44, v3;
	v28 =	vadd.f32 v35, v28  }
0x2bf: {  	v22 =	vld [tilespmem:s0+$0xA4B0];
	v9 =	vadd.f32 v43, v9;
	v60 =	vmul.f32 v52, v11;
	[tilespmem:s0+$0x18480] =	vst v30;
	v35 =	vadd.f32 v45, v3  }
0x2c0: {  	v52 =	vmul.f32 v23, v0;
	vm14 =	vgt.s32 v1, v36;
	v47 =	vld.idx.msk [tilespmem:v26+s4+$0x0], $0xffff;
	v33 =	vtrunc.f32 v33;
	[tilespmem:s2+$0x18480] =	vst v28  }
0x2c1: {  	v46 =	vsel vm14, v1, v36;
	v49 =	vcvt.f32.s32 v33;
	v51 =	vtrunc.f32 v35;
	v50 =	vld.idx.msk [tilespmem:v31+s4+$0x0], $0xffff  }
0x2c2: {  	v11 =	vadd.f32 v34, v60;
	v48 =	vmin.u32 v2, v46;
	v26 =	vld.idx.msk [tilespmem:v26+s16+$0x0], $0xffff;
	v34 =	vcvt.f32.s32 v51  }
0x2c3: {  	v10 =	vtrunc.f32 v10;
	v15 =	vmin.u32 v2, v15;
	vm4 =	vgt.s32 v1, v49;
	v31 =	vld.idx.msk [tilespmem:v31+s16+$0x0], $0xffff  }
0x2c4: {  	[tilespmem:s30+$0x184A0] =	vst v9;
	v21 =	vld [tilespmem:s2+$0xA4C0];
	v53 =	vadd.f32 v52, v3;
	v30 =	vsel vm4, v1, v49;
	vm5 =	vgt.s32 v1, v34  }
0x2c5: {  	v60 =	vld.idx.msk [tilespmem:v18+s4+$0x0], $0xffff;
	v25 =	vmul.f32 v47, v25;
	v30 =	vmin.u32 v2, v30;
	v54 =	vsel vm5, v1, v34  }
0x2c6: {  	v16 =	vld [tilespmem:s0+$0xA4C0];
	[tilespmem:s31+$0x18490] =	vst v11;
	v56 =	vmul.f32 v22, v0;
	v28 =	vmin.u32 v2, v54;
	v27 =	vmul.f32 v50, v27  }
0x2c7: {  	v58 =	vmul.f32 v24, v0;
	v62 =	vmul.f32 v19, v0;
	v55 =	vld.idx.msk [tilespmem:v48+s4+$0x0], $0xffff;
	v57 =	vadd.f32 v26, v25  }
0x2c8: {  	v18 =	vld.idx.msk [tilespmem:v18+s16+$0x0], $0xffff;
	v11 =	vtrunc.f32 v53;
	v61 =	vadd.f32 v56, v3;
	v59 =	vadd.f32 v31, v27  }
0x2c9: {  	v42 =	vmul.f32 v21, v0;
	v11 =	vcvt.f32.s32 v11;
	v20 =	vld.idx.msk [tilespmem:v48+s16+$0x0], $0xffff;
	v25 =	vadd.f32 v58, v3;
	[tilespmem:s0+$0x18490] =	vst v57  }
0x2ca: {  	v9 =	vadd.f32 v62, v3;
	v7 =	vmul.f32 v60, v7;
	v63 =	vld.idx.msk [tilespmem:v30+s4+$0x0], $0xffff;
	v31 =	vtrunc.f32 v61;
	[tilespmem:s2+$0x18490] =	vst v59  }
0x2cb: {  	vm6 =	vgt.s32 v1, v11;
	v25 =	vtrunc.f32 v25;
	v35 =	vcvt.f32.s32 v31;
	v36 =	vld.idx.msk [tilespmem:v28+s4+$0x0], $0xffff  }
0x2cc: {  	v11 =	vsel vm6, v1, v11;
	v29 =	vmul.f32 v55, v29;
	v30 =	vld.idx.msk [tilespmem:v30+s16+$0x0], $0xffff;
	v25 =	vcvt.f32.s32 v25  }
0x2cd: {  	v7 =	vadd.f32 v18, v7;
	v11 =	vmin.u32 v2, v11;
	vm7 =	vgt.s32 v1, v35;
	v37 =	vld.idx.msk [tilespmem:v28+s16+$0x0], $0xffff  }
0x2ce: {  	v17 =	vld [tilespmem:s31+$0xA4D0];
	v20 =	vadd.f32 v20, v29;
	vm8 =	vgt.s32 v1, v25;
	v26 =	vsel vm7, v1, v35  }
0x2cf: {  	v8 =	vld [tilespmem:s0+$0xA4D0];
	v25 =	vsel vm8, v1, v25;
	v38 =	vmul.f32 v63, v38;
	v26 =	vmin.u32 v2, v26  }
0x2d0: {  	v14 =	vld [tilespmem:s2+$0xA4D0];
	v39 =	vmul.f32 v16, v0;
	[tilespmem:s30+$0x184B0] =	vst v7;
	v25 =	vmin.u32 v2, v25;
	v40 =	vmul.f32 v36, v32  }
0x2d1: {  	v9 =	vtrunc.f32 v9;
	v43 =	vadd.f32 v42, v3;
	v48 =	vld.idx.msk [tilespmem:v15+s4+$0x0], $0xffff;
	[tilespmem:s31+$0x184A0] =	vst v20;
	v28 =	vadd.f32 v30, v38  }
0x2d2: {  	v9 =	vcvt.f32.s32 v9;
	v20 =	vadd.f32 v39, v3;
	v41 =	vld.idx.msk [tilespmem:v11+s4+$0x0], $0xffff;
	v27 =	vadd.f32 v37, v40  }
0x2d3: {  	v10 =	vcvt.f32.s32 v10;
	v18 =	vtrunc.f32 v43;
	v11 =	vld.idx.msk [tilespmem:v11+s16+$0x0], $0xffff;
	[tilespmem:s0+$0x184A0] =	vst v28  }
0x2d4: {  	vm9 =	vgt.s32 v1, v9;
	v18 =	vcvt.f32.s32 v18;
	v20 =	vtrunc.f32 v20;
	v45 =	vld.idx.msk [tilespmem:v26+s4+$0x0], $0xffff;
	[tilespmem:s2+$0x184A0] =	vst v27  }
0x2d5: {  	v52 =	vmul.f32 v14, v0;
	v9 =	vsel vm9, v1, v9;
	v20 =	vcvt.f32.s32 v20;
	v27 =	vld.idx.msk [tilespmem:v25+s4+$0x0], $0xffff  }
0x2d6: {  	v9 =	vmin.u32 v2, v9;
	vm12 =	vgt.s32 v1, v10;
	vm11 =	vgt.s32 v1, v18;
	v26 =	vld.idx.msk [tilespmem:v26+s16+$0x0], $0xffff  }
0x2d7: {  	v18 =	vsel vm11, v1, v18;
	vm10 =	vgt.s32 v1, v20;
	v23 =	vmul.f32 v41, v23;
	v25 =	vld.idx.msk [tilespmem:v25+s16+$0x0], $0xffff  }
0x2d8: {  	v44 =	vmul.f32 v17, v0;
	v49 =	vmul.f32 v8, v0;
	v47 =	vsel vm10, v1, v20  }
0x2d9: {  	v46 =	vadd.f32 v11, v23;
	v11 =	vmin.u32 v2, v47;
	v22 =	vmul.f32 v45, v22  }
0x2da: {  	v15 =	vld.idx.msk [tilespmem:v15+s16+$0x0], $0xffff;
	v18 =	vmin.u32 v2, v18;
	v28 =	vadd.f32 v44, v3;
	v50 =	vmul.f32 v27, v24  }
0x2db: {  	v10 =	vsel vm12, v1, v10;
	v7 =	vadd.f32 v49, v3;
	[tilespmem:s31+$0x184B0] =	vst v46;
	v22 =	vadd.f32 v26, v22  }
0x2dc: {  	v6 =	vmul.f32 v48, v6;
	v51 =	vld.idx.msk [tilespmem:v9+s4+$0x0], $0xffff;
	v53 =	vtrunc.f32 v28;
	v23 =	vadd.f32 v25, v50  }
0x2dd: {  	v7 =	vtrunc.f32 v7;
	v9 =	vld.idx.msk [tilespmem:v9+s16+$0x0], $0xffff;
	v3 =	vadd.f32 v52, v3;
	v54 =	vcvt.f32.s32 v53;
	[tilespmem:s0+$0x184B0] =	vst v22  }
0x2de: {  	v10 =	vmin.u32 v2, v10;
	v7 =	vcvt.f32.s32 v7;
	v55 =	vld.idx.msk [tilespmem:v11+s4+$0x0], $0xffff;
	[tilespmem:s2+$0x184B0] =	vst v23  }
0x2df: {  	v6 =	vadd.f32 v15, v6;
	v3 =	vtrunc.f32 v3;
	vm13 =	vgt.s32 v1, v54;
	v56 =	vld.idx.msk [tilespmem:v18+s4+$0x0], $0xffff  }
0x2e0: {  	vm14 =	vgt.s32 v1, v7;
	v3 =	vcvt.f32.s32 v3;
	v57 =	vsel vm13, v1, v54;
	v11 =	vld.idx.msk [tilespmem:v11+s16+$0x0], $0xffff  }
0x2e1: {  	v7 =	vsel vm14, v1, v7;
	v19 =	vmul.f32 v51, v19;
	v58 =	vmin.u32 v2, v57;
	v18 =	vld.idx.msk [tilespmem:v18+s16+$0x0], $0xffff  }
0x2e2: {  	v59 =	vmin.u32 v2, v7;
	vm15 =	vgt.s32 v1, v3  }
0x2e3: {  	[tilespmem:s30+$0x184C0] =	vst v6;
	v9 =	vadd.f32 v9, v19;
	v1 =	vsel vm15, v1, v3;
	v60 =	vmul.f32 v55, v16  }
0x2e4: {  	v3 =	vld.idx.msk [tilespmem:v10+s4+$0x0], $0xffff;
	v1 =	vmin.u32 v2, v1;
	v2 =	vmul.f32 v56, v21  }
0x2e5: {  	[tilespmem:s31+$0x184C0] =	vst v9;
	v10 =	vld.idx.msk [tilespmem:v10+s16+$0x0], $0xffff;
	v7 =	vadd.f32 v11, v60  }
0x2e6: {  	v9 =	vld.idx.msk [tilespmem:v58+s4+$0x0], $0xffff;
	v2 =	vadd.f32 v18, v2  }
0x2e7: {  	v61 =	vld.idx.msk [tilespmem:v58+s16+$0x0], $0xffff;
	[tilespmem:s0+$0x184C0] =	vst v7  }
0x2e8: {  	v7 =	vld.idx.msk [tilespmem:v59+s4+$0x0], $0xffff;
	[tilespmem:s2+$0x184C0] =	vst v2  }
0x2e9: {  	v2 =	vld.idx.msk [tilespmem:v1+s4+$0x0], $0xffff  }
0x2ea: {  	v4 =	vmul.f32 v12, v4;
	v6 =	vld.idx.msk [tilespmem:v59+s16+$0x0], $0xffff  }
0x2eb: {  	v3 =	vmul.f32 v3, v5;
	v1 =	vld.idx.msk [tilespmem:v1+s16+$0x0], $0xffff  }
0x2ec: {  	v4 =	vadd.f32 v13, v4;
	v62 =	vmul.f32 v9, v17  }
0x2ed: {  	v3 =	vadd.f32 v10, v3;
	v7 =	vmul.f32 v7, v8  }
0x2ee: {  	s5 =	smul.u32 $0xE000, s28;
	p0 =	seq.s32 s26, $0xB;
	[tilespmem:s29+$0x184D0] =	vst v4;
	v63 =	vadd.f32 v61, v62;
	v2 =	vmul.f32 v2, v14  }
.Ltmp7:
0x2ef: {  	[tilespmem:s30+$0x184D0] =	vst v3;
	v3 =	vadd.f32 v6, v7;
	(pc) =	sbr.rel @p0 .LBB2_12-.Ltmp7, $4  }
0x2f0: {  	s5 =	sshrl.u32 s5, $0x3;
	[tilespmem:s31+$0x184D0] =	vst v63;
	v1 =	vadd.f32 v1, v2  }
0x2f1: {  	s31 =	sadd.s32 s3, s5;
	[tilespmem:s0+$0x184D0] =	vst v3  }
0x2f2: {  	s0 =	sadd.s32 $0xE00, s31;
	[tilespmem:s2+$0x184D0] =	vst v1  }
0x2f3: {  	[hbm4b:s0+s4] =	stream.linear.scatter [tilespmem:s22], [sflag:$0x4], $0x7000, $0x38;
	[tilespmem:$0x1F080] =	vst v63  }
0x2f4: {  	s0 =	sadd.s32 s26, s11  }
0x2f5: {  	s0 =	smul.u32 $0xE000, s0  }
.Ltmp8:
0x2f6: {  	_ = 	snop;
	(pc) =	sbr.rel .LBB2_2-.Ltmp8, $4  }
0x2f7: {  	s0 =	sshrl.u32 s0, $0x3  }
0x2f8: {  	s0 =	sadd.s32 s1, s0  }
0x2f9: {  	s26 =	sadd.s32 $0x1, s26;
	s0 =	sadd.s32 $0xE00, s0  }
0x2fa: {  	[tilespmem:s14], [sflag:$0x2] =	stream.linear.gather [hbm4b:s0+s4], $0x7000, $0x38;
	[tilespmem:$0x1F080] =	vst v63  }
.LBB2_13:
0x2fb: {  	_ =	sfence.sel $0x180000  }
0x2fc: {  	[bflag:$0x0] =	sbarrier.arrive $0xFFFF  }
0x2fd: {  	_ =	strace $0x90000047  }
0x2fe: {  	s0 =	stileid.u32;
	[bflag:$0x2] =	sbarrier.arrive $0xFFFF  }
0x2ff: {  	p0 =	sne.s32 s0, $0x0;
	s0 =	rddreg [dreg:$0x3]  }
0x300: {  	s0 =	sadd.s32 @!p0 $0x100000, s0  }
0x301: {  	[sflag:s0] =	ssyncadd.tile.s32 @!p0 $0x1;
	_ =	shalt  }
.Lfunc_end2:
_tile_overlayer_lowered:
.L_overlay_start_2:
0x302: {  	(tag) =	ssettag $0x2  }
0x303: {  	s0 =	rddreg [dreg:$0x0];
	s2 =	stileid.u32  }
0x304: {  	s1 =	rddreg [dreg:$0x1];
	p0 =	sne.s32 s2, $0x0  }
0x305: {  	s3 =	rddreg [dreg:$0x2];
	[bflag:$0x3] =	sbarrier.arrive $0xFFFF;
	s2 =	simm.s32 @!p0 $0x1C05  }
0x306: {  	[timem:s3], [sflag:s2] =	dma.local @!p0 [hbm:s0], s1  }
0x307: {  	s0 =	simm.s32 @!p0 $0x5  }
0x308: {  	_ =	swait.ge @!p0 [sflag:s0], s1  }
0x309: {  	s1 =	ssub.s32 @!p0 $0x0, s1;
	[sflag:s0] =	ssyncset.done @!p0 $0x0  }
0x30a: {  	[sflag:s0] =	ssyncadd.s32 @!p0 s1  }
0x30b: {  	[bflag:$0x3] =	sbarrier.arrive $0xFFFF  }
0x30c: {  	_ =	shalt  }

</sc_bundles>
